<compile_context>
chip_gen: v7x
topology: tpu7x:2x2x1
jax: 0.10.2.dev20260603
libtpu: 0.0.44.dev20260713+nightly
codegen_flags: <defaults>
</compile_context>

<pallas_src>
import functools
import jax
import jax.numpy as jnp
from jax import lax
from jax.experimental import pallas as pl
from jax.experimental.pallas import tpu as pltpu
from jax.experimental.pallas import tpu_sc as plsc

N = 10000
E = 320000
D = 128
A = 4
FE = 8
FM = 16
HID = 64
TW = 256

NC = 2
NS = 16
NW = NC * NS
CH = 80

BN1 = 1000


def _table_body(nf_ref, wup_ref, mm_ref, ma_ref, out_ref):
    nf = jnp.dot(nf_ref[...], wup_ref[...],
                 preferred_element_type=jnp.float32) / jnp.sqrt(jnp.float32(D))
    pad = jnp.zeros((BN1, D - FM - 1), jnp.float32)
    b = jnp.concatenate([mm_ref[...], ma_ref[...], pad], axis=1)
    au = jax.lax.bitcast_convert_type(
        nf.astype(jnp.bfloat16).astype(jnp.float32), jnp.uint32)
    bu = jax.lax.bitcast_convert_type(
        b.astype(jnp.bfloat16).astype(jnp.float32), jnp.uint32)
    out_ref[...] = jax.lax.bitcast_convert_type(au | (bu >> 16), jnp.float32)


def _build_table(node_feats, w_up_scaled, mm_feats, ma_attrs):
    return pl.pallas_call(
        _table_body,
        grid=(N // BN1,),
        in_specs=[
            pl.BlockSpec((BN1, D), lambda i: (i, 0)),
            pl.BlockSpec((D, D), lambda i: (0, 0)),
            pl.BlockSpec((BN1, FM), lambda i: (i, 0)),
            pl.BlockSpec((BN1, 1), lambda i: (i, 0)),
        ],
        out_specs=pl.BlockSpec((BN1, D), lambda i: (i, 0)),
        out_shape=jax.ShapeDtypeStruct((N, D), jnp.float32),
    )(node_feats, w_up_scaled, mm_feats, ma_attrs)


@functools.lru_cache(maxsize=None)
def _sc_mesh():
    return plsc.VectorSubcoreMesh(core_axis_name="c", subcore_axis_name="s",
                                  num_cores=NC, num_subcores=NS)


_PER_W = E // NW
_GITER = _PER_W // CH


NBUF = 5
_GROUNDS = _GITER // NBUF


def _gather_body(sender_hbm, table_hbm, out_hbm, *scr):
    idx_v = scr[0:NBUF]
    rows_v = scr[NBUF:2 * NBUF]
    isem = scr[2 * NBUF]
    gsem = scr[2 * NBUF + 1]
    osem = scr[2 * NBUF + 2]
    c = lax.axis_index("c")
    s = lax.axis_index("s")
    wid = s * NC + c
    base = wid * _PER_W

    def idx_start(i, b):
        pltpu.make_async_copy(sender_hbm.at[pl.ds(base + i * CH, CH)],
                              idx_v[b], isem[b]).start()

    for b in range(NBUF):
        idx_start(b, b)

    def round_step(g, carry):
        for b in range(NBUF):
            i = g * NBUF + b
            pltpu.make_async_copy(sender_hbm.at[pl.ds(base, CH)], idx_v[b],
                                  isem[b]).wait()
            pltpu.make_async_copy(table_hbm.at[idx_v[b]], rows_v[b],
                                  gsem[b]).start()
        for b in range(NBUF):
            i = g * NBUF + b
            pltpu.make_async_copy(table_hbm.at[idx_v[b]], rows_v[b],
                                  gsem[b]).wait()
            pltpu.make_async_copy(rows_v[b], out_hbm.at[pl.ds(base + i * CH, CH)],
                                  osem[b]).start()
        for b in range(NBUF):
            i = g * NBUF + b
            pltpu.make_async_copy(rows_v[b], out_hbm.at[pl.ds(base + i * CH, CH)],
                                  osem[b]).wait()

            @pl.when(g < _GROUNDS - 1)
            def _():
                idx_start(i + NBUF, b)
        return carry

    lax.fori_loop(0, _GROUNDS, round_step, 0)


@functools.lru_cache(maxsize=None)
def _gather_kernel():
    return pl.kernel(
        _gather_body,
        out_type=jax.ShapeDtypeStruct((E, D), jnp.float32),
        mesh=_sc_mesh(),
        scratch_types=(
            [pltpu.VMEM((CH,), jnp.int32) for _ in range(NBUF)]
            + [pltpu.VMEM((CH, D), jnp.float32) for _ in range(NBUF)]
            + [[pltpu.SemaphoreType.DMA for _ in range(NBUF)] for _ in range(3)]
        ),
    )


def _gather(sender, table):
    return _gather_kernel()(sender, table)


BE = 512


def _mlp_layer(x, w_ref, act):
    h = jnp.dot(x, w_ref[...], preferred_element_type=jnp.float32)
    h = h / jnp.sqrt(jnp.float32(w_ref.shape[0]))
    if act:
        h = h * jax.nn.sigmoid(h)
    return h


def _edge_body(g_ref, ef_ref, ea_ref, w1a_ref, w1b_ref, w1c_ref, w1d_ref,
               w2a_ref, w2b_ref, w2c_ref, w2d_ref, wd_ref,
               out1_ref, out2_ref, dens_ref):
    u = jax.lax.bitcast_convert_type(g_ref[...], jnp.uint32)
    nfs = jax.lax.bitcast_convert_type(u & jnp.uint32(0xFFFF0000), jnp.float32)
    rest = jax.lax.bitcast_convert_type(u << 16, jnp.float32)
    mm = rest[:, :FM]
    ma = rest[:, FM:FM + 1]
    ef = ef_ref[...]
    ea = ea_ref[...]

    efm = jnp.concatenate([ef, mm], axis=1)
    h = _mlp_layer(efm, w1a_ref, True)
    h = _mlp_layer(h, w1b_ref, True)
    h = _mlp_layer(h, w1c_ref, True)
    t = _mlp_layer(h, w1d_ref, False)
    u = _mlp_layer(efm, w2a_ref, False)
    u = _mlp_layer(u, w2b_ref, False)
    u = _mlp_layer(u, w2c_ref, False)
    u = _mlp_layer(u, w2d_ref, False)

    q = nfs * ea * t
    mmji = nfs * ma * u * q
    out1_ref[...] = q * mmji
    out2_ref[...] = mmji
    efb = ef.astype(jnp.bfloat16).astype(jnp.float32)
    wdb = wd_ref[...].astype(jnp.bfloat16).astype(jnp.float32)
    dv = jnp.sum(efb * wdb, axis=1) / jnp.sqrt(jnp.float32(FE))
    dens_ref[...] = jnp.tanh(dv * dv)


def _edge_compute(g, edge_feats, edge_attrs, w1a, w1b, w1c, w1d,
                  w2a, w2b, w2c, w2d, wd_row):
    return pl.pallas_call(
        _edge_body,
        grid=(E // BE,),
        in_specs=[
            pl.BlockSpec((BE, D), lambda i: (i, 0)),
            pl.BlockSpec((BE, FE), lambda i: (i, 0)),
            pl.BlockSpec((BE, 1), lambda i: (i, 0)),
            pl.BlockSpec((FE + FM, HID), lambda i: (0, 0)),
            pl.BlockSpec((HID, HID), lambda i: (0, 0)),
            pl.BlockSpec((HID, HID), lambda i: (0, 0)),
            pl.BlockSpec((HID, D), lambda i: (0, 0)),
            pl.BlockSpec((FE + FM, HID), lambda i: (0, 0)),
            pl.BlockSpec((HID, HID), lambda i: (0, 0)),
            pl.BlockSpec((HID, HID), lambda i: (0, 0)),
            pl.BlockSpec((HID, D), lambda i: (0, 0)),
            pl.BlockSpec((1, FE), lambda i: (0, 0)),
        ],
        out_specs=[
            pl.BlockSpec((BE, D), lambda i: (i, 0)),
            pl.BlockSpec((BE, D), lambda i: (i, 0)),
            pl.BlockSpec((BE,), lambda i: (i,)),
        ],
        out_shape=[
            jax.ShapeDtypeStruct((E, D), jnp.float32),
            jax.ShapeDtypeStruct((E, D), jnp.float32),
            jax.ShapeDtypeStruct((E,), jnp.float32),
        ],
    )(g, edge_feats, edge_attrs, w1a, w1b, w1c, w1d, w2a, w2b, w2c, w2d, wd_row)


_PER_S = E // NS
_SITER = _PER_S // CH
_RT = 640


CH_S = 40
_SITER_S = _PER_S // CH_S
_SROUNDS = _SITER_S // NBUF


def _scatter_body(recv_hbm, e1_hbm, e2_hbm, d_hbm, z2_hbm, z1_hbm,
                  acc1_hbm, acc2_hbm, dsum_hbm, *scr):
    acc_s = scr[0]
    accd_s = scr[1]
    idx_v = scr[2:2 + NBUF]
    rows_v = scr[2 + NBUF:2 + 2 * NBUF]
    dens_v = scr[2 + 2 * NBUF:2 + 3 * NBUF]
    isem = scr[2 + 3 * NBUF]
    rsem = scr[2 + 3 * NBUF + 1]
    dsem = scr[2 + 3 * NBUF + 2]
    asem = scr[2 + 3 * NBUF + 3]
    a2sem = scr[2 + 3 * NBUF + 4]
    c = lax.axis_index("c")
    s = lax.axis_index("s")
    r0 = s * _RT
    @pl.when(s < NS - 1)
    def _():
        pltpu.sync_copy(z2_hbm.at[pl.ds(r0, _RT)], acc_s.at[pl.ds(r0, _RT)])

    @pl.when(s == NS - 1)
    def _():
        last = _RT * (NS - 1)
        pltpu.sync_copy(z2_hbm.at[pl.ds(last, N - last)],
                        acc_s.at[pl.ds(last, N - last)])

    @pl.when((c == 0) & (s == 0))
    def _():
        pltpu.sync_copy(z1_hbm, accd_s)

    plsc.subcore_barrier()

    base = s * _PER_S

    def run_core(e_hbm, with_dens):
        def dma_start(i, b):
            off = base + i * CH_S
            pltpu.make_async_copy(recv_hbm.at[pl.ds(off, CH_S)], idx_v[b],
                                  isem[b]).start()
            pltpu.make_async_copy(e_hbm.at[pl.ds(off, CH_S)], rows_v[b],
                                  rsem[b]).start()
            if with_dens:
                pltpu.make_async_copy(d_hbm.at[pl.ds(off, CH_S)], dens_v[b],
                                      dsem[b]).start()

        for b in range(NBUF):
            dma_start(b, b)

        def round_step(g, carry):
            for b in range(NBUF):
                pltpu.make_async_copy(recv_hbm.at[pl.ds(base, CH_S)], idx_v[b],
                                      isem[b]).wait()
                pltpu.make_async_copy(e_hbm.at[pl.ds(base, CH_S)], rows_v[b],
                                      rsem[b]).wait()
                pltpu.make_async_copy(rows_v[b], acc_s.at[idx_v[b]],
                                      asem[b]).start(add=True)
                if with_dens:
                    pltpu.make_async_copy(d_hbm.at[pl.ds(base, CH_S)], dens_v[b],
                                          dsem[b]).wait()
                    pltpu.make_async_copy(dens_v[b], accd_s.at[idx_v[b]],
                                          a2sem[b]).start(add=True)
            for b in range(NBUF):
                i = g * NBUF + b
                pltpu.make_async_copy(rows_v[b], acc_s.at[idx_v[b]],
                                      asem[b]).wait()
                if with_dens:
                    pltpu.make_async_copy(dens_v[b], accd_s.at[idx_v[b]],
                                          a2sem[b]).wait()

                @pl.when(g < _SROUNDS - 1)
                def _():
                    dma_start(i + NBUF, b)
            return carry

        lax.fori_loop(0, _SROUNDS, round_step, 0)

    @pl.when(c == 0)
    def _():
        run_core(e1_hbm, True)

    @pl.when(c == 1)
    def _():
        run_core(e2_hbm, False)

    plsc.subcore_barrier()

    @pl.when((c == 0) & (s < NS - 1))
    def _():
        pltpu.sync_copy(acc_s.at[pl.ds(r0, _RT)], acc1_hbm.at[pl.ds(r0, _RT)])

    @pl.when((c == 0) & (s == NS - 1))
    def _():
        last = _RT * (NS - 1)
        pltpu.sync_copy(acc_s.at[pl.ds(last, N - last)],
                        acc1_hbm.at[pl.ds(last, N - last)])

    @pl.when((c == 0) & (s == 0))
    def _():
        pltpu.sync_copy(accd_s, dsum_hbm)

    @pl.when((c == 1) & (s < NS - 1))
    def _():
        pltpu.sync_copy(acc_s.at[pl.ds(r0, _RT)], acc2_hbm.at[pl.ds(r0, _RT)])

    @pl.when((c == 1) & (s == NS - 1))
    def _():
        last = _RT * (NS - 1)
        pltpu.sync_copy(acc_s.at[pl.ds(last, N - last)],
                        acc2_hbm.at[pl.ds(last, N - last)])


@functools.lru_cache(maxsize=None)
def _scatter_kernel():
    return pl.kernel(
        _scatter_body,
        out_type=(
            jax.ShapeDtypeStruct((N, D), jnp.float32),
            jax.ShapeDtypeStruct((N, D), jnp.float32),
            jax.ShapeDtypeStruct((N,), jnp.float32),
        ),
        mesh=_sc_mesh(),
        scratch_types=(
            [pltpu.VMEM_SHARED((N, D), jnp.float32),
             pltpu.VMEM_SHARED((N,), jnp.float32)]
            + [pltpu.VMEM((CH_S,), jnp.int32) for _ in range(NBUF)]
            + [pltpu.VMEM((CH_S, D), jnp.float32) for _ in range(NBUF)]
            + [pltpu.VMEM((CH_S,), jnp.float32) for _ in range(NBUF)]
            + [[pltpu.SemaphoreType.DMA for _ in range(NBUF)] for _ in range(5)]
        ),
    )


def _scatter(recv, out1, out2, dens, z2, z1):
    return _scatter_kernel()(recv, out1, out2, dens, z2, z1)


BN5 = 1000


def _final_body(a1_ref, a2_ref, d_ref, attrs_ref, wlin_ref, wmlin_ref,
                wskip_ref, wmskip_ref, o1_ref, o2_ref):
    sqd = jnp.sqrt(jnp.float32(D))
    sqda = jnp.sqrt(jnp.float32(D * A))
    msg = jnp.dot(a1_ref[...], wlin_ref[...],
                  preferred_element_type=jnp.float32) / sqd
    msg = msg / (d_ref[...] + 1.0)
    mmsg = jnp.dot(a2_ref[...], wmlin_ref[...],
                   preferred_element_type=jnp.float32) / sqd
    mmsg = mmsg / 32.0
    attrs = attrs_ref[...]
    s1 = jnp.dot(msg, wskip_ref[...], preferred_element_type=jnp.float32)
    s2 = jnp.dot(mmsg, wmskip_ref[...], preferred_element_type=jnp.float32)
    o1 = jnp.zeros((BN5, D), jnp.float32)
    o2 = jnp.zeros((BN5, D), jnp.float32)
    for v in range(A):
        av = attrs[:, v:v + 1]
        o1 = o1 + av * s1[:, v * D:(v + 1) * D]
        o2 = o2 + av * s2[:, v * D:(v + 1) * D]
    o1_ref[...] = o1 / sqda
    o2_ref[...] = o2 / sqda


def _finalize(acc1, acc2, dens2d, node_attrs, wlin, wmlin, wskip_r, wmskip_r):
    return pl.pallas_call(
        _final_body,
        grid=(N // BN5,),
        in_specs=[
            pl.BlockSpec((BN5, D), lambda i: (i, 0)),
            pl.BlockSpec((BN5, D), lambda i: (i, 0)),
            pl.BlockSpec((BN5, 1), lambda i: (i, 0)),
            pl.BlockSpec((BN5, A), lambda i: (i, 0)),
            pl.BlockSpec((D, D), lambda i: (0, 0)),
            pl.BlockSpec((D, D), lambda i: (0, 0)),
            pl.BlockSpec((D, A * D), lambda i: (0, 0)),
            pl.BlockSpec((D, A * D), lambda i: (0, 0)),
        ],
        out_specs=[
            pl.BlockSpec((BN5, D), lambda i: (i, 0)),
            pl.BlockSpec((BN5, D), lambda i: (i, 0)),
        ],
        out_shape=[
            jax.ShapeDtypeStruct((N, D), jnp.float32),
            jax.ShapeDtypeStruct((N, D), jnp.float32),
        ],
    )(acc1, acc2, dens2d, node_attrs, wlin, wmlin, wskip_r, wmskip_r)


def kernel(node_attrs, node_feats, edge_attrs, edge_feats, edge_index,
           magmom_node_inv_feats, magmom_node_attrs, W_up, W1a, W1b, W1c, W1d,
           W2a, W2b, W2c, W2d, Wd, W_lin, W_mlin, W_skip, W_mskip):
    f32 = jnp.float32
    wd_row = Wd.reshape(1, FE)
    wskip_r = W_skip.reshape(D, A * D)
    wmskip_r = W_mskip.reshape(D, A * D)

    sender = edge_index[0]
    receiver = edge_index[1]

    table = _build_table(node_feats, W_up, magmom_node_inv_feats, magmom_node_attrs)
    g = _gather(sender, table)
    out1, out2, dens = _edge_compute(g, edge_feats, edge_attrs,
                                     W1a, W1b, W1c, W1d, W2a, W2b, W2c, W2d,
                                     wd_row)
    z2 = jnp.zeros((N, D), f32)
    z1 = jnp.zeros((N,), f32)
    acc1, acc2, dsum = _scatter(receiver, out1, out2, dens, z2, z1)
    o1, o2 = _finalize(acc1, acc2, dsum.reshape(N, 1), node_attrs,
                       W_lin, W_mlin, wskip_r, wmskip_r)
    return (o1.reshape(N, D, 1), o2.reshape(N, D, 1))

# --- scband reference (transcript-rebuilt; emitter-appended) ---
"""Pipeline reference for scband-magnetic-real-agnostic-flexible-spin-orbit-coupled-density-interaction-block-42125039239751 (READ-ONLY COPY).

The authoritative reference and input builder live on the scoring server;
editing this copy changes nothing except your own understanding.
"""

import jax, jax.numpy as jnp
import numpy as np

N = 10000
E = 320000
D = 128
A = 4
FE = 8
FM = 16
HID = 64

def _mlp(x, Ws, act):
    for i, W in enumerate(Ws):
        x = x @ W / jnp.sqrt(float(W.shape[0]))
        if act is not None and i < len(Ws) - 1:
            x = act(x)
    return x

def setup_inputs(seed: int = 0):
    key = jax.random.key(seed)
    ks = jax.random.split(key, 24)
    inp = {}
    inp["node_attrs"] = jax.random.uniform(ks[0], (N, A), dtype=jnp.float32)
    inp["node_feats"] = jax.random.normal(ks[1], (N, D), dtype=jnp.float32)
    inp["edge_attrs"] = jax.random.normal(ks[2], (E, 1), dtype=jnp.float32)
    inp["edge_feats"] = jax.random.normal(ks[3], (E, FE), dtype=jnp.float32)
    inp["edge_index"] = jax.random.randint(ks[4], (2, E), 0, N, dtype=jnp.int32)
    inp["magmom_node_inv_feats"] = jax.random.normal(ks[5], (N, FM), dtype=jnp.float32)
    inp["magmom_node_attrs"] = jax.random.normal(ks[6], (N, 1), dtype=jnp.float32)
    din = FE + FM
    inp["W_up"] = jax.random.normal(ks[7], (D, D), dtype=jnp.float32)
    inp["W1a"] = jax.random.normal(ks[8], (din, HID), dtype=jnp.float32)
    inp["W1b"] = jax.random.normal(ks[9], (HID, HID), dtype=jnp.float32)
    inp["W1c"] = jax.random.normal(ks[10], (HID, HID), dtype=jnp.float32)
    inp["W1d"] = jax.random.normal(ks[11], (HID, D), dtype=jnp.float32)
    inp["W2a"] = jax.random.normal(ks[12], (din, HID), dtype=jnp.float32)
    inp["W2b"] = jax.random.normal(ks[13], (HID, HID), dtype=jnp.float32)
    inp["W2c"] = jax.random.normal(ks[14], (HID, HID), dtype=jnp.float32)
    inp["W2d"] = jax.random.normal(ks[15], (HID, D), dtype=jnp.float32)
    inp["Wd"] = jax.random.normal(ks[16], (FE, 1), dtype=jnp.float32)
    inp["W_lin"] = jax.random.normal(ks[17], (D, D), dtype=jnp.float32)
    inp["W_mlin"] = jax.random.normal(ks[18], (D, D), dtype=jnp.float32)
    inp["W_skip"] = jax.random.normal(ks[19], (D, A, D), dtype=jnp.float32)
    inp["W_mskip"] = jax.random.normal(ks[20], (D, A, D), dtype=jnp.float32)
    return inp

def reference(node_attrs, node_feats, edge_attrs, edge_feats, edge_index, magmom_node_inv_feats, magmom_node_attrs, W_up, W1a, W1b, W1c, W1d, W2a, W2b, W2c, W2d, Wd, W_lin, W_mlin, W_skip, W_mskip):
    sender = edge_index[0]
    receiver = edge_index[1]
    num_nodes = node_feats.shape[0]
    num_k = D
    # linear_up: o3.Linear 128x0e -> 128x0e (fan_in normalized)
    nf = node_feats @ W_up / jnp.sqrt(float(D))
    # gather invariant magmom feats of sender nodes, concat with radial edge feats
    mm_j = magmom_node_inv_feats[sender]
    efm = jnp.concatenate([edge_feats, mm_j], axis=-1)
    # radial MLP (silu hidden) producing per-edge tensor-product weights
    tp_w = _mlp(efm, [W1a, W1b, W1c, W1d], jax.nn.silu)
    # density head: single linear layer, then tanh(h^2)
    edge_density = jnp.tanh((edge_feats @ Wd / jnp.sqrt(float(FE))) ** 2)
    nf_s = nf[sender]
    # conv_tp with scalar irreps (128x0e x 1x0e -> 128x0e, uvu): elementwise weighted product
    pre_mji = nf_s * edge_attrs * tp_w
    # magmom radial MLP (no activation)
    tp_wm = _mlp(efm, [W2a, W2b, W2c, W2d], None)
    # reshape (E, num_k, lmax_magmom+1=1), modulate by pre_mji
    tp_wm = tp_wm.reshape(-1, num_k, 1) * pre_mji[:, :num_k][:, :, None]
    tp_wm = tp_wm.reshape(tp_wm.shape[0], -1)
    # magmom_conv_tp: 128x0e x 1x0e -> 128x0e with per-edge weights
    magmom_mji = nf_s * magmom_node_attrs[sender] * tp_wm
    # modulate conv_tp weights by magmom_mji and redo conv_tp
    tp_w2 = tp_w.reshape(-1, num_k, 1) * magmom_mji[:, :num_k][:, :, None]
    tp_w2 = tp_w2.reshape(tp_w2.shape[0], -1)
    mji = nf_s * edge_attrs * tp_w2
    # scatter-sum messages onto receiver nodes
    density = jax.ops.segment_sum(edge_density, receiver, num_segments=num_nodes)
    msg = jax.ops.segment_sum(mji, receiver, num_segments=num_nodes)
    mmsg = jax.ops.segment_sum(magmom_mji, receiver, num_segments=num_nodes)
    # linear + density normalization + skip fully-connected TP with node_attrs
    msg = (msg @ W_lin / jnp.sqrt(float(D))) / (density + 1.0)
    msg = jnp.einsum('ik,iv,kvo->io', msg, node_attrs, W_skip) / jnp.sqrt(float(D * A))
    mmsg = (mmsg @ W_mlin / jnp.sqrt(float(D))) / 32.0
    mmsg = jnp.einsum('ik,iv,kvo->io', mmsg, node_attrs, W_mskip) / jnp.sqrt(float(D * A))
    # reshape_irreps: (N, 128) -> (N, 128, 1) for 128x0e
    return (msg.reshape(num_nodes, D, 1), mmsg.reshape(num_nodes, D, 1))

if __name__ == "__main__":
    import jax
    _d = setup_inputs()
    print(jax.jit(kernel)(*tuple(_d.values())))

</pallas_src>

<mosaic_0001>
#map = affine_map<(d0, d1) -> (0)>
#map1 = affine_map<(d0, d1) -> (0, 0)>
module attributes {stable_mosaic.version = 14 : i64} {
  func.func @_gather_body(%arg0: i32, %arg1: i32, %arg2: memref<320000xi32, #tpu.memory_space<hbm>>, %arg3: memref<10000x128xf32, #tpu.memory_space<hbm>>, %arg4: memref<320000x128xf32, #tpu.memory_space<hbm>>, %arg5: memref<80xi32, #tpu.memory_space<vmem>>, %arg6: memref<80xi32, #tpu.memory_space<vmem>>, %arg7: memref<80xi32, #tpu.memory_space<vmem>>, %arg8: memref<80xi32, #tpu.memory_space<vmem>>, %arg9: memref<80xi32, #tpu.memory_space<vmem>>, %arg10: memref<80x128xf32, #tpu.memory_space<vmem>>, %arg11: memref<80x128xf32, #tpu.memory_space<vmem>>, %arg12: memref<80x128xf32, #tpu.memory_space<vmem>>, %arg13: memref<80x128xf32, #tpu.memory_space<vmem>>, %arg14: memref<80x128xf32, #tpu.memory_space<vmem>>, %arg15: memref<!tpu.dma_semaphore, #tpu.memory_space<semaphore_mem>>, %arg16: memref<!tpu.dma_semaphore, #tpu.memory_space<semaphore_mem>>, %arg17: memref<!tpu.dma_semaphore, #tpu.memory_space<semaphore_mem>>, %arg18: memref<!tpu.dma_semaphore, #tpu.memory_space<semaphore_mem>>, %arg19: memref<!tpu.dma_semaphore, #tpu.memory_space<semaphore_mem>>, %arg20: memref<!tpu.dma_semaphore, #tpu.memory_space<semaphore_mem>>, %arg21: memref<!tpu.dma_semaphore, #tpu.memory_space<semaphore_mem>>, %arg22: memref<!tpu.dma_semaphore, #tpu.memory_space<semaphore_mem>>, %arg23: memref<!tpu.dma_semaphore, #tpu.memory_space<semaphore_mem>>, %arg24: memref<!tpu.dma_semaphore, #tpu.memory_space<semaphore_mem>>, %arg25: memref<!tpu.dma_semaphore, #tpu.memory_space<semaphore_mem>>, %arg26: memref<!tpu.dma_semaphore, #tpu.memory_space<semaphore_mem>>, %arg27: memref<!tpu.dma_semaphore, #tpu.memory_space<semaphore_mem>>, %arg28: memref<!tpu.dma_semaphore, #tpu.memory_space<semaphore_mem>>, %arg29: memref<!tpu.dma_semaphore, #tpu.memory_space<semaphore_mem>>) attributes {dimension_semantics = [#tpu.dimension_semantics<core_parallel>, #tpu.dimension_semantics<subcore_parallel>], iteration_bounds = array<i64: 2, 16>, scalar_prefetch = 0 : i64, scratch_operands = 25 : i64, tpu.core_type = #tpu.core_type<sc_vector_subcore>, window_params = [{transform_indices = #map}, {transform_indices = #map1}, {transform_indices = #map1}]} {
    %mul3A = arith.constant 2 : i32
    %mul3A_0 = arith.muli %arg1, %mul3A : i32
    %add3A = arith.addi %mul3A_0, %arg0 : i32
    %mul3A_1 = arith.constant 10000 : i32
    %mul3A_2 = arith.muli %add3A, %mul3A_1 : i32
    %add3A_3 = arith.constant 0 : i32
    %add3A_4 = arith.addi %mul3A_2, %add3A_3 : i32
    %dma_start3A = tpu.memref_slice %arg2[%add3A_4] : memref<320000xi32, #tpu.memory_space<hbm>> -> memref<80xi32, #tpu.memory_space<hbm>>
    %dma_start3A_5 = tpu.memref_slice %arg2[%add3A_4] : memref<320000xi32, #tpu.memory_space<hbm>> -> memref<80xi32, #tpu.memory_space<hbm>>
    tpu.enqueue_dma source(%dma_start3A_5 : memref<80xi32, #tpu.memory_space<hbm>>) target(%arg5 : memref<80xi32, #tpu.memory_space<vmem>>) target_semaphore(%arg15 : memref<!tpu.dma_semaphore, #tpu.memory_space<semaphore_mem>>)
    %add3A_6 = arith.constant 80 : i32
    %add3A_7 = arith.addi %mul3A_2, %add3A_6 : i32
    %dma_start3A_8 = tpu.memref_slice %arg2[%add3A_7] : memref<320000xi32, #tpu.memory_space<hbm>> -> memref<80xi32, #tpu.memory_space<hbm>>
    %dma_start3A_9 = tpu.memref_slice %arg2[%add3A_7] : memref<320000xi32, #tpu.memory_space<hbm>> -> memref<80xi32, #tpu.memory_space<hbm>>
    tpu.enqueue_dma source(%dma_start3A_9 : memref<80xi32, #tpu.memory_space<hbm>>) target(%arg6 : memref<80xi32, #tpu.memory_space<vmem>>) target_semaphore(%arg16 : memref<!tpu.dma_semaphore, #tpu.memory_space<semaphore_mem>>)
    %add3A_10 = arith.constant 160 : i32
    %add3A_11 = arith.addi %mul3A_2, %add3A_10 : i32
    %dma_start3A_12 = tpu.memref_slice %arg2[%add3A_11] : memref<320000xi32, #tpu.memory_space<hbm>> -> memref<80xi32, #tpu.memory_space<hbm>>
    %dma_start3A_13 = tpu.memref_slice %arg2[%add3A_11] : memref<320000xi32, #tpu.memory_space<hbm>> -> memref<80xi32, #tpu.memory_space<hbm>>
    tpu.enqueue_dma source(%dma_start3A_13 : memref<80xi32, #tpu.memory_space<hbm>>) target(%arg7 : memref<80xi32, #tpu.memory_space<vmem>>) target_semaphore(%arg17 : memref<!tpu.dma_semaphore, #tpu.memory_space<semaphore_mem>>)
    %add3A_14 = arith.constant 240 : i32
    %add3A_15 = arith.addi %mul3A_2, %add3A_14 : i32
    %dma_start3A_16 = tpu.memref_slice %arg2[%add3A_15] : memref<320000xi32, #tpu.memory_space<hbm>> -> memref<80xi32, #tpu.memory_space<hbm>>
    %dma_start3A_17 = tpu.memref_slice %arg2[%add3A_15] : memref<320000xi32, #tpu.memory_space<hbm>> -> memref<80xi32, #tpu.memory_space<hbm>>
    tpu.enqueue_dma source(%dma_start3A_17 : memref<80xi32, #tpu.memory_space<hbm>>) target(%arg8 : memref<80xi32, #tpu.memory_space<vmem>>) target_semaphore(%arg18 : memref<!tpu.dma_semaphore, #tpu.memory_space<semaphore_mem>>)
    %add3A_18 = arith.constant 320 : i32
    %add3A_19 = arith.addi %mul3A_2, %add3A_18 : i32
    %dma_start3A_20 = tpu.memref_slice %arg2[%add3A_19] : memref<320000xi32, #tpu.memory_space<hbm>> -> memref<80xi32, #tpu.memory_space<hbm>>
    %dma_start3A_21 = tpu.memref_slice %arg2[%add3A_19] : memref<320000xi32, #tpu.memory_space<hbm>> -> memref<80xi32, #tpu.memory_space<hbm>>
    tpu.enqueue_dma source(%dma_start3A_21 : memref<80xi32, #tpu.memory_space<hbm>>) target(%arg9 : memref<80xi32, #tpu.memory_space<vmem>>) target_semaphore(%arg19 : memref<!tpu.dma_semaphore, #tpu.memory_space<semaphore_mem>>)
    %scan3A = arith.constant 0 : i32
    %scan3A_22 = arith.constant 0 : i32
    %scan3A_23 = arith.constant 25 : i32
    %scan3A_24 = arith.addi %scan3A_22, %scan3A_23 : i32
    %scan3A_25 = arith.constant 1 : i32
    scf.for %scan3A_27 = %scan3A_22 to %scan3A_24 step %scan3A_25  : i32 {
      %mul3A_28 = arith.constant 5 : i32
      %mul3A_29 = arith.muli %scan3A_27, %mul3A_28 : i32
      %add3A_30 = arith.constant 0 : i32
      %add3A_31 = arith.addi %mul3A_29, %add3A_30 : i32
      %dma_wait3A = tpu.memref_slice %arg2[%mul3A_2] : memref<320000xi32, #tpu.memory_space<hbm>> -> memref<80xi32, #tpu.memory_space<hbm>>
      %dma_wait3A_32 = tpu.memref_slice %arg2[%mul3A_2] : memref<320000xi32, #tpu.memory_space<hbm>> -> memref<80xi32, #tpu.memory_space<hbm>>
      tpu.wait_dma2 semaphore(%arg15 : memref<!tpu.dma_semaphore, #tpu.memory_space<semaphore_mem>>) src(%dma_wait3A_32 : memref<80xi32, #tpu.memory_space<hbm>>) dst(%arg5 : memref<80xi32, #tpu.memory_space<vmem>>)
      %dma_start3A_33 = arith.constant 0 : i32
      %dma_start3A_34 = arith.constant 0 : i32
      %dma_start3A_35 = tpu.memref_slice %arg3[%dma_start3A_33, %dma_start3A_34] : memref<10000x128xf32, #tpu.memory_space<hbm>> -> memref<10000x128xf32, #tpu.memory_space<hbm>>
      tpu.enqueue_indirect_dma source(%dma_start3A_35 : memref<10000x128xf32, #tpu.memory_space<hbm>>) target(%arg10 : memref<80x128xf32, #tpu.memory_space<vmem>>) offsets(%arg5 : memref<80xi32, #tpu.memory_space<vmem>>) semaphore(%arg20 : memref<!tpu.dma_semaphore, #tpu.memory_space<semaphore_mem>>)
      %mul3A_36 = arith.constant 5 : i32
      %mul3A_37 = arith.muli %scan3A_27, %mul3A_36 : i32
      %add3A_38 = arith.constant 1 : i32
      %add3A_39 = arith.addi %mul3A_37, %add3A_38 : i32
      %dma_wait3A_40 = tpu.memref_slice %arg2[%mul3A_2] : memref<320000xi32, #tpu.memory_space<hbm>> -> memref<80xi32, #tpu.memory_space<hbm>>
      %dma_wait3A_41 = tpu.memref_slice %arg2[%mul3A_2] : memref<320000xi32, #tpu.memory_space<hbm>> -> memref<80xi32, #tpu.memory_space<hbm>>
      tpu.wait_dma2 semaphore(%arg16 : memref<!tpu.dma_semaphore, #tpu.memory_space<semaphore_mem>>) src(%dma_wait3A_41 : memref<80xi32, #tpu.memory_space<hbm>>) dst(%arg6 : memref<80xi32, #tpu.memory_space<vmem>>)
      %dma_start3A_42 = arith.constant 0 : i32
      %dma_start3A_43 = arith.constant 0 : i32
      %dma_start3A_44 = tpu.memref_slice %arg3[%dma_start3A_42, %dma_start3A_43] : memref<10000x128xf32, #tpu.memory_space<hbm>> -> memref<10000x128xf32, #tpu.memory_space<hbm>>
      tpu.enqueue_indirect_dma source(%dma_start3A_44 : memref<10000x128xf32, #tpu.memory_space<hbm>>) target(%arg11 : memref<80x128xf32, #tpu.memory_space<vmem>>) offsets(%arg6 : memref<80xi32, #tpu.memory_space<vmem>>) semaphore(%arg21 : memref<!tpu.dma_semaphore, #tpu.memory_space<semaphore_mem>>)
      %mul3A_45 = arith.constant 5 : i32
      %mul3A_46 = arith.muli %scan3A_27, %mul3A_45 : i32
      %add3A_47 = arith.constant 2 : i32
      %add3A_48 = arith.addi %mul3A_46, %add3A_47 : i32
      %dma_wait3A_49 = tpu.memref_slice %arg2[%mul3A_2] : memref<320000xi32, #tpu.memory_space<hbm>> -> memref<80xi32, #tpu.memory_space<hbm>>
      %dma_wait3A_50 = tpu.memref_slice %arg2[%mul3A_2] : memref<320000xi32, #tpu.memory_space<hbm>> -> memref<80xi32, #tpu.memory_space<hbm>>
      tpu.wait_dma2 semaphore(%arg17 : memref<!tpu.dma_semaphore, #tpu.memory_space<semaphore_mem>>) src(%dma_wait3A_50 : memref<80xi32, #tpu.memory_space<hbm>>) dst(%arg7 : memref<80xi32, #tpu.memory_space<vmem>>)
      %dma_start3A_51 = arith.constant 0 : i32
      %dma_start3A_52 = arith.constant 0 : i32
      %dma_start3A_53 = tpu.memref_slice %arg3[%dma_start3A_51, %dma_start3A_52] : memref<10000x128xf32, #tpu.memory_space<hbm>> -> memref<10000x128xf32, #tpu.memory_space<hbm>>
      tpu.enqueue_indirect_dma source(%dma_start3A_53 : memref<10000x128xf32, #tpu.memory_space<hbm>>) target(%arg12 : memref<80x128xf32, #tpu.memory_space<vmem>>) offsets(%arg7 : memref<80xi32, #tpu.memory_space<vmem>>) semaphore(%arg22 : memref<!tpu.dma_semaphore, #tpu.memory_space<semaphore_mem>>)
      %mul3A_54 = arith.constant 5 : i32
      %mul3A_55 = arith.muli %scan3A_27, %mul3A_54 : i32
      %add3A_56 = arith.constant 3 : i32
      %add3A_57 = arith.addi %mul3A_55, %add3A_56 : i32
      %dma_wait3A_58 = tpu.memref_slice %arg2[%mul3A_2] : memref<320000xi32, #tpu.memory_space<hbm>> -> memref<80xi32, #tpu.memory_space<hbm>>
      %dma_wait3A_59 = tpu.memref_slice %arg2[%mul3A_2] : memref<320000xi32, #tpu.memory_space<hbm>> -> memref<80xi32, #tpu.memory_space<hbm>>
      tpu.wait_dma2 semaphore(%arg18 : memref<!tpu.dma_semaphore, #tpu.memory_space<semaphore_mem>>) src(%dma_wait3A_59 : memref<80xi32, #tpu.memory_space<hbm>>) dst(%arg8 : memref<80xi32, #tpu.memory_space<vmem>>)
      %dma_start3A_60 = arith.constant 0 : i32
      %dma_start3A_61 = arith.constant 0 : i32
      %dma_start3A_62 = tpu.memref_slice %arg3[%dma_start3A_60, %dma_start3A_61] : memref<10000x128xf32, #tpu.memory_space<hbm>> -> memref<10000x128xf32, #tpu.memory_space<hbm>>
      tpu.enqueue_indirect_dma source(%dma_start3A_62 : memref<10000x128xf32, #tpu.memory_space<hbm>>) target(%arg13 : memref<80x128xf32, #tpu.memory_space<vmem>>) offsets(%arg8 : memref<80xi32, #tpu.memory_space<vmem>>) semaphore(%arg23 : memref<!tpu.dma_semaphore, #tpu.memory_space<semaphore_mem>>)
      %mul3A_63 = arith.constant 5 : i32
      %mul3A_64 = arith.muli %scan3A_27, %mul3A_63 : i32
      %add3A_65 = arith.constant 4 : i32
      %add3A_66 = arith.addi %mul3A_64, %add3A_65 : i32
      %dma_wait3A_67 = tpu.memref_slice %arg2[%mul3A_2] : memref<320000xi32, #tpu.memory_space<hbm>> -> memref<80xi32, #tpu.memory_space<hbm>>
      %dma_wait3A_68 = tpu.memref_slice %arg2[%mul3A_2] : memref<320000xi32, #tpu.memory_space<hbm>> -> memref<80xi32, #tpu.memory_space<hbm>>
      tpu.wait_dma2 semaphore(%arg19 : memref<!tpu.dma_semaphore, #tpu.memory_space<semaphore_mem>>) src(%dma_wait3A_68 : memref<80xi32, #tpu.memory_space<hbm>>) dst(%arg9 : memref<80xi32, #tpu.memory_space<vmem>>)
      %dma_start3A_69 = arith.constant 0 : i32
      %dma_start3A_70 = arith.constant 0 : i32
      %dma_start3A_71 = tpu.memref_slice %arg3[%dma_start3A_69, %dma_start3A_70] : memref<10000x128xf32, #tpu.memory_space<hbm>> -> memref<10000x128xf32, #tpu.memory_space<hbm>>
      tpu.enqueue_indirect_dma source(%dma_start3A_71 : memref<10000x128xf32, #tpu.memory_space<hbm>>) target(%arg14 : memref<80x128xf32, #tpu.memory_space<vmem>>) offsets(%arg9 : memref<80xi32, #tpu.memory_space<vmem>>) semaphore(%arg24 : memref<!tpu.dma_semaphore, #tpu.memory_space<semaphore_mem>>)
      %mul3A_72 = arith.constant 5 : i32
      %mul3A_73 = arith.muli %scan3A_27, %mul3A_72 : i32
      %add3A_74 = arith.constant 0 : i32
      %add3A_75 = arith.addi %mul3A_73, %add3A_74 : i32
      %dma_wait3A_76 = arith.constant 0 : i32
      %dma_wait3A_77 = arith.constant 0 : i32
      %dma_wait3A_78 = tpu.memref_slice %arg3[%dma_wait3A_76, %dma_wait3A_77] : memref<10000x128xf32, #tpu.memory_space<hbm>> -> memref<10000x128xf32, #tpu.memory_space<hbm>>
      tpu.wait_indirect_dma semaphore(%arg20 : memref<!tpu.dma_semaphore, #tpu.memory_space<semaphore_mem>>) src(%dma_wait3A_78 : memref<10000x128xf32, #tpu.memory_space<hbm>>) dst(%arg10 : memref<80x128xf32, #tpu.memory_space<vmem>>)
      %mul3A_79 = arith.constant 80 : i32
      %mul3A_80 = arith.muli %add3A_75, %mul3A_79 : i32
      %add3A_81 = arith.addi %mul3A_2, %mul3A_80 : i32
      %dma_start3A_82 = arith.constant 0 : i32
      %dma_start3A_83 = tpu.memref_slice %arg4[%add3A_81, %dma_start3A_82] : memref<320000x128xf32, #tpu.memory_space<hbm>> -> memref<80x128xf32, #tpu.memory_space<hbm>>
      %dma_start3A_84 = arith.constant 0 : i32
      %dma_start3A_85 = tpu.memref_slice %arg4[%add3A_81, %dma_start3A_84] : memref<320000x128xf32, #tpu.memory_space<hbm>> -> memref<80x128xf32, #tpu.memory_space<hbm>>
      tpu.enqueue_dma source(%arg10 : memref<80x128xf32, #tpu.memory_space<vmem>>) target(%dma_start3A_85 : memref<80x128xf32, #tpu.memory_space<hbm>>) target_semaphore(%arg25 : memref<!tpu.dma_semaphore, #tpu.memory_space<semaphore_mem>>)
      %mul3A_86 = arith.constant 5 : i32
      %mul3A_87 = arith.muli %scan3A_27, %mul3A_86 : i32
      %add3A_88 = arith.constant 1 : i32
      %add3A_89 = arith.addi %mul3A_87, %add3A_88 : i32
      %dma_wait3A_90 = arith.constant 0 : i32
      %dma_wait3A_91 = arith.constant 0 : i32
      %dma_wait3A_92 = tpu.memref_slice %arg3[%dma_wait3A_90, %dma_wait3A_91] : memref<10000x128xf32, #tpu.memory_space<hbm>> -> memref<10000x128xf32, #tpu.memory_space<hbm>>
      tpu.wait_indirect_dma semaphore(%arg21 : memref<!tpu.dma_semaphore, #tpu.memory_space<semaphore_mem>>) src(%dma_wait3A_92 : memref<10000x128xf32, #tpu.memory_space<hbm>>) dst(%arg11 : memref<80x128xf32, #tpu.memory_space<vmem>>)
      %mul3A_93 = arith.constant 80 : i32
      %mul3A_94 = arith.muli %add3A_89, %mul3A_93 : i32
      %add3A_95 = arith.addi %mul3A_2, %mul3A_94 : i32
      %dma_start3A_96 = arith.constant 0 : i32
      %dma_start3A_97 = tpu.memref_slice %arg4[%add3A_95, %dma_start3A_96] : memref<320000x128xf32, #tpu.memory_space<hbm>> -> memref<80x128xf32, #tpu.memory_space<hbm>>
      %dma_start3A_98 = arith.constant 0 : i32
      %dma_start3A_99 = tpu.memref_slice %arg4[%add3A_95, %dma_start3A_98] : memref<320000x128xf32, #tpu.memory_space<hbm>> -> memref<80x128xf32, #tpu.memory_space<hbm>>
      tpu.enqueue_dma source(%arg11 : memref<80x128xf32, #tpu.memory_space<vmem>>) target(%dma_start3A_99 : memref<80x128xf32, #tpu.memory_space<hbm>>) target_semaphore(%arg26 : memref<!tpu.dma_semaphore, #tpu.memory_space<semaphore_mem>>)
      %mul3A_100 = arith.constant 5 : i32
      %mul3A_101 = arith.muli %scan3A_27, %mul3A_100 : i32
      %add3A_102 = arith.constant 2 : i32
      %add3A_103 = arith.addi %mul3A_101, %add3A_102 : i32
      %dma_wait3A_104 = arith.constant 0 : i32
      %dma_wait3A_105 = arith.constant 0 : i32
      %dma_wait3A_106 = tpu.memref_slice %arg3[%dma_wait3A_104, %dma_wait3A_105] : memref<10000x128xf32, #tpu.memory_space<hbm>> -> memref<10000x128xf32, #tpu.memory_space<hbm>>
      tpu.wait_indirect_dma semaphore(%arg22 : memref<!tpu.dma_semaphore, #tpu.memory_space<semaphore_mem>>) src(%dma_wait3A_106 : memref<10000x128xf32, #tpu.memory_space<hbm>>) dst(%arg12 : memref<80x128xf32, #tpu.memory_space<vmem>>)
      %mul3A_107 = arith.constant 80 : i32
      %mul3A_108 = arith.muli %add3A_103, %mul3A_107 : i32
      %add3A_109 = arith.addi %mul3A_2, %mul3A_108 : i32
      %dma_start3A_110 = arith.constant 0 : i32
      %dma_start3A_111 = tpu.memref_slice %arg4[%add3A_109, %dma_start3A_110] : memref<320000x128xf32, #tpu.memory_space<hbm>> -> memref<80x128xf32, #tpu.memory_space<hbm>>
      %dma_start3A_112 = arith.constant 0 : i32
      %dma_start3A_113 = tpu.memref_slice %arg4[%add3A_109, %dma_start3A_112] : memref<320000x128xf32, #tpu.memory_space<hbm>> -> memref<80x128xf32, #tpu.memory_space<hbm>>
      tpu.enqueue_dma source(%arg12 : memref<80x128xf32, #tpu.memory_space<vmem>>) target(%dma_start3A_113 : memref<80x128xf32, #tpu.memory_space<hbm>>) target_semaphore(%arg27 : memref<!tpu.dma_semaphore, #tpu.memory_space<semaphore_mem>>)
      %mul3A_114 = arith.constant 5 : i32
      %mul3A_115 = arith.muli %scan3A_27, %mul3A_114 : i32
      %add3A_116 = arith.constant 3 : i32
      %add3A_117 = arith.addi %mul3A_115, %add3A_116 : i32
      %dma_wait3A_118 = arith.constant 0 : i32
      %dma_wait3A_119 = arith.constant 0 : i32
      %dma_wait3A_120 = tpu.memref_slice %arg3[%dma_wait3A_118, %dma_wait3A_119] : memref<10000x128xf32, #tpu.memory_space<hbm>> -> memref<10000x128xf32, #tpu.memory_space<hbm>>
      tpu.wait_indirect_dma semaphore(%arg23 : memref<!tpu.dma_semaphore, #tpu.memory_space<semaphore_mem>>) src(%dma_wait3A_120 : memref<10000x128xf32, #tpu.memory_space<hbm>>) dst(%arg13 : memref<80x128xf32, #tpu.memory_space<vmem>>)
      %mul3A_121 = arith.constant 80 : i32
      %mul3A_122 = arith.muli %add3A_117, %mul3A_121 : i32
      %add3A_123 = arith.addi %mul3A_2, %mul3A_122 : i32
      %dma_start3A_124 = arith.constant 0 : i32
      %dma_start3A_125 = tpu.memref_slice %arg4[%add3A_123, %dma_start3A_124] : memref<320000x128xf32, #tpu.memory_space<hbm>> -> memref<80x128xf32, #tpu.memory_space<hbm>>
      %dma_start3A_126 = arith.constant 0 : i32
      %dma_start3A_127 = tpu.memref_slice %arg4[%add3A_123, %dma_start3A_126] : memref<320000x128xf32, #tpu.memory_space<hbm>> -> memref<80x128xf32, #tpu.memory_space<hbm>>
      tpu.enqueue_dma source(%arg13 : memref<80x128xf32, #tpu.memory_space<vmem>>) target(%dma_start3A_127 : memref<80x128xf32, #tpu.memory_space<hbm>>) target_semaphore(%arg28 : memref<!tpu.dma_semaphore, #tpu.memory_space<semaphore_mem>>)
      %mul3A_128 = arith.constant 5 : i32
      %mul3A_129 = arith.muli %scan3A_27, %mul3A_128 : i32
      %add3A_130 = arith.constant 4 : i32
      %add3A_131 = arith.addi %mul3A_129, %add3A_130 : i32
      %dma_wait3A_132 = arith.constant 0 : i32
      %dma_wait3A_133 = arith.constant 0 : i32
      %dma_wait3A_134 = tpu.memref_slice %arg3[%dma_wait3A_132, %dma_wait3A_133] : memref<10000x128xf32, #tpu.memory_space<hbm>> -> memref<10000x128xf32, #tpu.memory_space<hbm>>
      tpu.wait_indirect_dma semaphore(%arg24 : memref<!tpu.dma_semaphore, #tpu.memory_space<semaphore_mem>>) src(%dma_wait3A_134 : memref<10000x128xf32, #tpu.memory_space<hbm>>) dst(%arg14 : memref<80x128xf32, #tpu.memory_space<vmem>>)
      %mul3A_135 = arith.constant 80 : i32
      %mul3A_136 = arith.muli %add3A_131, %mul3A_135 : i32
      %add3A_137 = arith.addi %mul3A_2, %mul3A_136 : i32
      %dma_start3A_138 = arith.constant 0 : i32
      %dma_start3A_139 = tpu.memref_slice %arg4[%add3A_137, %dma_start3A_138] : memref<320000x128xf32, #tpu.memory_space<hbm>> -> memref<80x128xf32, #tpu.memory_space<hbm>>
      %dma_start3A_140 = arith.constant 0 : i32
      %dma_start3A_141 = tpu.memref_slice %arg4[%add3A_137, %dma_start3A_140] : memref<320000x128xf32, #tpu.memory_space<hbm>> -> memref<80x128xf32, #tpu.memory_space<hbm>>
      tpu.enqueue_dma source(%arg14 : memref<80x128xf32, #tpu.memory_space<vmem>>) target(%dma_start3A_141 : memref<80x128xf32, #tpu.memory_space<hbm>>) target_semaphore(%arg29 : memref<!tpu.dma_semaphore, #tpu.memory_space<semaphore_mem>>)
      %mul3A_142 = arith.constant 5 : i32
      %mul3A_143 = arith.muli %scan3A_27, %mul3A_142 : i32
      %add3A_144 = arith.constant 0 : i32
      %add3A_145 = arith.addi %mul3A_143, %add3A_144 : i32
      %mul3A_146 = arith.constant 80 : i32
      %mul3A_147 = arith.muli %add3A_145, %mul3A_146 : i32
      %add3A_148 = arith.addi %mul3A_2, %mul3A_147 : i32
      %dma_wait3A_149 = arith.constant 0 : i32
      %dma_wait3A_150 = tpu.memref_slice %arg4[%add3A_148, %dma_wait3A_149] : memref<320000x128xf32, #tpu.memory_space<hbm>> -> memref<80x128xf32, #tpu.memory_space<hbm>>
      %dma_wait3A_151 = arith.constant 0 : i32
      %dma_wait3A_152 = tpu.memref_slice %arg4[%add3A_148, %dma_wait3A_151] : memref<320000x128xf32, #tpu.memory_space<hbm>> -> memref<80x128xf32, #tpu.memory_space<hbm>>
      tpu.wait_dma2 semaphore(%arg25 : memref<!tpu.dma_semaphore, #tpu.memory_space<semaphore_mem>>) src(%arg10 : memref<80x128xf32, #tpu.memory_space<vmem>>) dst(%dma_wait3A_152 : memref<80x128xf32, #tpu.memory_space<hbm>>)
      %lt3A = arith.constant 24 : i32
      %lt3A_153 = arith.cmpi slt, %scan3A_27, %lt3A : i32
      %convert_element_type3A = arith.extui %lt3A_153 : i1 to i32
      %cond3A = arith.constant 0 : i32
      %cond3A_154 = arith.cmpi ne, %convert_element_type3A, %cond3A : i32
      scf.if %cond3A_154 {
        %add3A_219 = arith.constant 5 : i32
        %add3A_220 = arith.addi %add3A_145, %add3A_219 : i32
        %mul3A_221 = arith.constant 80 : i32
        %mul3A_222 = arith.muli %add3A_220, %mul3A_221 : i32
        %add3A_223 = arith.addi %mul3A_2, %mul3A_222 : i32
        %dma_start3A_224 = tpu.memref_slice %arg2[%add3A_223] : memref<320000xi32, #tpu.memory_space<hbm>> -> memref<80xi32, #tpu.memory_space<hbm>>
        %dma_start3A_225 = tpu.memref_slice %arg2[%add3A_223] : memref<320000xi32, #tpu.memory_space<hbm>> -> memref<80xi32, #tpu.memory_space<hbm>>
        tpu.enqueue_dma source(%dma_start3A_225 : memref<80xi32, #tpu.memory_space<hbm>>) target(%arg5 : memref<80xi32, #tpu.memory_space<vmem>>) target_semaphore(%arg15 : memref<!tpu.dma_semaphore, #tpu.memory_space<semaphore_mem>>)
      } else {
      }
      %mul3A_155 = arith.constant 5 : i32
      %mul3A_156 = arith.muli %scan3A_27, %mul3A_155 : i32
      %add3A_157 = arith.constant 1 : i32
      %add3A_158 = arith.addi %mul3A_156, %add3A_157 : i32
      %mul3A_159 = arith.constant 80 : i32
      %mul3A_160 = arith.muli %add3A_158, %mul3A_159 : i32
      %add3A_161 = arith.addi %mul3A_2, %mul3A_160 : i32
      %dma_wait3A_162 = arith.constant 0 : i32
      %dma_wait3A_163 = tpu.memref_slice %arg4[%add3A_161, %dma_wait3A_162] : memref<320000x128xf32, #tpu.memory_space<hbm>> -> memref<80x128xf32, #tpu.memory_space<hbm>>
      %dma_wait3A_164 = arith.constant 0 : i32
      %dma_wait3A_165 = tpu.memref_slice %arg4[%add3A_161, %dma_wait3A_164] : memref<320000x128xf32, #tpu.memory_space<hbm>> -> memref<80x128xf32, #tpu.memory_space<hbm>>
      tpu.wait_dma2 semaphore(%arg26 : memref<!tpu.dma_semaphore, #tpu.memory_space<semaphore_mem>>) src(%arg11 : memref<80x128xf32, #tpu.memory_space<vmem>>) dst(%dma_wait3A_165 : memref<80x128xf32, #tpu.memory_space<hbm>>)
      %lt3A_166 = arith.constant 24 : i32
      %lt3A_167 = arith.cmpi slt, %scan3A_27, %lt3A_166 : i32
      %convert_element_type3A_168 = arith.extui %lt3A_167 : i1 to i32
      %cond3A_169 = arith.constant 0 : i32
      %cond3A_170 = arith.cmpi ne, %convert_element_type3A_168, %cond3A_169 : i32
      scf.if %cond3A_170 {
        %add3A_219 = arith.constant 5 : i32
        %add3A_220 = arith.addi %add3A_158, %add3A_219 : i32
        %mul3A_221 = arith.constant 80 : i32
        %mul3A_222 = arith.muli %add3A_220, %mul3A_221 : i32
        %add3A_223 = arith.addi %mul3A_2, %mul3A_222 : i32
        %dma_start3A_224 = tpu.memref_slice %arg2[%add3A_223] : memref<320000xi32, #tpu.memory_space<hbm>> -> memref<80xi32, #tpu.memory_space<hbm>>
        %dma_start3A_225 = tpu.memref_slice %arg2[%add3A_223] : memref<320000xi32, #tpu.memory_space<hbm>> -> memref<80xi32, #tpu.memory_space<hbm>>
        tpu.enqueue_dma source(%dma_start3A_225 : memref<80xi32, #tpu.memory_space<hbm>>) target(%arg6 : memref<80xi32, #tpu.memory_space<vmem>>) target_semaphore(%arg16 : memref<!tpu.dma_semaphore, #tpu.memory_space<semaphore_mem>>)
      } else {
      }
      %mul3A_171 = arith.constant 5 : i32
      %mul3A_172 = arith.muli %scan3A_27, %mul3A_171 : i32
      %add3A_173 = arith.constant 2 : i32
      %add3A_174 = arith.addi %mul3A_172, %add3A_173 : i32
      %mul3A_175 = arith.constant 80 : i32
      %mul3A_176 = arith.muli %add3A_174, %mul3A_175 : i32
      %add3A_177 = arith.addi %mul3A_2, %mul3A_176 : i32
      %dma_wait3A_178 = arith.constant 0 : i32
      %dma_wait3A_179 = tpu.memref_slice %arg4[%add3A_177, %dma_wait3A_178] : memref<320000x128xf32, #tpu.memory_space<hbm>> -> memref<80x128xf32, #tpu.memory_space<hbm>>
      %dma_wait3A_180 = arith.constant 0 : i32
      %dma_wait3A_181 = tpu.memref_slice %arg4[%add3A_177, %dma_wait3A_180] : memref<320000x128xf32, #tpu.memory_space<hbm>> -> memref<80x128xf32, #tpu.memory_space<hbm>>
      tpu.wait_dma2 semaphore(%arg27 : memref<!tpu.dma_semaphore, #tpu.memory_space<semaphore_mem>>) src(%arg12 : memref<80x128xf32, #tpu.memory_space<vmem>>) dst(%dma_wait3A_181 : memref<80x128xf32, #tpu.memory_space<hbm>>)
      %lt3A_182 = arith.constant 24 : i32
      %lt3A_183 = arith.cmpi slt, %scan3A_27, %lt3A_182 : i32
      %convert_element_type3A_184 = arith.extui %lt3A_183 : i1 to i32
      %cond3A_185 = arith.constant 0 : i32
      %cond3A_186 = arith.cmpi ne, %convert_element_type3A_184, %cond3A_185 : i32
      scf.if %cond3A_186 {
        %add3A_219 = arith.constant 5 : i32
        %add3A_220 = arith.addi %add3A_174, %add3A_219 : i32
        %mul3A_221 = arith.constant 80 : i32
        %mul3A_222 = arith.muli %add3A_220, %mul3A_221 : i32
        %add3A_223 = arith.addi %mul3A_2, %mul3A_222 : i32
        %dma_start3A_224 = tpu.memref_slice %arg2[%add3A_223] : memref<320000xi32, #tpu.memory_space<hbm>> -> memref<80xi32, #tpu.memory_space<hbm>>
        %dma_start3A_225 = tpu.memref_slice %arg2[%add3A_223] : memref<320000xi32, #tpu.memory_space<hbm>> -> memref<80xi32, #tpu.memory_space<hbm>>
        tpu.enqueue_dma source(%dma_start3A_225 : memref<80xi32, #tpu.memory_space<hbm>>) target(%arg7 : memref<80xi32, #tpu.memory_space<vmem>>) target_semaphore(%arg17 : memref<!tpu.dma_semaphore, #tpu.memory_space<semaphore_mem>>)
      } else {
      }
      %mul3A_187 = arith.constant 5 : i32
      %mul3A_188 = arith.muli %scan3A_27, %mul3A_187 : i32
      %add3A_189 = arith.constant 3 : i32
      %add3A_190 = arith.addi %mul3A_188, %add3A_189 : i32
      %mul3A_191 = arith.constant 80 : i32
      %mul3A_192 = arith.muli %add3A_190, %mul3A_191 : i32
      %add3A_193 = arith.addi %mul3A_2, %mul3A_192 : i32
      %dma_wait3A_194 = arith.constant 0 : i32
      %dma_wait3A_195 = tpu.memref_slice %arg4[%add3A_193, %dma_wait3A_194] : memref<320000x128xf32, #tpu.memory_space<hbm>> -> memref<80x128xf32, #tpu.memory_space<hbm>>
      %dma_wait3A_196 = arith.constant 0 : i32
      %dma_wait3A_197 = tpu.memref_slice %arg4[%add3A_193, %dma_wait3A_196] : memref<320000x128xf32, #tpu.memory_space<hbm>> -> memref<80x128xf32, #tpu.memory_space<hbm>>
      tpu.wait_dma2 semaphore(%arg28 : memref<!tpu.dma_semaphore, #tpu.memory_space<semaphore_mem>>) src(%arg13 : memref<80x128xf32, #tpu.memory_space<vmem>>) dst(%dma_wait3A_197 : memref<80x128xf32, #tpu.memory_space<hbm>>)
      %lt3A_198 = arith.constant 24 : i32
      %lt3A_199 = arith.cmpi slt, %scan3A_27, %lt3A_198 : i32
      %convert_element_type3A_200 = arith.extui %lt3A_199 : i1 to i32
      %cond3A_201 = arith.constant 0 : i32
      %cond3A_202 = arith.cmpi ne, %convert_element_type3A_200, %cond3A_201 : i32
      scf.if %cond3A_202 {
        %add3A_219 = arith.constant 5 : i32
        %add3A_220 = arith.addi %add3A_190, %add3A_219 : i32
        %mul3A_221 = arith.constant 80 : i32
        %mul3A_222 = arith.muli %add3A_220, %mul3A_221 : i32
        %add3A_223 = arith.addi %mul3A_2, %mul3A_222 : i32
        %dma_start3A_224 = tpu.memref_slice %arg2[%add3A_223] : memref<320000xi32, #tpu.memory_space<hbm>> -> memref<80xi32, #tpu.memory_space<hbm>>
        %dma_start3A_225 = tpu.memref_slice %arg2[%add3A_223] : memref<320000xi32, #tpu.memory_space<hbm>> -> memref<80xi32, #tpu.memory_space<hbm>>
        tpu.enqueue_dma source(%dma_start3A_225 : memref<80xi32, #tpu.memory_space<hbm>>) target(%arg8 : memref<80xi32, #tpu.memory_space<vmem>>) target_semaphore(%arg18 : memref<!tpu.dma_semaphore, #tpu.memory_space<semaphore_mem>>)
      } else {
      }
      %mul3A_203 = arith.constant 5 : i32
      %mul3A_204 = arith.muli %scan3A_27, %mul3A_203 : i32
      %add3A_205 = arith.constant 4 : i32
      %add3A_206 = arith.addi %mul3A_204, %add3A_205 : i32
      %mul3A_207 = arith.constant 80 : i32
      %mul3A_208 = arith.muli %add3A_206, %mul3A_207 : i32
      %add3A_209 = arith.addi %mul3A_2, %mul3A_208 : i32
      %dma_wait3A_210 = arith.constant 0 : i32
      %dma_wait3A_211 = tpu.memref_slice %arg4[%add3A_209, %dma_wait3A_210] : memref<320000x128xf32, #tpu.memory_space<hbm>> -> memref<80x128xf32, #tpu.memory_space<hbm>>
      %dma_wait3A_212 = arith.constant 0 : i32
      %dma_wait3A_213 = tpu.memref_slice %arg4[%add3A_209, %dma_wait3A_212] : memref<320000x128xf32, #tpu.memory_space<hbm>> -> memref<80x128xf32, #tpu.memory_space<hbm>>
      tpu.wait_dma2 semaphore(%arg29 : memref<!tpu.dma_semaphore, #tpu.memory_space<semaphore_mem>>) src(%arg14 : memref<80x128xf32, #tpu.memory_space<vmem>>) dst(%dma_wait3A_213 : memref<80x128xf32, #tpu.memory_space<hbm>>)
      %lt3A_214 = arith.constant 24 : i32
      %lt3A_215 = arith.cmpi slt, %scan3A_27, %lt3A_214 : i32
      %convert_element_type3A_216 = arith.extui %lt3A_215 : i1 to i32
      %cond3A_217 = arith.constant 0 : i32
      %cond3A_218 = arith.cmpi ne, %convert_element_type3A_216, %cond3A_217 : i32
      scf.if %cond3A_218 {
        %add3A_219 = arith.constant 5 : i32
        %add3A_220 = arith.addi %add3A_206, %add3A_219 : i32
        %mul3A_221 = arith.constant 80 : i32
        %mul3A_222 = arith.muli %add3A_220, %mul3A_221 : i32
        %add3A_223 = arith.addi %mul3A_2, %mul3A_222 : i32
        %dma_start3A_224 = tpu.memref_slice %arg2[%add3A_223] : memref<320000xi32, #tpu.memory_space<hbm>> -> memref<80xi32, #tpu.memory_space<hbm>>
        %dma_start3A_225 = tpu.memref_slice %arg2[%add3A_223] : memref<320000xi32, #tpu.memory_space<hbm>> -> memref<80xi32, #tpu.memory_space<hbm>>
        tpu.enqueue_dma source(%dma_start3A_225 : memref<80xi32, #tpu.memory_space<hbm>>) target(%arg9 : memref<80xi32, #tpu.memory_space<vmem>>) target_semaphore(%arg19 : memref<!tpu.dma_semaphore, #tpu.memory_space<semaphore_mem>>)
      } else {
      }
    }
    %scan3A_26 = arith.constant 25 : i32
    return
  }
}

#map = affine_map<(d0, d1) -> (0)>
#map1 = affine_map<(d0, d1) -> (0, 0)>
module attributes {stable_mosaic.version = 14 : i64} {
  func.func @_scatter_body(%arg0: i32, %arg1: i32, %arg2: memref<320000xi32, #tpu.memory_space<hbm>>, %arg3: memref<320000x128xf32, #tpu.memory_space<hbm>>, %arg4: memref<320000x128xf32, #tpu.memory_space<hbm>>, %arg5: memref<320000xf32, #tpu.memory_space<hbm>>, %arg6: memref<10000x128xf32, #tpu.memory_space<hbm>>, %arg7: memref<10000xf32, #tpu.memory_space<hbm>>, %arg8: memref<10000x128xf32, #tpu.memory_space<hbm>>, %arg9: memref<10000x128xf32, #tpu.memory_space<hbm>>, %arg10: memref<10000xf32, #tpu.memory_space<hbm>>, %arg11: memref<10000x128xf32, #tpu.memory_space<vmem_shared>>, %arg12: memref<10000xf32, #tpu.memory_space<vmem_shared>>, %arg13: memref<40xi32, #tpu.memory_space<vmem>>, %arg14: memref<40xi32, #tpu.memory_space<vmem>>, %arg15: memref<40xi32, #tpu.memory_space<vmem>>, %arg16: memref<40xi32, #tpu.memory_space<vmem>>, %arg17: memref<40xi32, #tpu.memory_space<vmem>>, %arg18: memref<40x128xf32, #tpu.memory_space<vmem>>, %arg19: memref<40x128xf32, #tpu.memory_space<vmem>>, %arg20: memref<40x128xf32, #tpu.memory_space<vmem>>, %arg21: memref<40x128xf32, #tpu.memory_space<vmem>>, %arg22: memref<40x128xf32, #tpu.memory_space<vmem>>, %arg23: memref<40xf32, #tpu.memory_space<vmem>>, %arg24: memref<40xf32, #tpu.memory_space<vmem>>, %arg25: memref<40xf32, #tpu.memory_space<vmem>>, %arg26: memref<40xf32, #tpu.memory_space<vmem>>, %arg27: memref<40xf32, #tpu.memory_space<vmem>>, %arg28: memref<!tpu.dma_semaphore, #tpu.memory_space<semaphore_mem>>, %arg29: memref<!tpu.dma_semaphore, #tpu.memory_space<semaphore_mem>>, %arg30: memref<!tpu.dma_semaphore, #tpu.memory_space<semaphore_mem>>, %arg31: memref<!tpu.dma_semaphore, #tpu.memory_space<semaphore_mem>>, %arg32: memref<!tpu.dma_semaphore, #tpu.memory_space<semaphore_mem>>, %arg33: memref<!tpu.dma_semaphore, #tpu.memory_space<semaphore_mem>>, %arg34: memref<!tpu.dma_semaphore, #tpu.memory_space<semaphore_mem>>, %arg35: memref<!tpu.dma_semaphore, #tpu.memory_space<semaphore_mem>>, %arg36: memref<!tpu.dma_semaphore, #tpu.memory_space<semaphore_mem>>, %arg37: memref<!tpu.dma_semaphore, #tpu.memory_space<semaphore_mem>>, %arg38: memref<!tpu.dma_semaphore, #tpu.memory_space<semaphore_mem>>, %arg39: memref<!tpu.dma_semaphore, #tpu.memory_space<semaphore_mem>>, %arg40: memref<!tpu.dma_semaphore, #tpu.memory_space<semaphore_mem>>, %arg41: memref<!tpu.dma_semaphore, #tpu.memory_space<semaphore_mem>>, %arg42: memref<!tpu.dma_semaphore, #tpu.memory_space<semaphore_mem>>, %arg43: memref<!tpu.dma_semaphore, #tpu.memory_space<semaphore_mem>>, %arg44: memref<!tpu.dma_semaphore, #tpu.memory_space<semaphore_mem>>, %arg45: memref<!tpu.dma_semaphore, #tpu.memory_space<semaphore_mem>>, %arg46: memref<!tpu.dma_semaphore, #tpu.memory_space<semaphore_mem>>, %arg47: memref<!tpu.dma_semaphore, #tpu.memory_space<semaphore_mem>>, %arg48: memref<!tpu.dma_semaphore, #tpu.memory_space<semaphore_mem>>, %arg49: memref<!tpu.dma_semaphore, #tpu.memory_space<semaphore_mem>>, %arg50: memref<!tpu.dma_semaphore, #tpu.memory_space<semaphore_mem>>, %arg51: memref<!tpu.dma_semaphore, #tpu.memory_space<semaphore_mem>>, %arg52: memref<!tpu.dma_semaphore, #tpu.memory_space<semaphore_mem>>) attributes {dimension_semantics = [#tpu.dimension_semantics<core_parallel>, #tpu.dimension_semantics<subcore_parallel>], iteration_bounds = array<i64: 2, 16>, scalar_prefetch = 0 : i64, scratch_operands = 42 : i64, tpu.core_type = #tpu.core_type<sc_vector_subcore>, window_params = [{transform_indices = #map}, {transform_indices = #map1}, {transform_indices = #map1}, {transform_indices = #map}, {transform_indices = #map1}, {transform_indices = #map}, {transform_indices = #map1}, {transform_indices = #map1}, {transform_indices = #map}]} {
    %mul3A = arith.constant 640 : i32
    %mul3A_0 = arith.muli %arg1, %mul3A : i32
    %lt3A = arith.constant 15 : i32
    %lt3A_1 = arith.cmpi slt, %arg1, %lt3A : i32
    %convert_element_type3A = arith.extui %lt3A_1 : i1 to i32
    %cond3A = arith.constant 0 : i32
    %cond3A_2 = arith.cmpi ne, %convert_element_type3A, %cond3A : i32
    scf.if %cond3A_2 {
      "tpu.region"() ({
        %run_scoped3A = tpu.sem_alloc : memref<!tpu.dma_semaphore, #tpu.memory_space<semaphore_mem>>
        %dma_start3A = arith.constant 0 : i32
        %dma_start3A_67 = tpu.memref_slice %arg11[%mul3A_0, %dma_start3A] : memref<10000x128xf32, #tpu.memory_space<vmem_shared>> -> memref<640x128xf32, #tpu.memory_space<vmem_shared>>
        %dma_start3A_68 = arith.constant 0 : i32
        %dma_start3A_69 = tpu.memref_slice %arg6[%mul3A_0, %dma_start3A_68] : memref<10000x128xf32, #tpu.memory_space<hbm>> -> memref<640x128xf32, #tpu.memory_space<hbm>>
        tpu.enqueue_dma source(%dma_start3A_69 : memref<640x128xf32, #tpu.memory_space<hbm>>) target(%dma_start3A_67 : memref<640x128xf32, #tpu.memory_space<vmem_shared>>) target_semaphore(%run_scoped3A : memref<!tpu.dma_semaphore, #tpu.memory_space<semaphore_mem>>)
        %dma_wait3A = arith.constant 0 : i32
        %dma_wait3A_70 = tpu.memref_slice %arg11[%mul3A_0, %dma_wait3A] : memref<10000x128xf32, #tpu.memory_space<vmem_shared>> -> memref<640x128xf32, #tpu.memory_space<vmem_shared>>
        %dma_wait3A_71 = arith.constant 0 : i32
        %dma_wait3A_72 = tpu.memref_slice %arg6[%mul3A_0, %dma_wait3A_71] : memref<10000x128xf32, #tpu.memory_space<hbm>> -> memref<640x128xf32, #tpu.memory_space<hbm>>
        tpu.wait_dma2 semaphore(%run_scoped3A : memref<!tpu.dma_semaphore, #tpu.memory_space<semaphore_mem>>) src(%dma_wait3A_72 : memref<640x128xf32, #tpu.memory_space<hbm>>) dst(%dma_wait3A_70 : memref<640x128xf32, #tpu.memory_space<vmem_shared>>)
        tpu.yield
      }) : () -> ()
    } else {
    }
    %eq3A = arith.constant 15 : i32
    %eq3A_3 = arith.cmpi eq, %arg1, %eq3A : i32
    %convert_element_type3A_4 = arith.extui %eq3A_3 : i1 to i32
    %cond3A_5 = arith.constant 0 : i32
    %cond3A_6 = arith.cmpi ne, %convert_element_type3A_4, %cond3A_5 : i32
    scf.if %cond3A_6 {
      "tpu.region"() ({
        %run_scoped3A = tpu.sem_alloc : memref<!tpu.dma_semaphore, #tpu.memory_space<semaphore_mem>>
        %dma_start3A = arith.constant 9600 : i32
        %dma_start3A_67 = arith.constant 0 : i32
        %dma_start3A_68 = tpu.memref_slice %arg11[%dma_start3A, %dma_start3A_67] : memref<10000x128xf32, #tpu.memory_space<vmem_shared>> -> memref<400x128xf32, #tpu.memory_space<vmem_shared>>
        %dma_start3A_69 = arith.constant 9600 : i32
        %dma_start3A_70 = arith.constant 0 : i32
        %dma_start3A_71 = tpu.memref_slice %arg6[%dma_start3A_69, %dma_start3A_70] : memref<10000x128xf32, #tpu.memory_space<hbm>> -> memref<400x128xf32, #tpu.memory_space<hbm>>
        tpu.enqueue_dma source(%dma_start3A_71 : memref<400x128xf32, #tpu.memory_space<hbm>>) target(%dma_start3A_68 : memref<400x128xf32, #tpu.memory_space<vmem_shared>>) target_semaphore(%run_scoped3A : memref<!tpu.dma_semaphore, #tpu.memory_space<semaphore_mem>>)
        %dma_wait3A = arith.constant 9600 : i32
        %dma_wait3A_72 = arith.constant 0 : i32
        %dma_wait3A_73 = tpu.memref_slice %arg11[%dma_wait3A, %dma_wait3A_72] : memref<10000x128xf32, #tpu.memory_space<vmem_shared>> -> memref<400x128xf32, #tpu.memory_space<vmem_shared>>
        %dma_wait3A_74 = arith.constant 9600 : i32
        %dma_wait3A_75 = arith.constant 0 : i32
        %dma_wait3A_76 = tpu.memref_slice %arg6[%dma_wait3A_74, %dma_wait3A_75] : memref<10000x128xf32, #tpu.memory_space<hbm>> -> memref<400x128xf32, #tpu.memory_space<hbm>>
        tpu.wait_dma2 semaphore(%run_scoped3A : memref<!tpu.dma_semaphore, #tpu.memory_space<semaphore_mem>>) src(%dma_wait3A_76 : memref<400x128xf32, #tpu.memory_space<hbm>>) dst(%dma_wait3A_73 : memref<400x128xf32, #tpu.memory_space<vmem_shared>>)
        tpu.yield
      }) : () -> ()
    } else {
    }
    %eq3A_7 = arith.constant 0 : i32
    %eq3A_8 = arith.cmpi eq, %arg0, %eq3A_7 : i32
    %eq3A_9 = arith.constant 0 : i32
    %eq3A_10 = arith.cmpi eq, %arg1, %eq3A_9 : i32
    %and3A = arith.andi %eq3A_8, %eq3A_10 : i1
    %convert_element_type3A_11 = arith.extui %and3A : i1 to i32
    %cond3A_12 = arith.constant 0 : i32
    %cond3A_13 = arith.cmpi ne, %convert_element_type3A_11, %cond3A_12 : i32
    scf.if %cond3A_13 {
      "tpu.region"() ({
        %run_scoped3A = tpu.sem_alloc : memref<!tpu.dma_semaphore, #tpu.memory_space<semaphore_mem>>
        tpu.enqueue_dma source(%arg7 : memref<10000xf32, #tpu.memory_space<hbm>>) target(%arg12 : memref<10000xf32, #tpu.memory_space<vmem_shared>>) target_semaphore(%run_scoped3A : memref<!tpu.dma_semaphore, #tpu.memory_space<semaphore_mem>>)
        tpu.wait_dma2 semaphore(%run_scoped3A : memref<!tpu.dma_semaphore, #tpu.memory_space<semaphore_mem>>) src(%arg7 : memref<10000xf32, #tpu.memory_space<hbm>>) dst(%arg12 : memref<10000xf32, #tpu.memory_space<vmem_shared>>)
        tpu.yield
      }) : () -> ()
    } else {
    }
    %barrier3A = arith.constant 0 : index
    tpu.barrier barrier_id(%barrier3A)
    %mul3A_14 = arith.constant 20000 : i32
    %mul3A_15 = arith.muli %arg1, %mul3A_14 : i32
    %eq3A_16 = arith.constant 0 : i32
    %eq3A_17 = arith.cmpi eq, %arg0, %eq3A_16 : i32
    %convert_element_type3A_18 = arith.extui %eq3A_17 : i1 to i32
    %cond3A_19 = arith.constant 0 : i32
    %cond3A_20 = arith.cmpi ne, %convert_element_type3A_18, %cond3A_19 : i32
    scf.if %cond3A_20 {
      %add3A = arith.constant 0 : i32
      %add3A_67 = arith.addi %mul3A_15, %add3A : i32
      %dma_start3A = tpu.memref_slice %arg2[%add3A_67] : memref<320000xi32, #tpu.memory_space<hbm>> -> memref<40xi32, #tpu.memory_space<hbm>>
      %dma_start3A_68 = tpu.memref_slice %arg2[%add3A_67] : memref<320000xi32, #tpu.memory_space<hbm>> -> memref<40xi32, #tpu.memory_space<hbm>>
      tpu.enqueue_dma source(%dma_start3A_68 : memref<40xi32, #tpu.memory_space<hbm>>) target(%arg13 : memref<40xi32, #tpu.memory_space<vmem>>) target_semaphore(%arg28 : memref<!tpu.dma_semaphore, #tpu.memory_space<semaphore_mem>>)
      %dma_start3A_69 = arith.constant 0 : i32
      %dma_start3A_70 = tpu.memref_slice %arg3[%add3A_67, %dma_start3A_69] : memref<320000x128xf32, #tpu.memory_space<hbm>> -> memref<40x128xf32, #tpu.memory_space<hbm>>
      %dma_start3A_71 = arith.constant 0 : i32
      %dma_start3A_72 = tpu.memref_slice %arg3[%add3A_67, %dma_start3A_71] : memref<320000x128xf32, #tpu.memory_space<hbm>> -> memref<40x128xf32, #tpu.memory_space<hbm>>
      tpu.enqueue_dma source(%dma_start3A_72 : memref<40x128xf32, #tpu.memory_space<hbm>>) target(%arg18 : memref<40x128xf32, #tpu.memory_space<vmem>>) target_semaphore(%arg33 : memref<!tpu.dma_semaphore, #tpu.memory_space<semaphore_mem>>)
      %dma_start3A_73 = tpu.memref_slice %arg5[%add3A_67] : memref<320000xf32, #tpu.memory_space<hbm>> -> memref<40xf32, #tpu.memory_space<hbm>>
      %dma_start3A_74 = tpu.memref_slice %arg5[%add3A_67] : memref<320000xf32, #tpu.memory_space<hbm>> -> memref<40xf32, #tpu.memory_space<hbm>>
      tpu.enqueue_dma source(%dma_start3A_74 : memref<40xf32, #tpu.memory_space<hbm>>) target(%arg23 : memref<40xf32, #tpu.memory_space<vmem>>) target_semaphore(%arg38 : memref<!tpu.dma_semaphore, #tpu.memory_space<semaphore_mem>>)
      %add3A_75 = arith.constant 40 : i32
      %add3A_76 = arith.addi %mul3A_15, %add3A_75 : i32
      %dma_start3A_77 = tpu.memref_slice %arg2[%add3A_76] : memref<320000xi32, #tpu.memory_space<hbm>> -> memref<40xi32, #tpu.memory_space<hbm>>
      %dma_start3A_78 = tpu.memref_slice %arg2[%add3A_76] : memref<320000xi32, #tpu.memory_space<hbm>> -> memref<40xi32, #tpu.memory_space<hbm>>
      tpu.enqueue_dma source(%dma_start3A_78 : memref<40xi32, #tpu.memory_space<hbm>>) target(%arg14 : memref<40xi32, #tpu.memory_space<vmem>>) target_semaphore(%arg29 : memref<!tpu.dma_semaphore, #tpu.memory_space<semaphore_mem>>)
      %dma_start3A_79 = arith.constant 0 : i32
      %dma_start3A_80 = tpu.memref_slice %arg3[%add3A_76, %dma_start3A_79] : memref<320000x128xf32, #tpu.memory_space<hbm>> -> memref<40x128xf32, #tpu.memory_space<hbm>>
      %dma_start3A_81 = arith.constant 0 : i32
      %dma_start3A_82 = tpu.memref_slice %arg3[%add3A_76, %dma_start3A_81] : memref<320000x128xf32, #tpu.memory_space<hbm>> -> memref<40x128xf32, #tpu.memory_space<hbm>>
      tpu.enqueue_dma source(%dma_start3A_82 : memref<40x128xf32, #tpu.memory_space<hbm>>) target(%arg19 : memref<40x128xf32, #tpu.memory_space<vmem>>) target_semaphore(%arg34 : memref<!tpu.dma_semaphore, #tpu.memory_space<semaphore_mem>>)
      %dma_start3A_83 = tpu.memref_slice %arg5[%add3A_76] : memref<320000xf32, #tpu.memory_space<hbm>> -> memref<40xf32, #tpu.memory_space<hbm>>
      %dma_start3A_84 = tpu.memref_slice %arg5[%add3A_76] : memref<320000xf32, #tpu.memory_space<hbm>> -> memref<40xf32, #tpu.memory_space<hbm>>
      tpu.enqueue_dma source(%dma_start3A_84 : memref<40xf32, #tpu.memory_space<hbm>>) target(%arg24 : memref<40xf32, #tpu.memory_space<vmem>>) target_semaphore(%arg39 : memref<!tpu.dma_semaphore, #tpu.memory_space<semaphore_mem>>)
      %add3A_85 = arith.constant 80 : i32
      %add3A_86 = arith.addi %mul3A_15, %add3A_85 : i32
      %dma_start3A_87 = tpu.memref_slice %arg2[%add3A_86] : memref<320000xi32, #tpu.memory_space<hbm>> -> memref<40xi32, #tpu.memory_space<hbm>>
      %dma_start3A_88 = tpu.memref_slice %arg2[%add3A_86] : memref<320000xi32, #tpu.memory_space<hbm>> -> memref<40xi32, #tpu.memory_space<hbm>>
      tpu.enqueue_dma source(%dma_start3A_88 : memref<40xi32, #tpu.memory_space<hbm>>) target(%arg15 : memref<40xi32, #tpu.memory_space<vmem>>) target_semaphore(%arg30 : memref<!tpu.dma_semaphore, #tpu.memory_space<semaphore_mem>>)
      %dma_start3A_89 = arith.constant 0 : i32
      %dma_start3A_90 = tpu.memref_slice %arg3[%add3A_86, %dma_start3A_89] : memref<320000x128xf32, #tpu.memory_space<hbm>> -> memref<40x128xf32, #tpu.memory_space<hbm>>
      %dma_start3A_91 = arith.constant 0 : i32
      %dma_start3A_92 = tpu.memref_slice %arg3[%add3A_86, %dma_start3A_91] : memref<320000x128xf32, #tpu.memory_space<hbm>> -> memref<40x128xf32, #tpu.memory_space<hbm>>
      tpu.enqueue_dma source(%dma_start3A_92 : memref<40x128xf32, #tpu.memory_space<hbm>>) target(%arg20 : memref<40x128xf32, #tpu.memory_space<vmem>>) target_semaphore(%arg35 : memref<!tpu.dma_semaphore, #tpu.memory_space<semaphore_mem>>)
      %dma_start3A_93 = tpu.memref_slice %arg5[%add3A_86] : memref<320000xf32, #tpu.memory_space<hbm>> -> memref<40xf32, #tpu.memory_space<hbm>>
      %dma_start3A_94 = tpu.memref_slice %arg5[%add3A_86] : memref<320000xf32, #tpu.memory_space<hbm>> -> memref<40xf32, #tpu.memory_space<hbm>>
      tpu.enqueue_dma source(%dma_start3A_94 : memref<40xf32, #tpu.memory_space<hbm>>) target(%arg25 : memref<40xf32, #tpu.memory_space<vmem>>) target_semaphore(%arg40 : memref<!tpu.dma_semaphore, #tpu.memory_space<semaphore_mem>>)
      %add3A_95 = arith.constant 120 : i32
      %add3A_96 = arith.addi %mul3A_15, %add3A_95 : i32
      %dma_start3A_97 = tpu.memref_slice %arg2[%add3A_96] : memref<320000xi32, #tpu.memory_space<hbm>> -> memref<40xi32, #tpu.memory_space<hbm>>
      %dma_start3A_98 = tpu.memref_slice %arg2[%add3A_96] : memref<320000xi32, #tpu.memory_space<hbm>> -> memref<40xi32, #tpu.memory_space<hbm>>
      tpu.enqueue_dma source(%dma_start3A_98 : memref<40xi32, #tpu.memory_space<hbm>>) target(%arg16 : memref<40xi32, #tpu.memory_space<vmem>>) target_semaphore(%arg31 : memref<!tpu.dma_semaphore, #tpu.memory_space<semaphore_mem>>)
      %dma_start3A_99 = arith.constant 0 : i32
      %dma_start3A_100 = tpu.memref_slice %arg3[%add3A_96, %dma_start3A_99] : memref<320000x128xf32, #tpu.memory_space<hbm>> -> memref<40x128xf32, #tpu.memory_space<hbm>>
      %dma_start3A_101 = arith.constant 0 : i32
      %dma_start3A_102 = tpu.memref_slice %arg3[%add3A_96, %dma_start3A_101] : memref<320000x128xf32, #tpu.memory_space<hbm>> -> memref<40x128xf32, #tpu.memory_space<hbm>>
      tpu.enqueue_dma source(%dma_start3A_102 : memref<40x128xf32, #tpu.memory_space<hbm>>) target(%arg21 : memref<40x128xf32, #tpu.memory_space<vmem>>) target_semaphore(%arg36 : memref<!tpu.dma_semaphore, #tpu.memory_space<semaphore_mem>>)
      %dma_start3A_103 = tpu.memref_slice %arg5[%add3A_96] : memref<320000xf32, #tpu.memory_space<hbm>> -> memref<40xf32, #tpu.memory_space<hbm>>
      %dma_start3A_104 = tpu.memref_slice %arg5[%add3A_96] : memref<320000xf32, #tpu.memory_space<hbm>> -> memref<40xf32, #tpu.memory_space<hbm>>
      tpu.enqueue_dma source(%dma_start3A_104 : memref<40xf32, #tpu.memory_space<hbm>>) target(%arg26 : memref<40xf32, #tpu.memory_space<vmem>>) target_semaphore(%arg41 : memref<!tpu.dma_semaphore, #tpu.memory_space<semaphore_mem>>)
      %add3A_105 = arith.constant 160 : i32
      %add3A_106 = arith.addi %mul3A_15, %add3A_105 : i32
      %dma_start3A_107 = tpu.memref_slice %arg2[%add3A_106] : memref<320000xi32, #tpu.memory_space<hbm>> -> memref<40xi32, #tpu.memory_space<hbm>>
      %dma_start3A_108 = tpu.memref_slice %arg2[%add3A_106] : memref<320000xi32, #tpu.memory_space<hbm>> -> memref<40xi32, #tpu.memory_space<hbm>>
      tpu.enqueue_dma source(%dma_start3A_108 : memref<40xi32, #tpu.memory_space<hbm>>) target(%arg17 : memref<40xi32, #tpu.memory_space<vmem>>) target_semaphore(%arg32 : memref<!tpu.dma_semaphore, #tpu.memory_space<semaphore_mem>>)
      %dma_start3A_109 = arith.constant 0 : i32
      %dma_start3A_110 = tpu.memref_slice %arg3[%add3A_106, %dma_start3A_109] : memref<320000x128xf32, #tpu.memory_space<hbm>> -> memref<40x128xf32, #tpu.memory_space<hbm>>
      %dma_start3A_111 = arith.constant 0 : i32
      %dma_start3A_112 = tpu.memref_slice %arg3[%add3A_106, %dma_start3A_111] : memref<320000x128xf32, #tpu.memory_space<hbm>> -> memref<40x128xf32, #tpu.memory_space<hbm>>
      tpu.enqueue_dma source(%dma_start3A_112 : memref<40x128xf32, #tpu.memory_space<hbm>>) target(%arg22 : memref<40x128xf32, #tpu.memory_space<vmem>>) target_semaphore(%arg37 : memref<!tpu.dma_semaphore, #tpu.memory_space<semaphore_mem>>)
      %dma_start3A_113 = tpu.memref_slice %arg5[%add3A_106] : memref<320000xf32, #tpu.memory_space<hbm>> -> memref<40xf32, #tpu.memory_space<hbm>>
      %dma_start3A_114 = tpu.memref_slice %arg5[%add3A_106] : memref<320000xf32, #tpu.memory_space<hbm>> -> memref<40xf32, #tpu.memory_space<hbm>>
      tpu.enqueue_dma source(%dma_start3A_114 : memref<40xf32, #tpu.memory_space<hbm>>) target(%arg27 : memref<40xf32, #tpu.memory_space<vmem>>) target_semaphore(%arg42 : memref<!tpu.dma_semaphore, #tpu.memory_space<semaphore_mem>>)
      %scan3A = arith.constant 0 : i32
      %scan3A_115 = arith.constant 0 : i32
      %scan3A_116 = arith.constant 100 : i32
      %scan3A_117 = arith.addi %scan3A_115, %scan3A_116 : i32
      %scan3A_118 = arith.constant 1 : i32
      scf.for %scan3A_120 = %scan3A_115 to %scan3A_117 step %scan3A_118  : i32 {
        %dma_wait3A = tpu.memref_slice %arg2[%mul3A_15] : memref<320000xi32, #tpu.memory_space<hbm>> -> memref<40xi32, #tpu.memory_space<hbm>>
        %dma_wait3A_121 = tpu.memref_slice %arg2[%mul3A_15] : memref<320000xi32, #tpu.memory_space<hbm>> -> memref<40xi32, #tpu.memory_space<hbm>>
        tpu.wait_dma2 semaphore(%arg28 : memref<!tpu.dma_semaphore, #tpu.memory_space<semaphore_mem>>) src(%dma_wait3A_121 : memref<40xi32, #tpu.memory_space<hbm>>) dst(%arg13 : memref<40xi32, #tpu.memory_space<vmem>>)
        %dma_wait3A_122 = arith.constant 0 : i32
        %dma_wait3A_123 = tpu.memref_slice %arg3[%mul3A_15, %dma_wait3A_122] : memref<320000x128xf32, #tpu.memory_space<hbm>> -> memref<40x128xf32, #tpu.memory_space<hbm>>
        %dma_wait3A_124 = arith.constant 0 : i32
        %dma_wait3A_125 = tpu.memref_slice %arg3[%mul3A_15, %dma_wait3A_124] : memref<320000x128xf32, #tpu.memory_space<hbm>> -> memref<40x128xf32, #tpu.memory_space<hbm>>
        tpu.wait_dma2 semaphore(%arg33 : memref<!tpu.dma_semaphore, #tpu.memory_space<semaphore_mem>>) src(%dma_wait3A_125 : memref<40x128xf32, #tpu.memory_space<hbm>>) dst(%arg18 : memref<40x128xf32, #tpu.memory_space<vmem>>)
        %dma_start3A_126 = arith.constant 0 : i32
        %dma_start3A_127 = arith.constant 0 : i32
        %dma_start3A_128 = tpu.memref_slice %arg11[%dma_start3A_126, %dma_start3A_127] : memref<10000x128xf32, #tpu.memory_space<vmem_shared>> -> memref<10000x128xf32, #tpu.memory_space<vmem_shared>>
        tpu.enqueue_indirect_dma source(%arg18 : memref<40x128xf32, #tpu.memory_space<vmem>>) target(%dma_start3A_128 : memref<10000x128xf32, #tpu.memory_space<vmem_shared>>) offsets(%arg13 : memref<40xi32, #tpu.memory_space<vmem>>) semaphore(%arg43 : memref<!tpu.dma_semaphore, #tpu.memory_space<semaphore_mem>>) {add = true}
        %dma_wait3A_129 = tpu.memref_slice %arg5[%mul3A_15] : memref<320000xf32, #tpu.memory_space<hbm>> -> memref<40xf32, #tpu.memory_space<hbm>>
        %dma_wait3A_130 = tpu.memref_slice %arg5[%mul3A_15] : memref<320000xf32, #tpu.memory_space<hbm>> -> memref<40xf32, #tpu.memory_space<hbm>>
        tpu.wait_dma2 semaphore(%arg38 : memref<!tpu.dma_semaphore, #tpu.memory_space<semaphore_mem>>) src(%dma_wait3A_130 : memref<40xf32, #tpu.memory_space<hbm>>) dst(%arg23 : memref<40xf32, #tpu.memory_space<vmem>>)
        %dma_start3A_131 = arith.constant 0 : i32
        %dma_start3A_132 = tpu.memref_slice %arg12[%dma_start3A_131] : memref<10000xf32, #tpu.memory_space<vmem_shared>> -> memref<10000xf32, #tpu.memory_space<vmem_shared>>
        tpu.enqueue_indirect_dma source(%arg23 : memref<40xf32, #tpu.memory_space<vmem>>) target(%dma_start3A_132 : memref<10000xf32, #tpu.memory_space<vmem_shared>>) offsets(%arg13 : memref<40xi32, #tpu.memory_space<vmem>>) semaphore(%arg48 : memref<!tpu.dma_semaphore, #tpu.memory_space<semaphore_mem>>) {add = true}
        %dma_wait3A_133 = tpu.memref_slice %arg2[%mul3A_15] : memref<320000xi32, #tpu.memory_space<hbm>> -> memref<40xi32, #tpu.memory_space<hbm>>
        %dma_wait3A_134 = tpu.memref_slice %arg2[%mul3A_15] : memref<320000xi32, #tpu.memory_space<hbm>> -> memref<40xi32, #tpu.memory_space<hbm>>
        tpu.wait_dma2 semaphore(%arg29 : memref<!tpu.dma_semaphore, #tpu.memory_space<semaphore_mem>>) src(%dma_wait3A_134 : memref<40xi32, #tpu.memory_space<hbm>>) dst(%arg14 : memref<40xi32, #tpu.memory_space<vmem>>)
        %dma_wait3A_135 = arith.constant 0 : i32
        %dma_wait3A_136 = tpu.memref_slice %arg3[%mul3A_15, %dma_wait3A_135] : memref<320000x128xf32, #tpu.memory_space<hbm>> -> memref<40x128xf32, #tpu.memory_space<hbm>>
        %dma_wait3A_137 = arith.constant 0 : i32
        %dma_wait3A_138 = tpu.memref_slice %arg3[%mul3A_15, %dma_wait3A_137] : memref<320000x128xf32, #tpu.memory_space<hbm>> -> memref<40x128xf32, #tpu.memory_space<hbm>>
        tpu.wait_dma2 semaphore(%arg34 : memref<!tpu.dma_semaphore, #tpu.memory_space<semaphore_mem>>) src(%dma_wait3A_138 : memref<40x128xf32, #tpu.memory_space<hbm>>) dst(%arg19 : memref<40x128xf32, #tpu.memory_space<vmem>>)
        %dma_start3A_139 = arith.constant 0 : i32
        %dma_start3A_140 = arith.constant 0 : i32
        %dma_start3A_141 = tpu.memref_slice %arg11[%dma_start3A_139, %dma_start3A_140] : memref<10000x128xf32, #tpu.memory_space<vmem_shared>> -> memref<10000x128xf32, #tpu.memory_space<vmem_shared>>
        tpu.enqueue_indirect_dma source(%arg19 : memref<40x128xf32, #tpu.memory_space<vmem>>) target(%dma_start3A_141 : memref<10000x128xf32, #tpu.memory_space<vmem_shared>>) offsets(%arg14 : memref<40xi32, #tpu.memory_space<vmem>>) semaphore(%arg44 : memref<!tpu.dma_semaphore, #tpu.memory_space<semaphore_mem>>) {add = true}
        %dma_wait3A_142 = tpu.memref_slice %arg5[%mul3A_15] : memref<320000xf32, #tpu.memory_space<hbm>> -> memref<40xf32, #tpu.memory_space<hbm>>
        %dma_wait3A_143 = tpu.memref_slice %arg5[%mul3A_15] : memref<320000xf32, #tpu.memory_space<hbm>> -> memref<40xf32, #tpu.memory_space<hbm>>
        tpu.wait_dma2 semaphore(%arg39 : memref<!tpu.dma_semaphore, #tpu.memory_space<semaphore_mem>>) src(%dma_wait3A_143 : memref<40xf32, #tpu.memory_space<hbm>>) dst(%arg24 : memref<40xf32, #tpu.memory_space<vmem>>)
        %dma_start3A_144 = arith.constant 0 : i32
        %dma_start3A_145 = tpu.memref_slice %arg12[%dma_start3A_144] : memref<10000xf32, #tpu.memory_space<vmem_shared>> -> memref<10000xf32, #tpu.memory_space<vmem_shared>>
        tpu.enqueue_indirect_dma source(%arg24 : memref<40xf32, #tpu.memory_space<vmem>>) target(%dma_start3A_145 : memref<10000xf32, #tpu.memory_space<vmem_shared>>) offsets(%arg14 : memref<40xi32, #tpu.memory_space<vmem>>) semaphore(%arg49 : memref<!tpu.dma_semaphore, #tpu.memory_space<semaphore_mem>>) {add = true}
        %dma_wait3A_146 = tpu.memref_slice %arg2[%mul3A_15] : memref<320000xi32, #tpu.memory_space<hbm>> -> memref<40xi32, #tpu.memory_space<hbm>>
        %dma_wait3A_147 = tpu.memref_slice %arg2[%mul3A_15] : memref<320000xi32, #tpu.memory_space<hbm>> -> memref<40xi32, #tpu.memory_space<hbm>>
        tpu.wait_dma2 semaphore(%arg30 : memref<!tpu.dma_semaphore, #tpu.memory_space<semaphore_mem>>) src(%dma_wait3A_147 : memref<40xi32, #tpu.memory_space<hbm>>) dst(%arg15 : memref<40xi32, #tpu.memory_space<vmem>>)
        %dma_wait3A_148 = arith.constant 0 : i32
        %dma_wait3A_149 = tpu.memref_slice %arg3[%mul3A_15, %dma_wait3A_148] : memref<320000x128xf32, #tpu.memory_space<hbm>> -> memref<40x128xf32, #tpu.memory_space<hbm>>
        %dma_wait3A_150 = arith.constant 0 : i32
        %dma_wait3A_151 = tpu.memref_slice %arg3[%mul3A_15, %dma_wait3A_150] : memref<320000x128xf32, #tpu.memory_space<hbm>> -> memref<40x128xf32, #tpu.memory_space<hbm>>
        tpu.wait_dma2 semaphore(%arg35 : memref<!tpu.dma_semaphore, #tpu.memory_space<semaphore_mem>>) src(%dma_wait3A_151 : memref<40x128xf32, #tpu.memory_space<hbm>>) dst(%arg20 : memref<40x128xf32, #tpu.memory_space<vmem>>)
        %dma_start3A_152 = arith.constant 0 : i32
        %dma_start3A_153 = arith.constant 0 : i32
        %dma_start3A_154 = tpu.memref_slice %arg11[%dma_start3A_152, %dma_start3A_153] : memref<10000x128xf32, #tpu.memory_space<vmem_shared>> -> memref<10000x128xf32, #tpu.memory_space<vmem_shared>>
        tpu.enqueue_indirect_dma source(%arg20 : memref<40x128xf32, #tpu.memory_space<vmem>>) target(%dma_start3A_154 : memref<10000x128xf32, #tpu.memory_space<vmem_shared>>) offsets(%arg15 : memref<40xi32, #tpu.memory_space<vmem>>) semaphore(%arg45 : memref<!tpu.dma_semaphore, #tpu.memory_space<semaphore_mem>>) {add = true}
        %dma_wait3A_155 = tpu.memref_slice %arg5[%mul3A_15] : memref<320000xf32, #tpu.memory_space<hbm>> -> memref<40xf32, #tpu.memory_space<hbm>>
        %dma_wait3A_156 = tpu.memref_slice %arg5[%mul3A_15] : memref<320000xf32, #tpu.memory_space<hbm>> -> memref<40xf32, #tpu.memory_space<hbm>>
        tpu.wait_dma2 semaphore(%arg40 : memref<!tpu.dma_semaphore, #tpu.memory_space<semaphore_mem>>) src(%dma_wait3A_156 : memref<40xf32, #tpu.memory_space<hbm>>) dst(%arg25 : memref<40xf32, #tpu.memory_space<vmem>>)
        %dma_start3A_157 = arith.constant 0 : i32
        %dma_start3A_158 = tpu.memref_slice %arg12[%dma_start3A_157] : memref<10000xf32, #tpu.memory_space<vmem_shared>> -> memref<10000xf32, #tpu.memory_space<vmem_shared>>
        tpu.enqueue_indirect_dma source(%arg25 : memref<40xf32, #tpu.memory_space<vmem>>) target(%dma_start3A_158 : memref<10000xf32, #tpu.memory_space<vmem_shared>>) offsets(%arg15 : memref<40xi32, #tpu.memory_space<vmem>>) semaphore(%arg50 : memref<!tpu.dma_semaphore, #tpu.memory_space<semaphore_mem>>) {add = true}
        %dma_wait3A_159 = tpu.memref_slice %arg2[%mul3A_15] : memref<320000xi32, #tpu.memory_space<hbm>> -> memref<40xi32, #tpu.memory_space<hbm>>
        %dma_wait3A_160 = tpu.memref_slice %arg2[%mul3A_15] : memref<320000xi32, #tpu.memory_space<hbm>> -> memref<40xi32, #tpu.memory_space<hbm>>
        tpu.wait_dma2 semaphore(%arg31 : memref<!tpu.dma_semaphore, #tpu.memory_space<semaphore_mem>>) src(%dma_wait3A_160 : memref<40xi32, #tpu.memory_space<hbm>>) dst(%arg16 : memref<40xi32, #tpu.memory_space<vmem>>)
        %dma_wait3A_161 = arith.constant 0 : i32
        %dma_wait3A_162 = tpu.memref_slice %arg3[%mul3A_15, %dma_wait3A_161] : memref<320000x128xf32, #tpu.memory_space<hbm>> -> memref<40x128xf32, #tpu.memory_space<hbm>>
        %dma_wait3A_163 = arith.constant 0 : i32
        %dma_wait3A_164 = tpu.memref_slice %arg3[%mul3A_15, %dma_wait3A_163] : memref<320000x128xf32, #tpu.memory_space<hbm>> -> memref<40x128xf32, #tpu.memory_space<hbm>>
        tpu.wait_dma2 semaphore(%arg36 : memref<!tpu.dma_semaphore, #tpu.memory_space<semaphore_mem>>) src(%dma_wait3A_164 : memref<40x128xf32, #tpu.memory_space<hbm>>) dst(%arg21 : memref<40x128xf32, #tpu.memory_space<vmem>>)
        %dma_start3A_165 = arith.constant 0 : i32
        %dma_start3A_166 = arith.constant 0 : i32
        %dma_start3A_167 = tpu.memref_slice %arg11[%dma_start3A_165, %dma_start3A_166] : memref<10000x128xf32, #tpu.memory_space<vmem_shared>> -> memref<10000x128xf32, #tpu.memory_space<vmem_shared>>
        tpu.enqueue_indirect_dma source(%arg21 : memref<40x128xf32, #tpu.memory_space<vmem>>) target(%dma_start3A_167 : memref<10000x128xf32, #tpu.memory_space<vmem_shared>>) offsets(%arg16 : memref<40xi32, #tpu.memory_space<vmem>>) semaphore(%arg46 : memref<!tpu.dma_semaphore, #tpu.memory_space<semaphore_mem>>) {add = true}
        %dma_wait3A_168 = tpu.memref_slice %arg5[%mul3A_15] : memref<320000xf32, #tpu.memory_space<hbm>> -> memref<40xf32, #tpu.memory_space<hbm>>
        %dma_wait3A_169 = tpu.memref_slice %arg5[%mul3A_15] : memref<320000xf32, #tpu.memory_space<hbm>> -> memref<40xf32, #tpu.memory_space<hbm>>
        tpu.wait_dma2 semaphore(%arg41 : memref<!tpu.dma_semaphore, #tpu.memory_space<semaphore_mem>>) src(%dma_wait3A_169 : memref<40xf32, #tpu.memory_space<hbm>>) dst(%arg26 : memref<40xf32, #tpu.memory_space<vmem>>)
        %dma_start3A_170 = arith.constant 0 : i32
        %dma_start3A_171 = tpu.memref_slice %arg12[%dma_start3A_170] : memref<10000xf32, #tpu.memory_space<vmem_shared>> -> memref<10000xf32, #tpu.memory_space<vmem_shared>>
        tpu.enqueue_indirect_dma source(%arg26 : memref<40xf32, #tpu.memory_space<vmem>>) target(%dma_start3A_171 : memref<10000xf32, #tpu.memory_space<vmem_shared>>) offsets(%arg16 : memref<40xi32, #tpu.memory_space<vmem>>) semaphore(%arg51 : memref<!tpu.dma_semaphore, #tpu.memory_space<semaphore_mem>>) {add = true}
        %dma_wait3A_172 = tpu.memref_slice %arg2[%mul3A_15] : memref<320000xi32, #tpu.memory_space<hbm>> -> memref<40xi32, #tpu.memory_space<hbm>>
        %dma_wait3A_173 = tpu.memref_slice %arg2[%mul3A_15] : memref<320000xi32, #tpu.memory_space<hbm>> -> memref<40xi32, #tpu.memory_space<hbm>>
        tpu.wait_dma2 semaphore(%arg32 : memref<!tpu.dma_semaphore, #tpu.memory_space<semaphore_mem>>) src(%dma_wait3A_173 : memref<40xi32, #tpu.memory_space<hbm>>) dst(%arg17 : memref<40xi32, #tpu.memory_space<vmem>>)
        %dma_wait3A_174 = arith.constant 0 : i32
        %dma_wait3A_175 = tpu.memref_slice %arg3[%mul3A_15, %dma_wait3A_174] : memref<320000x128xf32, #tpu.memory_space<hbm>> -> memref<40x128xf32, #tpu.memory_space<hbm>>
        %dma_wait3A_176 = arith.constant 0 : i32
        %dma_wait3A_177 = tpu.memref_slice %arg3[%mul3A_15, %dma_wait3A_176] : memref<320000x128xf32, #tpu.memory_space<hbm>> -> memref<40x128xf32, #tpu.memory_space<hbm>>
        tpu.wait_dma2 semaphore(%arg37 : memref<!tpu.dma_semaphore, #tpu.memory_space<semaphore_mem>>) src(%dma_wait3A_177 : memref<40x128xf32, #tpu.memory_space<hbm>>) dst(%arg22 : memref<40x128xf32, #tpu.memory_space<vmem>>)
        %dma_start3A_178 = arith.constant 0 : i32
        %dma_start3A_179 = arith.constant 0 : i32
        %dma_start3A_180 = tpu.memref_slice %arg11[%dma_start3A_178, %dma_start3A_179] : memref<10000x128xf32, #tpu.memory_space<vmem_shared>> -> memref<10000x128xf32, #tpu.memory_space<vmem_shared>>
        tpu.enqueue_indirect_dma source(%arg22 : memref<40x128xf32, #tpu.memory_space<vmem>>) target(%dma_start3A_180 : memref<10000x128xf32, #tpu.memory_space<vmem_shared>>) offsets(%arg17 : memref<40xi32, #tpu.memory_space<vmem>>) semaphore(%arg47 : memref<!tpu.dma_semaphore, #tpu.memory_space<semaphore_mem>>) {add = true}
        %dma_wait3A_181 = tpu.memref_slice %arg5[%mul3A_15] : memref<320000xf32, #tpu.memory_space<hbm>> -> memref<40xf32, #tpu.memory_space<hbm>>
        %dma_wait3A_182 = tpu.memref_slice %arg5[%mul3A_15] : memref<320000xf32, #tpu.memory_space<hbm>> -> memref<40xf32, #tpu.memory_space<hbm>>
        tpu.wait_dma2 semaphore(%arg42 : memref<!tpu.dma_semaphore, #tpu.memory_space<semaphore_mem>>) src(%dma_wait3A_182 : memref<40xf32, #tpu.memory_space<hbm>>) dst(%arg27 : memref<40xf32, #tpu.memory_space<vmem>>)
        %dma_start3A_183 = arith.constant 0 : i32
        %dma_start3A_184 = tpu.memref_slice %arg12[%dma_start3A_183] : memref<10000xf32, #tpu.memory_space<vmem_shared>> -> memref<10000xf32, #tpu.memory_space<vmem_shared>>
        tpu.enqueue_indirect_dma source(%arg27 : memref<40xf32, #tpu.memory_space<vmem>>) target(%dma_start3A_184 : memref<10000xf32, #tpu.memory_space<vmem_shared>>) offsets(%arg17 : memref<40xi32, #tpu.memory_space<vmem>>) semaphore(%arg52 : memref<!tpu.dma_semaphore, #tpu.memory_space<semaphore_mem>>) {add = true}
        %mul3A_185 = arith.constant 5 : i32
        %mul3A_186 = arith.muli %scan3A_120, %mul3A_185 : i32
        %add3A_187 = arith.constant 0 : i32
        %add3A_188 = arith.addi %mul3A_186, %add3A_187 : i32
        %dma_wait3A_189 = arith.constant 0 : i32
        %dma_wait3A_190 = arith.constant 0 : i32
        %dma_wait3A_191 = tpu.memref_slice %arg11[%dma_wait3A_189, %dma_wait3A_190] : memref<10000x128xf32, #tpu.memory_space<vmem_shared>> -> memref<10000x128xf32, #tpu.memory_space<vmem_shared>>
        tpu.wait_indirect_dma semaphore(%arg43 : memref<!tpu.dma_semaphore, #tpu.memory_space<semaphore_mem>>) src(%arg18 : memref<40x128xf32, #tpu.memory_space<vmem>>) dst(%dma_wait3A_191 : memref<10000x128xf32, #tpu.memory_space<vmem_shared>>)
        %dma_wait3A_192 = arith.constant 0 : i32
        %dma_wait3A_193 = tpu.memref_slice %arg12[%dma_wait3A_192] : memref<10000xf32, #tpu.memory_space<vmem_shared>> -> memref<10000xf32, #tpu.memory_space<vmem_shared>>
        tpu.wait_indirect_dma semaphore(%arg48 : memref<!tpu.dma_semaphore, #tpu.memory_space<semaphore_mem>>) src(%arg23 : memref<40xf32, #tpu.memory_space<vmem>>) dst(%dma_wait3A_193 : memref<10000xf32, #tpu.memory_space<vmem_shared>>)
        %lt3A_194 = arith.constant 99 : i32
        %lt3A_195 = arith.cmpi slt, %scan3A_120, %lt3A_194 : i32
        %convert_element_type3A_196 = arith.extui %lt3A_195 : i1 to i32
        %cond3A_197 = arith.constant 0 : i32
        %cond3A_198 = arith.cmpi ne, %convert_element_type3A_196, %cond3A_197 : i32
        scf.if %cond3A_198 {
          %add3A_255 = arith.constant 5 : i32
          %add3A_256 = arith.addi %add3A_188, %add3A_255 : i32
          %mul3A_257 = arith.constant 40 : i32
          %mul3A_258 = arith.muli %add3A_256, %mul3A_257 : i32
          %add3A_259 = arith.addi %mul3A_15, %mul3A_258 : i32
          %dma_start3A_260 = tpu.memref_slice %arg2[%add3A_259] : memref<320000xi32, #tpu.memory_space<hbm>> -> memref<40xi32, #tpu.memory_space<hbm>>
          %dma_start3A_261 = tpu.memref_slice %arg2[%add3A_259] : memref<320000xi32, #tpu.memory_space<hbm>> -> memref<40xi32, #tpu.memory_space<hbm>>
          tpu.enqueue_dma source(%dma_start3A_261 : memref<40xi32, #tpu.memory_space<hbm>>) target(%arg13 : memref<40xi32, #tpu.memory_space<vmem>>) target_semaphore(%arg28 : memref<!tpu.dma_semaphore, #tpu.memory_space<semaphore_mem>>)
          %dma_start3A_262 = arith.constant 0 : i32
          %dma_start3A_263 = tpu.memref_slice %arg3[%add3A_259, %dma_start3A_262] : memref<320000x128xf32, #tpu.memory_space<hbm>> -> memref<40x128xf32, #tpu.memory_space<hbm>>
          %dma_start3A_264 = arith.constant 0 : i32
          %dma_start3A_265 = tpu.memref_slice %arg3[%add3A_259, %dma_start3A_264] : memref<320000x128xf32, #tpu.memory_space<hbm>> -> memref<40x128xf32, #tpu.memory_space<hbm>>
          tpu.enqueue_dma source(%dma_start3A_265 : memref<40x128xf32, #tpu.memory_space<hbm>>) target(%arg18 : memref<40x128xf32, #tpu.memory_space<vmem>>) target_semaphore(%arg33 : memref<!tpu.dma_semaphore, #tpu.memory_space<semaphore_mem>>)
          %dma_start3A_266 = tpu.memref_slice %arg5[%add3A_259] : memref<320000xf32, #tpu.memory_space<hbm>> -> memref<40xf32, #tpu.memory_space<hbm>>
          %dma_start3A_267 = tpu.memref_slice %arg5[%add3A_259] : memref<320000xf32, #tpu.memory_space<hbm>> -> memref<40xf32, #tpu.memory_space<hbm>>
          tpu.enqueue_dma source(%dma_start3A_267 : memref<40xf32, #tpu.memory_space<hbm>>) target(%arg23 : memref<40xf32, #tpu.memory_space<vmem>>) target_semaphore(%arg38 : memref<!tpu.dma_semaphore, #tpu.memory_space<semaphore_mem>>)
        } else {
        }
        %mul3A_199 = arith.constant 5 : i32
        %mul3A_200 = arith.muli %scan3A_120, %mul3A_199 : i32
        %add3A_201 = arith.constant 1 : i32
        %add3A_202 = arith.addi %mul3A_200, %add3A_201 : i32
        %dma_wait3A_203 = arith.constant 0 : i32
        %dma_wait3A_204 = arith.constant 0 : i32
        %dma_wait3A_205 = tpu.memref_slice %arg11[%dma_wait3A_203, %dma_wait3A_204] : memref<10000x128xf32, #tpu.memory_space<vmem_shared>> -> memref<10000x128xf32, #tpu.memory_space<vmem_shared>>
        tpu.wait_indirect_dma semaphore(%arg44 : memref<!tpu.dma_semaphore, #tpu.memory_space<semaphore_mem>>) src(%arg19 : memref<40x128xf32, #tpu.memory_space<vmem>>) dst(%dma_wait3A_205 : memref<10000x128xf32, #tpu.memory_space<vmem_shared>>)
        %dma_wait3A_206 = arith.constant 0 : i32
        %dma_wait3A_207 = tpu.memref_slice %arg12[%dma_wait3A_206] : memref<10000xf32, #tpu.memory_space<vmem_shared>> -> memref<10000xf32, #tpu.memory_space<vmem_shared>>
        tpu.wait_indirect_dma semaphore(%arg49 : memref<!tpu.dma_semaphore, #tpu.memory_space<semaphore_mem>>) src(%arg24 : memref<40xf32, #tpu.memory_space<vmem>>) dst(%dma_wait3A_207 : memref<10000xf32, #tpu.memory_space<vmem_shared>>)
        %lt3A_208 = arith.constant 99 : i32
        %lt3A_209 = arith.cmpi slt, %scan3A_120, %lt3A_208 : i32
        %convert_element_type3A_210 = arith.extui %lt3A_209 : i1 to i32
        %cond3A_211 = arith.constant 0 : i32
        %cond3A_212 = arith.cmpi ne, %convert_element_type3A_210, %cond3A_211 : i32
        scf.if %cond3A_212 {
          %add3A_255 = arith.constant 5 : i32
          %add3A_256 = arith.addi %add3A_202, %add3A_255 : i32
          %mul3A_257 = arith.constant 40 : i32
          %mul3A_258 = arith.muli %add3A_256, %mul3A_257 : i32
          %add3A_259 = arith.addi %mul3A_15, %mul3A_258 : i32
          %dma_start3A_260 = tpu.memref_slice %arg2[%add3A_259] : memref<320000xi32, #tpu.memory_space<hbm>> -> memref<40xi32, #tpu.memory_space<hbm>>
          %dma_start3A_261 = tpu.memref_slice %arg2[%add3A_259] : memref<320000xi32, #tpu.memory_space<hbm>> -> memref<40xi32, #tpu.memory_space<hbm>>
          tpu.enqueue_dma source(%dma_start3A_261 : memref<40xi32, #tpu.memory_space<hbm>>) target(%arg14 : memref<40xi32, #tpu.memory_space<vmem>>) target_semaphore(%arg29 : memref<!tpu.dma_semaphore, #tpu.memory_space<semaphore_mem>>)
          %dma_start3A_262 = arith.constant 0 : i32
          %dma_start3A_263 = tpu.memref_slice %arg3[%add3A_259, %dma_start3A_262] : memref<320000x128xf32, #tpu.memory_space<hbm>> -> memref<40x128xf32, #tpu.memory_space<hbm>>
          %dma_start3A_264 = arith.constant 0 : i32
          %dma_start3A_265 = tpu.memref_slice %arg3[%add3A_259, %dma_start3A_264] : memref<320000x128xf32, #tpu.memory_space<hbm>> -> memref<40x128xf32, #tpu.memory_space<hbm>>
          tpu.enqueue_dma source(%dma_start3A_265 : memref<40x128xf32, #tpu.memory_space<hbm>>) target(%arg19 : memref<40x128xf32, #tpu.memory_space<vmem>>) target_semaphore(%arg34 : memref<!tpu.dma_semaphore, #tpu.memory_space<semaphore_mem>>)
          %dma_start3A_266 = tpu.memref_slice %arg5[%add3A_259] : memref<320000xf32, #tpu.memory_space<hbm>> -> memref<40xf32, #tpu.memory_space<hbm>>
          %dma_start3A_267 = tpu.memref_slice %arg5[%add3A_259] : memref<320000xf32, #tpu.memory_space<hbm>> -> memref<40xf32, #tpu.memory_space<hbm>>
          tpu.enqueue_dma source(%dma_start3A_267 : memref<40xf32, #tpu.memory_space<hbm>>) target(%arg24 : memref<40xf32, #tpu.memory_space<vmem>>) target_semaphore(%arg39 : memref<!tpu.dma_semaphore, #tpu.memory_space<semaphore_mem>>)
        } else {
        }
        %mul3A_213 = arith.constant 5 : i32
        %mul3A_214 = arith.muli %scan3A_120, %mul3A_213 : i32
        %add3A_215 = arith.constant 2 : i32
        %add3A_216 = arith.addi %mul3A_214, %add3A_215 : i32
        %dma_wait3A_217 = arith.constant 0 : i32
        %dma_wait3A_218 = arith.constant 0 : i32
        %dma_wait3A_219 = tpu.memref_slice %arg11[%dma_wait3A_217, %dma_wait3A_218] : memref<10000x128xf32, #tpu.memory_space<vmem_shared>> -> memref<10000x128xf32, #tpu.memory_space<vmem_shared>>
        tpu.wait_indirect_dma semaphore(%arg45 : memref<!tpu.dma_semaphore, #tpu.memory_space<semaphore_mem>>) src(%arg20 : memref<40x128xf32, #tpu.memory_space<vmem>>) dst(%dma_wait3A_219 : memref<10000x128xf32, #tpu.memory_space<vmem_shared>>)
        %dma_wait3A_220 = arith.constant 0 : i32
        %dma_wait3A_221 = tpu.memref_slice %arg12[%dma_wait3A_220] : memref<10000xf32, #tpu.memory_space<vmem_shared>> -> memref<10000xf32, #tpu.memory_space<vmem_shared>>
        tpu.wait_indirect_dma semaphore(%arg50 : memref<!tpu.dma_semaphore, #tpu.memory_space<semaphore_mem>>) src(%arg25 : memref<40xf32, #tpu.memory_space<vmem>>) dst(%dma_wait3A_221 : memref<10000xf32, #tpu.memory_space<vmem_shared>>)
        %lt3A_222 = arith.constant 99 : i32
        %lt3A_223 = arith.cmpi slt, %scan3A_120, %lt3A_222 : i32
        %convert_element_type3A_224 = arith.extui %lt3A_223 : i1 to i32
        %cond3A_225 = arith.constant 0 : i32
        %cond3A_226 = arith.cmpi ne, %convert_element_type3A_224, %cond3A_225 : i32
        scf.if %cond3A_226 {
          %add3A_255 = arith.constant 5 : i32
          %add3A_256 = arith.addi %add3A_216, %add3A_255 : i32
          %mul3A_257 = arith.constant 40 : i32
          %mul3A_258 = arith.muli %add3A_256, %mul3A_257 : i32
          %add3A_259 = arith.addi %mul3A_15, %mul3A_258 : i32
          %dma_start3A_260 = tpu.memref_slice %arg2[%add3A_259] : memref<320000xi32, #tpu.memory_space<hbm>> -> memref<40xi32, #tpu.memory_space<hbm>>
          %dma_start3A_261 = tpu.memref_slice %arg2[%add3A_259] : memref<320000xi32, #tpu.memory_space<hbm>> -> memref<40xi32, #tpu.memory_space<hbm>>
          tpu.enqueue_dma source(%dma_start3A_261 : memref<40xi32, #tpu.memory_space<hbm>>) target(%arg15 : memref<40xi32, #tpu.memory_space<vmem>>) target_semaphore(%arg30 : memref<!tpu.dma_semaphore, #tpu.memory_space<semaphore_mem>>)
          %dma_start3A_262 = arith.constant 0 : i32
          %dma_start3A_263 = tpu.memref_slice %arg3[%add3A_259, %dma_start3A_262] : memref<320000x128xf32, #tpu.memory_space<hbm>> -> memref<40x128xf32, #tpu.memory_space<hbm>>
          %dma_start3A_264 = arith.constant 0 : i32
          %dma_start3A_265 = tpu.memref_slice %arg3[%add3A_259, %dma_start3A_264] : memref<320000x128xf32, #tpu.memory_space<hbm>> -> memref<40x128xf32, #tpu.memory_space<hbm>>
          tpu.enqueue_dma source(%dma_start3A_265 : memref<40x128xf32, #tpu.memory_space<hbm>>) target(%arg20 : memref<40x128xf32, #tpu.memory_space<vmem>>) target_semaphore(%arg35 : memref<!tpu.dma_semaphore, #tpu.memory_space<semaphore_mem>>)
          %dma_start3A_266 = tpu.memref_slice %arg5[%add3A_259] : memref<320000xf32, #tpu.memory_space<hbm>> -> memref<40xf32, #tpu.memory_space<hbm>>
          %dma_start3A_267 = tpu.memref_slice %arg5[%add3A_259] : memref<320000xf32, #tpu.memory_space<hbm>> -> memref<40xf32, #tpu.memory_space<hbm>>
          tpu.enqueue_dma source(%dma_start3A_267 : memref<40xf32, #tpu.memory_space<hbm>>) target(%arg25 : memref<40xf32, #tpu.memory_space<vmem>>) target_semaphore(%arg40 : memref<!tpu.dma_semaphore, #tpu.memory_space<semaphore_mem>>)
        } else {
        }
        %mul3A_227 = arith.constant 5 : i32
        %mul3A_228 = arith.muli %scan3A_120, %mul3A_227 : i32
        %add3A_229 = arith.constant 3 : i32
        %add3A_230 = arith.addi %mul3A_228, %add3A_229 : i32
        %dma_wait3A_231 = arith.constant 0 : i32
        %dma_wait3A_232 = arith.constant 0 : i32
        %dma_wait3A_233 = tpu.memref_slice %arg11[%dma_wait3A_231, %dma_wait3A_232] : memref<10000x128xf32, #tpu.memory_space<vmem_shared>> -> memref<10000x128xf32, #tpu.memory_space<vmem_shared>>
        tpu.wait_indirect_dma semaphore(%arg46 : memref<!tpu.dma_semaphore, #tpu.memory_space<semaphore_mem>>) src(%arg21 : memref<40x128xf32, #tpu.memory_space<vmem>>) dst(%dma_wait3A_233 : memref<10000x128xf32, #tpu.memory_space<vmem_shared>>)
        %dma_wait3A_234 = arith.constant 0 : i32
        %dma_wait3A_235 = tpu.memref_slice %arg12[%dma_wait3A_234] : memref<10000xf32, #tpu.memory_space<vmem_shared>> -> memref<10000xf32, #tpu.memory_space<vmem_shared>>
        tpu.wait_indirect_dma semaphore(%arg51 : memref<!tpu.dma_semaphore, #tpu.memory_space<semaphore_mem>>) src(%arg26 : memref<40xf32, #tpu.memory_space<vmem>>) dst(%dma_wait3A_235 : memref<10000xf32, #tpu.memory_space<vmem_shared>>)
        %lt3A_236 = arith.constant 99 : i32
        %lt3A_237 = arith.cmpi slt, %scan3A_120, %lt3A_236 : i32
        %convert_element_type3A_238 = arith.extui %lt3A_237 : i1 to i32
        %cond3A_239 = arith.constant 0 : i32
        %cond3A_240 = arith.cmpi ne, %convert_element_type3A_238, %cond3A_239 : i32
        scf.if %cond3A_240 {
          %add3A_255 = arith.constant 5 : i32
          %add3A_256 = arith.addi %add3A_230, %add3A_255 : i32
          %mul3A_257 = arith.constant 40 : i32
          %mul3A_258 = arith.muli %add3A_256, %mul3A_257 : i32
          %add3A_259 = arith.addi %mul3A_15, %mul3A_258 : i32
          %dma_start3A_260 = tpu.memref_slice %arg2[%add3A_259] : memref<320000xi32, #tpu.memory_space<hbm>> -> memref<40xi32, #tpu.memory_space<hbm>>
          %dma_start3A_261 = tpu.memref_slice %arg2[%add3A_259] : memref<320000xi32, #tpu.memory_space<hbm>> -> memref<40xi32, #tpu.memory_space<hbm>>
          tpu.enqueue_dma source(%dma_start3A_261 : memref<40xi32, #tpu.memory_space<hbm>>) target(%arg16 : memref<40xi32, #tpu.memory_space<vmem>>) target_semaphore(%arg31 : memref<!tpu.dma_semaphore, #tpu.memory_space<semaphore_mem>>)
          %dma_start3A_262 = arith.constant 0 : i32
          %dma_start3A_263 = tpu.memref_slice %arg3[%add3A_259, %dma_start3A_262] : memref<320000x128xf32, #tpu.memory_space<hbm>> -> memref<40x128xf32, #tpu.memory_space<hbm>>
          %dma_start3A_264 = arith.constant 0 : i32
          %dma_start3A_265 = tpu.memref_slice %arg3[%add3A_259, %dma_start3A_264] : memref<320000x128xf32, #tpu.memory_space<hbm>> -> memref<40x128xf32, #tpu.memory_space<hbm>>
          tpu.enqueue_dma source(%dma_start3A_265 : memref<40x128xf32, #tpu.memory_space<hbm>>) target(%arg21 : memref<40x128xf32, #tpu.memory_space<vmem>>) target_semaphore(%arg36 : memref<!tpu.dma_semaphore, #tpu.memory_space<semaphore_mem>>)
          %dma_start3A_266 = tpu.memref_slice %arg5[%add3A_259] : memref<320000xf32, #tpu.memory_space<hbm>> -> memref<40xf32, #tpu.memory_space<hbm>>
          %dma_start3A_267 = tpu.memref_slice %arg5[%add3A_259] : memref<320000xf32, #tpu.memory_space<hbm>> -> memref<40xf32, #tpu.memory_space<hbm>>
          tpu.enqueue_dma source(%dma_start3A_267 : memref<40xf32, #tpu.memory_space<hbm>>) target(%arg26 : memref<40xf32, #tpu.memory_space<vmem>>) target_semaphore(%arg41 : memref<!tpu.dma_semaphore, #tpu.memory_space<semaphore_mem>>)
        } else {
        }
        %mul3A_241 = arith.constant 5 : i32
        %mul3A_242 = arith.muli %scan3A_120, %mul3A_241 : i32
        %add3A_243 = arith.constant 4 : i32
        %add3A_244 = arith.addi %mul3A_242, %add3A_243 : i32
        %dma_wait3A_245 = arith.constant 0 : i32
        %dma_wait3A_246 = arith.constant 0 : i32
        %dma_wait3A_247 = tpu.memref_slice %arg11[%dma_wait3A_245, %dma_wait3A_246] : memref<10000x128xf32, #tpu.memory_space<vmem_shared>> -> memref<10000x128xf32, #tpu.memory_space<vmem_shared>>
        tpu.wait_indirect_dma semaphore(%arg47 : memref<!tpu.dma_semaphore, #tpu.memory_space<semaphore_mem>>) src(%arg22 : memref<40x128xf32, #tpu.memory_space<vmem>>) dst(%dma_wait3A_247 : memref<10000x128xf32, #tpu.memory_space<vmem_shared>>)
        %dma_wait3A_248 = arith.constant 0 : i32
        %dma_wait3A_249 = tpu.memref_slice %arg12[%dma_wait3A_248] : memref<10000xf32, #tpu.memory_space<vmem_shared>> -> memref<10000xf32, #tpu.memory_space<vmem_shared>>
        tpu.wait_indirect_dma semaphore(%arg52 : memref<!tpu.dma_semaphore, #tpu.memory_space<semaphore_mem>>) src(%arg27 : memref<40xf32, #tpu.memory_space<vmem>>) dst(%dma_wait3A_249 : memref<10000xf32, #tpu.memory_space<vmem_shared>>)
        %lt3A_250 = arith.constant 99 : i32
        %lt3A_251 = arith.cmpi slt, %scan3A_120, %lt3A_250 : i32
        %convert_element_type3A_252 = arith.extui %lt3A_251 : i1 to i32
        %cond3A_253 = arith.constant 0 : i32
        %cond3A_254 = arith.cmpi ne, %convert_element_type3A_252, %cond3A_253 : i32
        scf.if %cond3A_254 {
          %add3A_255 = arith.constant 5 : i32
          %add3A_256 = arith.addi %add3A_244, %add3A_255 : i32
          %mul3A_257 = arith.constant 40 : i32
          %mul3A_258 = arith.muli %add3A_256, %mul3A_257 : i32
          %add3A_259 = arith.addi %mul3A_15, %mul3A_258 : i32
          %dma_start3A_260 = tpu.memref_slice %arg2[%add3A_259] : memref<320000xi32, #tpu.memory_space<hbm>> -> memref<40xi32, #tpu.memory_space<hbm>>
          %dma_start3A_261 = tpu.memref_slice %arg2[%add3A_259] : memref<320000xi32, #tpu.memory_space<hbm>> -> memref<40xi32, #tpu.memory_space<hbm>>
          tpu.enqueue_dma source(%dma_start3A_261 : memref<40xi32, #tpu.memory_space<hbm>>) target(%arg17 : memref<40xi32, #tpu.memory_space<vmem>>) target_semaphore(%arg32 : memref<!tpu.dma_semaphore, #tpu.memory_space<semaphore_mem>>)
          %dma_start3A_262 = arith.constant 0 : i32
          %dma_start3A_263 = tpu.memref_slice %arg3[%add3A_259, %dma_start3A_262] : memref<320000x128xf32, #tpu.memory_space<hbm>> -> memref<40x128xf32, #tpu.memory_space<hbm>>
          %dma_start3A_264 = arith.constant 0 : i32
          %dma_start3A_265 = tpu.memref_slice %arg3[%add3A_259, %dma_start3A_264] : memref<320000x128xf32, #tpu.memory_space<hbm>> -> memref<40x128xf32, #tpu.memory_space<hbm>>
          tpu.enqueue_dma source(%dma_start3A_265 : memref<40x128xf32, #tpu.memory_space<hbm>>) target(%arg22 : memref<40x128xf32, #tpu.memory_space<vmem>>) target_semaphore(%arg37 : memref<!tpu.dma_semaphore, #tpu.memory_space<semaphore_mem>>)
          %dma_start3A_266 = tpu.memref_slice %arg5[%add3A_259] : memref<320000xf32, #tpu.memory_space<hbm>> -> memref<40xf32, #tpu.memory_space<hbm>>
          %dma_start3A_267 = tpu.memref_slice %arg5[%add3A_259] : memref<320000xf32, #tpu.memory_space<hbm>> -> memref<40xf32, #tpu.memory_space<hbm>>
          tpu.enqueue_dma source(%dma_start3A_267 : memref<40xf32, #tpu.memory_space<hbm>>) target(%arg27 : memref<40xf32, #tpu.memory_space<vmem>>) target_semaphore(%arg42 : memref<!tpu.dma_semaphore, #tpu.memory_space<semaphore_mem>>)
        } else {
        }
      }
      %scan3A_119 = arith.constant 100 : i32
    } else {
    }
    %eq3A_21 = arith.constant 1 : i32
    %eq3A_22 = arith.cmpi eq, %arg0, %eq3A_21 : i32
    %convert_element_type3A_23 = arith.extui %eq3A_22 : i1 to i32
    %cond3A_24 = arith.constant 0 : i32
    %cond3A_25 = arith.cmpi ne, %convert_element_type3A_23, %cond3A_24 : i32
    scf.if %cond3A_25 {
      %add3A = arith.constant 0 : i32
      %add3A_67 = arith.addi %mul3A_15, %add3A : i32
      %dma_start3A = tpu.memref_slice %arg2[%add3A_67] : memref<320000xi32, #tpu.memory_space<hbm>> -> memref<40xi32, #tpu.memory_space<hbm>>
      %dma_start3A_68 = tpu.memref_slice %arg2[%add3A_67] : memref<320000xi32, #tpu.memory_space<hbm>> -> memref<40xi32, #tpu.memory_space<hbm>>
      tpu.enqueue_dma source(%dma_start3A_68 : memref<40xi32, #tpu.memory_space<hbm>>) target(%arg13 : memref<40xi32, #tpu.memory_space<vmem>>) target_semaphore(%arg28 : memref<!tpu.dma_semaphore, #tpu.memory_space<semaphore_mem>>)
      %dma_start3A_69 = arith.constant 0 : i32
      %dma_start3A_70 = tpu.memref_slice %arg4[%add3A_67, %dma_start3A_69] : memref<320000x128xf32, #tpu.memory_space<hbm>> -> memref<40x128xf32, #tpu.memory_space<hbm>>
      %dma_start3A_71 = arith.constant 0 : i32
      %dma_start3A_72 = tpu.memref_slice %arg4[%add3A_67, %dma_start3A_71] : memref<320000x128xf32, #tpu.memory_space<hbm>> -> memref<40x128xf32, #tpu.memory_space<hbm>>
      tpu.enqueue_dma source(%dma_start3A_72 : memref<40x128xf32, #tpu.memory_space<hbm>>) target(%arg18 : memref<40x128xf32, #tpu.memory_space<vmem>>) target_semaphore(%arg33 : memref<!tpu.dma_semaphore, #tpu.memory_space<semaphore_mem>>)
      %add3A_73 = arith.constant 40 : i32
      %add3A_74 = arith.addi %mul3A_15, %add3A_73 : i32
      %dma_start3A_75 = tpu.memref_slice %arg2[%add3A_74] : memref<320000xi32, #tpu.memory_space<hbm>> -> memref<40xi32, #tpu.memory_space<hbm>>
      %dma_start3A_76 = tpu.memref_slice %arg2[%add3A_74] : memref<320000xi32, #tpu.memory_space<hbm>> -> memref<40xi32, #tpu.memory_space<hbm>>
      tpu.enqueue_dma source(%dma_start3A_76 : memref<40xi32, #tpu.memory_space<hbm>>) target(%arg14 : memref<40xi32, #tpu.memory_space<vmem>>) target_semaphore(%arg29 : memref<!tpu.dma_semaphore, #tpu.memory_space<semaphore_mem>>)
      %dma_start3A_77 = arith.constant 0 : i32
      %dma_start3A_78 = tpu.memref_slice %arg4[%add3A_74, %dma_start3A_77] : memref<320000x128xf32, #tpu.memory_space<hbm>> -> memref<40x128xf32, #tpu.memory_space<hbm>>
      %dma_start3A_79 = arith.constant 0 : i32
      %dma_start3A_80 = tpu.memref_slice %arg4[%add3A_74, %dma_start3A_79] : memref<320000x128xf32, #tpu.memory_space<hbm>> -> memref<40x128xf32, #tpu.memory_space<hbm>>
      tpu.enqueue_dma source(%dma_start3A_80 : memref<40x128xf32, #tpu.memory_space<hbm>>) target(%arg19 : memref<40x128xf32, #tpu.memory_space<vmem>>) target_semaphore(%arg34 : memref<!tpu.dma_semaphore, #tpu.memory_space<semaphore_mem>>)
      %add3A_81 = arith.constant 80 : i32
      %add3A_82 = arith.addi %mul3A_15, %add3A_81 : i32
      %dma_start3A_83 = tpu.memref_slice %arg2[%add3A_82] : memref<320000xi32, #tpu.memory_space<hbm>> -> memref<40xi32, #tpu.memory_space<hbm>>
      %dma_start3A_84 = tpu.memref_slice %arg2[%add3A_82] : memref<320000xi32, #tpu.memory_space<hbm>> -> memref<40xi32, #tpu.memory_space<hbm>>
      tpu.enqueue_dma source(%dma_start3A_84 : memref<40xi32, #tpu.memory_space<hbm>>) target(%arg15 : memref<40xi32, #tpu.memory_space<vmem>>) target_semaphore(%arg30 : memref<!tpu.dma_semaphore, #tpu.memory_space<semaphore_mem>>)
      %dma_start3A_85 = arith.constant 0 : i32
      %dma_start3A_86 = tpu.memref_slice %arg4[%add3A_82, %dma_start3A_85] : memref<320000x128xf32, #tpu.memory_space<hbm>> -> memref<40x128xf32, #tpu.memory_space<hbm>>
      %dma_start3A_87 = arith.constant 0 : i32
      %dma_start3A_88 = tpu.memref_slice %arg4[%add3A_82, %dma_start3A_87] : memref<320000x128xf32, #tpu.memory_space<hbm>> -> memref<40x128xf32, #tpu.memory_space<hbm>>
      tpu.enqueue_dma source(%dma_start3A_88 : memref<40x128xf32, #tpu.memory_space<hbm>>) target(%arg20 : memref<40x128xf32, #tpu.memory_space<vmem>>) target_semaphore(%arg35 : memref<!tpu.dma_semaphore, #tpu.memory_space<semaphore_mem>>)
      %add3A_89 = arith.constant 120 : i32
      %add3A_90 = arith.addi %mul3A_15, %add3A_89 : i32
      %dma_start3A_91 = tpu.memref_slice %arg2[%add3A_90] : memref<320000xi32, #tpu.memory_space<hbm>> -> memref<40xi32, #tpu.memory_space<hbm>>
      %dma_start3A_92 = tpu.memref_slice %arg2[%add3A_90] : memref<320000xi32, #tpu.memory_space<hbm>> -> memref<40xi32, #tpu.memory_space<hbm>>
      tpu.enqueue_dma source(%dma_start3A_92 : memref<40xi32, #tpu.memory_space<hbm>>) target(%arg16 : memref<40xi32, #tpu.memory_space<vmem>>) target_semaphore(%arg31 : memref<!tpu.dma_semaphore, #tpu.memory_space<semaphore_mem>>)
      %dma_start3A_93 = arith.constant 0 : i32
      %dma_start3A_94 = tpu.memref_slice %arg4[%add3A_90, %dma_start3A_93] : memref<320000x128xf32, #tpu.memory_space<hbm>> -> memref<40x128xf32, #tpu.memory_space<hbm>>
      %dma_start3A_95 = arith.constant 0 : i32
      %dma_start3A_96 = tpu.memref_slice %arg4[%add3A_90, %dma_start3A_95] : memref<320000x128xf32, #tpu.memory_space<hbm>> -> memref<40x128xf32, #tpu.memory_space<hbm>>
      tpu.enqueue_dma source(%dma_start3A_96 : memref<40x128xf32, #tpu.memory_space<hbm>>) target(%arg21 : memref<40x128xf32, #tpu.memory_space<vmem>>) target_semaphore(%arg36 : memref<!tpu.dma_semaphore, #tpu.memory_space<semaphore_mem>>)
      %add3A_97 = arith.constant 160 : i32
      %add3A_98 = arith.addi %mul3A_15, %add3A_97 : i32
      %dma_start3A_99 = tpu.memref_slice %arg2[%add3A_98] : memref<320000xi32, #tpu.memory_space<hbm>> -> memref<40xi32, #tpu.memory_space<hbm>>
      %dma_start3A_100 = tpu.memref_slice %arg2[%add3A_98] : memref<320000xi32, #tpu.memory_space<hbm>> -> memref<40xi32, #tpu.memory_space<hbm>>
      tpu.enqueue_dma source(%dma_start3A_100 : memref<40xi32, #tpu.memory_space<hbm>>) target(%arg17 : memref<40xi32, #tpu.memory_space<vmem>>) target_semaphore(%arg32 : memref<!tpu.dma_semaphore, #tpu.memory_space<semaphore_mem>>)
      %dma_start3A_101 = arith.constant 0 : i32
      %dma_start3A_102 = tpu.memref_slice %arg4[%add3A_98, %dma_start3A_101] : memref<320000x128xf32, #tpu.memory_space<hbm>> -> memref<40x128xf32, #tpu.memory_space<hbm>>
      %dma_start3A_103 = arith.constant 0 : i32
      %dma_start3A_104 = tpu.memref_slice %arg4[%add3A_98, %dma_start3A_103] : memref<320000x128xf32, #tpu.memory_space<hbm>> -> memref<40x128xf32, #tpu.memory_space<hbm>>
      tpu.enqueue_dma source(%dma_start3A_104 : memref<40x128xf32, #tpu.memory_space<hbm>>) target(%arg22 : memref<40x128xf32, #tpu.memory_space<vmem>>) target_semaphore(%arg37 : memref<!tpu.dma_semaphore, #tpu.memory_space<semaphore_mem>>)
      %scan3A = arith.constant 0 : i32
      %scan3A_105 = arith.constant 0 : i32
      %scan3A_106 = arith.constant 100 : i32
      %scan3A_107 = arith.addi %scan3A_105, %scan3A_106 : i32
      %scan3A_108 = arith.constant 1 : i32
      scf.for %scan3A_110 = %scan3A_105 to %scan3A_107 step %scan3A_108  : i32 {
        %dma_wait3A = tpu.memref_slice %arg2[%mul3A_15] : memref<320000xi32, #tpu.memory_space<hbm>> -> memref<40xi32, #tpu.memory_space<hbm>>
        %dma_wait3A_111 = tpu.memref_slice %arg2[%mul3A_15] : memref<320000xi32, #tpu.memory_space<hbm>> -> memref<40xi32, #tpu.memory_space<hbm>>
        tpu.wait_dma2 semaphore(%arg28 : memref<!tpu.dma_semaphore, #tpu.memory_space<semaphore_mem>>) src(%dma_wait3A_111 : memref<40xi32, #tpu.memory_space<hbm>>) dst(%arg13 : memref<40xi32, #tpu.memory_space<vmem>>)
        %dma_wait3A_112 = arith.constant 0 : i32
        %dma_wait3A_113 = tpu.memref_slice %arg4[%mul3A_15, %dma_wait3A_112] : memref<320000x128xf32, #tpu.memory_space<hbm>> -> memref<40x128xf32, #tpu.memory_space<hbm>>
        %dma_wait3A_114 = arith.constant 0 : i32
        %dma_wait3A_115 = tpu.memref_slice %arg4[%mul3A_15, %dma_wait3A_114] : memref<320000x128xf32, #tpu.memory_space<hbm>> -> memref<40x128xf32, #tpu.memory_space<hbm>>
        tpu.wait_dma2 semaphore(%arg33 : memref<!tpu.dma_semaphore, #tpu.memory_space<semaphore_mem>>) src(%dma_wait3A_115 : memref<40x128xf32, #tpu.memory_space<hbm>>) dst(%arg18 : memref<40x128xf32, #tpu.memory_space<vmem>>)
        %dma_start3A_116 = arith.constant 0 : i32
        %dma_start3A_117 = arith.constant 0 : i32
        %dma_start3A_118 = tpu.memref_slice %arg11[%dma_start3A_116, %dma_start3A_117] : memref<10000x128xf32, #tpu.memory_space<vmem_shared>> -> memref<10000x128xf32, #tpu.memory_space<vmem_shared>>
        tpu.enqueue_indirect_dma source(%arg18 : memref<40x128xf32, #tpu.memory_space<vmem>>) target(%dma_start3A_118 : memref<10000x128xf32, #tpu.memory_space<vmem_shared>>) offsets(%arg13 : memref<40xi32, #tpu.memory_space<vmem>>) semaphore(%arg43 : memref<!tpu.dma_semaphore, #tpu.memory_space<semaphore_mem>>) {add = true}
        %dma_wait3A_119 = tpu.memref_slice %arg2[%mul3A_15] : memref<320000xi32, #tpu.memory_space<hbm>> -> memref<40xi32, #tpu.memory_space<hbm>>
        %dma_wait3A_120 = tpu.memref_slice %arg2[%mul3A_15] : memref<320000xi32, #tpu.memory_space<hbm>> -> memref<40xi32, #tpu.memory_space<hbm>>
        tpu.wait_dma2 semaphore(%arg29 : memref<!tpu.dma_semaphore, #tpu.memory_space<semaphore_mem>>) src(%dma_wait3A_120 : memref<40xi32, #tpu.memory_space<hbm>>) dst(%arg14 : memref<40xi32, #tpu.memory_space<vmem>>)
        %dma_wait3A_121 = arith.constant 0 : i32
        %dma_wait3A_122 = tpu.memref_slice %arg4[%mul3A_15, %dma_wait3A_121] : memref<320000x128xf32, #tpu.memory_space<hbm>> -> memref<40x128xf32, #tpu.memory_space<hbm>>
        %dma_wait3A_123 = arith.constant 0 : i32
        %dma_wait3A_124 = tpu.memref_slice %arg4[%mul3A_15, %dma_wait3A_123] : memref<320000x128xf32, #tpu.memory_space<hbm>> -> memref<40x128xf32, #tpu.memory_space<hbm>>
        tpu.wait_dma2 semaphore(%arg34 : memref<!tpu.dma_semaphore, #tpu.memory_space<semaphore_mem>>) src(%dma_wait3A_124 : memref<40x128xf32, #tpu.memory_space<hbm>>) dst(%arg19 : memref<40x128xf32, #tpu.memory_space<vmem>>)
        %dma_start3A_125 = arith.constant 0 : i32
        %dma_start3A_126 = arith.constant 0 : i32
        %dma_start3A_127 = tpu.memref_slice %arg11[%dma_start3A_125, %dma_start3A_126] : memref<10000x128xf32, #tpu.memory_space<vmem_shared>> -> memref<10000x128xf32, #tpu.memory_space<vmem_shared>>
        tpu.enqueue_indirect_dma source(%arg19 : memref<40x128xf32, #tpu.memory_space<vmem>>) target(%dma_start3A_127 : memref<10000x128xf32, #tpu.memory_space<vmem_shared>>) offsets(%arg14 : memref<40xi32, #tpu.memory_space<vmem>>) semaphore(%arg44 : memref<!tpu.dma_semaphore, #tpu.memory_space<semaphore_mem>>) {add = true}
        %dma_wait3A_128 = tpu.memref_slice %arg2[%mul3A_15] : memref<320000xi32, #tpu.memory_space<hbm>> -> memref<40xi32, #tpu.memory_space<hbm>>
        %dma_wait3A_129 = tpu.memref_slice %arg2[%mul3A_15] : memref<320000xi32, #tpu.memory_space<hbm>> -> memref<40xi32, #tpu.memory_space<hbm>>
        tpu.wait_dma2 semaphore(%arg30 : memref<!tpu.dma_semaphore, #tpu.memory_space<semaphore_mem>>) src(%dma_wait3A_129 : memref<40xi32, #tpu.memory_space<hbm>>) dst(%arg15 : memref<40xi32, #tpu.memory_space<vmem>>)
        %dma_wait3A_130 = arith.constant 0 : i32
        %dma_wait3A_131 = tpu.memref_slice %arg4[%mul3A_15, %dma_wait3A_130] : memref<320000x128xf32, #tpu.memory_space<hbm>> -> memref<40x128xf32, #tpu.memory_space<hbm>>
        %dma_wait3A_132 = arith.constant 0 : i32
        %dma_wait3A_133 = tpu.memref_slice %arg4[%mul3A_15, %dma_wait3A_132] : memref<320000x128xf32, #tpu.memory_space<hbm>> -> memref<40x128xf32, #tpu.memory_space<hbm>>
        tpu.wait_dma2 semaphore(%arg35 : memref<!tpu.dma_semaphore, #tpu.memory_space<semaphore_mem>>) src(%dma_wait3A_133 : memref<40x128xf32, #tpu.memory_space<hbm>>) dst(%arg20 : memref<40x128xf32, #tpu.memory_space<vmem>>)
        %dma_start3A_134 = arith.constant 0 : i32
        %dma_start3A_135 = arith.constant 0 : i32
        %dma_start3A_136 = tpu.memref_slice %arg11[%dma_start3A_134, %dma_start3A_135] : memref<10000x128xf32, #tpu.memory_space<vmem_shared>> -> memref<10000x128xf32, #tpu.memory_space<vmem_shared>>
        tpu.enqueue_indirect_dma source(%arg20 : memref<40x128xf32, #tpu.memory_space<vmem>>) target(%dma_start3A_136 : memref<10000x128xf32, #tpu.memory_space<vmem_shared>>) offsets(%arg15 : memref<40xi32, #tpu.memory_space<vmem>>) semaphore(%arg45 : memref<!tpu.dma_semaphore, #tpu.memory_space<semaphore_mem>>) {add = true}
        %dma_wait3A_137 = tpu.memref_slice %arg2[%mul3A_15] : memref<320000xi32, #tpu.memory_space<hbm>> -> memref<40xi32, #tpu.memory_space<hbm>>
        %dma_wait3A_138 = tpu.memref_slice %arg2[%mul3A_15] : memref<320000xi32, #tpu.memory_space<hbm>> -> memref<40xi32, #tpu.memory_space<hbm>>
        tpu.wait_dma2 semaphore(%arg31 : memref<!tpu.dma_semaphore, #tpu.memory_space<semaphore_mem>>) src(%dma_wait3A_138 : memref<40xi32, #tpu.memory_space<hbm>>) dst(%arg16 : memref<40xi32, #tpu.memory_space<vmem>>)
        %dma_wait3A_139 = arith.constant 0 : i32
        %dma_wait3A_140 = tpu.memref_slice %arg4[%mul3A_15, %dma_wait3A_139] : memref<320000x128xf32, #tpu.memory_space<hbm>> -> memref<40x128xf32, #tpu.memory_space<hbm>>
        %dma_wait3A_141 = arith.constant 0 : i32
        %dma_wait3A_142 = tpu.memref_slice %arg4[%mul3A_15, %dma_wait3A_141] : memref<320000x128xf32, #tpu.memory_space<hbm>> -> memref<40x128xf32, #tpu.memory_space<hbm>>
        tpu.wait_dma2 semaphore(%arg36 : memref<!tpu.dma_semaphore, #tpu.memory_space<semaphore_mem>>) src(%dma_wait3A_142 : memref<40x128xf32, #tpu.memory_space<hbm>>) dst(%arg21 : memref<40x128xf32, #tpu.memory_space<vmem>>)
        %dma_start3A_143 = arith.constant 0 : i32
        %dma_start3A_144 = arith.constant 0 : i32
        %dma_start3A_145 = tpu.memref_slice %arg11[%dma_start3A_143, %dma_start3A_144] : memref<10000x128xf32, #tpu.memory_space<vmem_shared>> -> memref<10000x128xf32, #tpu.memory_space<vmem_shared>>
        tpu.enqueue_indirect_dma source(%arg21 : memref<40x128xf32, #tpu.memory_space<vmem>>) target(%dma_start3A_145 : memref<10000x128xf32, #tpu.memory_space<vmem_shared>>) offsets(%arg16 : memref<40xi32, #tpu.memory_space<vmem>>) semaphore(%arg46 : memref<!tpu.dma_semaphore, #tpu.memory_space<semaphore_mem>>) {add = true}
        %dma_wait3A_146 = tpu.memref_slice %arg2[%mul3A_15] : memref<320000xi32, #tpu.memory_space<hbm>> -> memref<40xi32, #tpu.memory_space<hbm>>
        %dma_wait3A_147 = tpu.memref_slice %arg2[%mul3A_15] : memref<320000xi32, #tpu.memory_space<hbm>> -> memref<40xi32, #tpu.memory_space<hbm>>
        tpu.wait_dma2 semaphore(%arg32 : memref<!tpu.dma_semaphore, #tpu.memory_space<semaphore_mem>>) src(%dma_wait3A_147 : memref<40xi32, #tpu.memory_space<hbm>>) dst(%arg17 : memref<40xi32, #tpu.memory_space<vmem>>)
        %dma_wait3A_148 = arith.constant 0 : i32
        %dma_wait3A_149 = tpu.memref_slice %arg4[%mul3A_15, %dma_wait3A_148] : memref<320000x128xf32, #tpu.memory_space<hbm>> -> memref<40x128xf32, #tpu.memory_space<hbm>>
        %dma_wait3A_150 = arith.constant 0 : i32
        %dma_wait3A_151 = tpu.memref_slice %arg4[%mul3A_15, %dma_wait3A_150] : memref<320000x128xf32, #tpu.memory_space<hbm>> -> memref<40x128xf32, #tpu.memory_space<hbm>>
        tpu.wait_dma2 semaphore(%arg37 : memref<!tpu.dma_semaphore, #tpu.memory_space<semaphore_mem>>) src(%dma_wait3A_151 : memref<40x128xf32, #tpu.memory_space<hbm>>) dst(%arg22 : memref<40x128xf32, #tpu.memory_space<vmem>>)
        %dma_start3A_152 = arith.constant 0 : i32
        %dma_start3A_153 = arith.constant 0 : i32
        %dma_start3A_154 = tpu.memref_slice %arg11[%dma_start3A_152, %dma_start3A_153] : memref<10000x128xf32, #tpu.memory_space<vmem_shared>> -> memref<10000x128xf32, #tpu.memory_space<vmem_shared>>
        tpu.enqueue_indirect_dma source(%arg22 : memref<40x128xf32, #tpu.memory_space<vmem>>) target(%dma_start3A_154 : memref<10000x128xf32, #tpu.memory_space<vmem_shared>>) offsets(%arg17 : memref<40xi32, #tpu.memory_space<vmem>>) semaphore(%arg47 : memref<!tpu.dma_semaphore, #tpu.memory_space<semaphore_mem>>) {add = true}
        %mul3A_155 = arith.constant 5 : i32
        %mul3A_156 = arith.muli %scan3A_110, %mul3A_155 : i32
        %add3A_157 = arith.constant 0 : i32
        %add3A_158 = arith.addi %mul3A_156, %add3A_157 : i32
        %dma_wait3A_159 = arith.constant 0 : i32
        %dma_wait3A_160 = arith.constant 0 : i32
        %dma_wait3A_161 = tpu.memref_slice %arg11[%dma_wait3A_159, %dma_wait3A_160] : memref<10000x128xf32, #tpu.memory_space<vmem_shared>> -> memref<10000x128xf32, #tpu.memory_space<vmem_shared>>
        tpu.wait_indirect_dma semaphore(%arg43 : memref<!tpu.dma_semaphore, #tpu.memory_space<semaphore_mem>>) src(%arg18 : memref<40x128xf32, #tpu.memory_space<vmem>>) dst(%dma_wait3A_161 : memref<10000x128xf32, #tpu.memory_space<vmem_shared>>)
        %lt3A_162 = arith.constant 99 : i32
        %lt3A_163 = arith.cmpi slt, %scan3A_110, %lt3A_162 : i32
        %convert_element_type3A_164 = arith.extui %lt3A_163 : i1 to i32
        %cond3A_165 = arith.constant 0 : i32
        %cond3A_166 = arith.cmpi ne, %convert_element_type3A_164, %cond3A_165 : i32
        scf.if %cond3A_166 {
          %add3A_215 = arith.constant 5 : i32
          %add3A_216 = arith.addi %add3A_158, %add3A_215 : i32
          %mul3A_217 = arith.constant 40 : i32
          %mul3A_218 = arith.muli %add3A_216, %mul3A_217 : i32
          %add3A_219 = arith.addi %mul3A_15, %mul3A_218 : i32
          %dma_start3A_220 = tpu.memref_slice %arg2[%add3A_219] : memref<320000xi32, #tpu.memory_space<hbm>> -> memref<40xi32, #tpu.memory_space<hbm>>
          %dma_start3A_221 = tpu.memref_slice %arg2[%add3A_219] : memref<320000xi32, #tpu.memory_space<hbm>> -> memref<40xi32, #tpu.memory_space<hbm>>
          tpu.enqueue_dma source(%dma_start3A_221 : memref<40xi32, #tpu.memory_space<hbm>>) target(%arg13 : memref<40xi32, #tpu.memory_space<vmem>>) target_semaphore(%arg28 : memref<!tpu.dma_semaphore, #tpu.memory_space<semaphore_mem>>)
          %dma_start3A_222 = arith.constant 0 : i32
          %dma_start3A_223 = tpu.memref_slice %arg4[%add3A_219, %dma_start3A_222] : memref<320000x128xf32, #tpu.memory_space<hbm>> -> memref<40x128xf32, #tpu.memory_space<hbm>>
          %dma_start3A_224 = arith.constant 0 : i32
          %dma_start3A_225 = tpu.memref_slice %arg4[%add3A_219, %dma_start3A_224] : memref<320000x128xf32, #tpu.memory_space<hbm>> -> memref<40x128xf32, #tpu.memory_space<hbm>>
          tpu.enqueue_dma source(%dma_start3A_225 : memref<40x128xf32, #tpu.memory_space<hbm>>) target(%arg18 : memref<40x128xf32, #tpu.memory_space<vmem>>) target_semaphore(%arg33 : memref<!tpu.dma_semaphore, #tpu.memory_space<semaphore_mem>>)
        } else {
        }
        %mul3A_167 = arith.constant 5 : i32
        %mul3A_168 = arith.muli %scan3A_110, %mul3A_167 : i32
        %add3A_169 = arith.constant 1 : i32
        %add3A_170 = arith.addi %mul3A_168, %add3A_169 : i32
        %dma_wait3A_171 = arith.constant 0 : i32
        %dma_wait3A_172 = arith.constant 0 : i32
        %dma_wait3A_173 = tpu.memref_slice %arg11[%dma_wait3A_171, %dma_wait3A_172] : memref<10000x128xf32, #tpu.memory_space<vmem_shared>> -> memref<10000x128xf32, #tpu.memory_space<vmem_shared>>
        tpu.wait_indirect_dma semaphore(%arg44 : memref<!tpu.dma_semaphore, #tpu.memory_space<semaphore_mem>>) src(%arg19 : memref<40x128xf32, #tpu.memory_space<vmem>>) dst(%dma_wait3A_173 : memref<10000x128xf32, #tpu.memory_space<vmem_shared>>)
        %lt3A_174 = arith.constant 99 : i32
        %lt3A_175 = arith.cmpi slt, %scan3A_110, %lt3A_174 : i32
        %convert_element_type3A_176 = arith.extui %lt3A_175 : i1 to i32
        %cond3A_177 = arith.constant 0 : i32
        %cond3A_178 = arith.cmpi ne, %convert_element_type3A_176, %cond3A_177 : i32
        scf.if %cond3A_178 {
          %add3A_215 = arith.constant 5 : i32
          %add3A_216 = arith.addi %add3A_170, %add3A_215 : i32
          %mul3A_217 = arith.constant 40 : i32
          %mul3A_218 = arith.muli %add3A_216, %mul3A_217 : i32
          %add3A_219 = arith.addi %mul3A_15, %mul3A_218 : i32
          %dma_start3A_220 = tpu.memref_slice %arg2[%add3A_219] : memref<320000xi32, #tpu.memory_space<hbm>> -> memref<40xi32, #tpu.memory_space<hbm>>
          %dma_start3A_221 = tpu.memref_slice %arg2[%add3A_219] : memref<320000xi32, #tpu.memory_space<hbm>> -> memref<40xi32, #tpu.memory_space<hbm>>
          tpu.enqueue_dma source(%dma_start3A_221 : memref<40xi32, #tpu.memory_space<hbm>>) target(%arg14 : memref<40xi32, #tpu.memory_space<vmem>>) target_semaphore(%arg29 : memref<!tpu.dma_semaphore, #tpu.memory_space<semaphore_mem>>)
          %dma_start3A_222 = arith.constant 0 : i32
          %dma_start3A_223 = tpu.memref_slice %arg4[%add3A_219, %dma_start3A_222] : memref<320000x128xf32, #tpu.memory_space<hbm>> -> memref<40x128xf32, #tpu.memory_space<hbm>>
          %dma_start3A_224 = arith.constant 0 : i32
          %dma_start3A_225 = tpu.memref_slice %arg4[%add3A_219, %dma_start3A_224] : memref<320000x128xf32, #tpu.memory_space<hbm>> -> memref<40x128xf32, #tpu.memory_space<hbm>>
          tpu.enqueue_dma source(%dma_start3A_225 : memref<40x128xf32, #tpu.memory_space<hbm>>) target(%arg19 : memref<40x128xf32, #tpu.memory_space<vmem>>) target_semaphore(%arg34 : memref<!tpu.dma_semaphore, #tpu.memory_space<semaphore_mem>>)
        } else {
        }
        %mul3A_179 = arith.constant 5 : i32
        %mul3A_180 = arith.muli %scan3A_110, %mul3A_179 : i32
        %add3A_181 = arith.constant 2 : i32
        %add3A_182 = arith.addi %mul3A_180, %add3A_181 : i32
        %dma_wait3A_183 = arith.constant 0 : i32
        %dma_wait3A_184 = arith.constant 0 : i32
        %dma_wait3A_185 = tpu.memref_slice %arg11[%dma_wait3A_183, %dma_wait3A_184] : memref<10000x128xf32, #tpu.memory_space<vmem_shared>> -> memref<10000x128xf32, #tpu.memory_space<vmem_shared>>
        tpu.wait_indirect_dma semaphore(%arg45 : memref<!tpu.dma_semaphore, #tpu.memory_space<semaphore_mem>>) src(%arg20 : memref<40x128xf32, #tpu.memory_space<vmem>>) dst(%dma_wait3A_185 : memref<10000x128xf32, #tpu.memory_space<vmem_shared>>)
        %lt3A_186 = arith.constant 99 : i32
        %lt3A_187 = arith.cmpi slt, %scan3A_110, %lt3A_186 : i32
        %convert_element_type3A_188 = arith.extui %lt3A_187 : i1 to i32
        %cond3A_189 = arith.constant 0 : i32
        %cond3A_190 = arith.cmpi ne, %convert_element_type3A_188, %cond3A_189 : i32
        scf.if %cond3A_190 {
          %add3A_215 = arith.constant 5 : i32
          %add3A_216 = arith.addi %add3A_182, %add3A_215 : i32
          %mul3A_217 = arith.constant 40 : i32
          %mul3A_218 = arith.muli %add3A_216, %mul3A_217 : i32
          %add3A_219 = arith.addi %mul3A_15, %mul3A_218 : i32
          %dma_start3A_220 = tpu.memref_slice %arg2[%add3A_219] : memref<320000xi32, #tpu.memory_space<hbm>> -> memref<40xi32, #tpu.memory_space<hbm>>
          %dma_start3A_221 = tpu.memref_slice %arg2[%add3A_219] : memref<320000xi32, #tpu.memory_space<hbm>> -> memref<40xi32, #tpu.memory_space<hbm>>
          tpu.enqueue_dma source(%dma_start3A_221 : memref<40xi32, #tpu.memory_space<hbm>>) target(%arg15 : memref<40xi32, #tpu.memory_space<vmem>>) target_semaphore(%arg30 : memref<!tpu.dma_semaphore, #tpu.memory_space<semaphore_mem>>)
          %dma_start3A_222 = arith.constant 0 : i32
          %dma_start3A_223 = tpu.memref_slice %arg4[%add3A_219, %dma_start3A_222] : memref<320000x128xf32, #tpu.memory_space<hbm>> -> memref<40x128xf32, #tpu.memory_space<hbm>>
          %dma_start3A_224 = arith.constant 0 : i32
          %dma_start3A_225 = tpu.memref_slice %arg4[%add3A_219, %dma_start3A_224] : memref<320000x128xf32, #tpu.memory_space<hbm>> -> memref<40x128xf32, #tpu.memory_space<hbm>>
          tpu.enqueue_dma source(%dma_start3A_225 : memref<40x128xf32, #tpu.memory_space<hbm>>) target(%arg20 : memref<40x128xf32, #tpu.memory_space<vmem>>) target_semaphore(%arg35 : memref<!tpu.dma_semaphore, #tpu.memory_space<semaphore_mem>>)
        } else {
        }
        %mul3A_191 = arith.constant 5 : i32
        %mul3A_192 = arith.muli %scan3A_110, %mul3A_191 : i32
        %add3A_193 = arith.constant 3 : i32
        %add3A_194 = arith.addi %mul3A_192, %add3A_193 : i32
        %dma_wait3A_195 = arith.constant 0 : i32
        %dma_wait3A_196 = arith.constant 0 : i32
        %dma_wait3A_197 = tpu.memref_slice %arg11[%dma_wait3A_195, %dma_wait3A_196] : memref<10000x128xf32, #tpu.memory_space<vmem_shared>> -> memref<10000x128xf32, #tpu.memory_space<vmem_shared>>
        tpu.wait_indirect_dma semaphore(%arg46 : memref<!tpu.dma_semaphore, #tpu.memory_space<semaphore_mem>>) src(%arg21 : memref<40x128xf32, #tpu.memory_space<vmem>>) dst(%dma_wait3A_197 : memref<10000x128xf32, #tpu.memory_space<vmem_shared>>)
        %lt3A_198 = arith.constant 99 : i32
        %lt3A_199 = arith.cmpi slt, %scan3A_110, %lt3A_198 : i32
        %convert_element_type3A_200 = arith.extui %lt3A_199 : i1 to i32
        %cond3A_201 = arith.constant 0 : i32
        %cond3A_202 = arith.cmpi ne, %convert_element_type3A_200, %cond3A_201 : i32
        scf.if %cond3A_202 {
          %add3A_215 = arith.constant 5 : i32
          %add3A_216 = arith.addi %add3A_194, %add3A_215 : i32
          %mul3A_217 = arith.constant 40 : i32
          %mul3A_218 = arith.muli %add3A_216, %mul3A_217 : i32
          %add3A_219 = arith.addi %mul3A_15, %mul3A_218 : i32
          %dma_start3A_220 = tpu.memref_slice %arg2[%add3A_219] : memref<320000xi32, #tpu.memory_space<hbm>> -> memref<40xi32, #tpu.memory_space<hbm>>
          %dma_start3A_221 = tpu.memref_slice %arg2[%add3A_219] : memref<320000xi32, #tpu.memory_space<hbm>> -> memref<40xi32, #tpu.memory_space<hbm>>
          tpu.enqueue_dma source(%dma_start3A_221 : memref<40xi32, #tpu.memory_space<hbm>>) target(%arg16 : memref<40xi32, #tpu.memory_space<vmem>>) target_semaphore(%arg31 : memref<!tpu.dma_semaphore, #tpu.memory_space<semaphore_mem>>)
          %dma_start3A_222 = arith.constant 0 : i32
          %dma_start3A_223 = tpu.memref_slice %arg4[%add3A_219, %dma_start3A_222] : memref<320000x128xf32, #tpu.memory_space<hbm>> -> memref<40x128xf32, #tpu.memory_space<hbm>>
          %dma_start3A_224 = arith.constant 0 : i32
          %dma_start3A_225 = tpu.memref_slice %arg4[%add3A_219, %dma_start3A_224] : memref<320000x128xf32, #tpu.memory_space<hbm>> -> memref<40x128xf32, #tpu.memory_space<hbm>>
          tpu.enqueue_dma source(%dma_start3A_225 : memref<40x128xf32, #tpu.memory_space<hbm>>) target(%arg21 : memref<40x128xf32, #tpu.memory_space<vmem>>) target_semaphore(%arg36 : memref<!tpu.dma_semaphore, #tpu.memory_space<semaphore_mem>>)
        } else {
        }
        %mul3A_203 = arith.constant 5 : i32
        %mul3A_204 = arith.muli %scan3A_110, %mul3A_203 : i32
        %add3A_205 = arith.constant 4 : i32
        %add3A_206 = arith.addi %mul3A_204, %add3A_205 : i32
        %dma_wait3A_207 = arith.constant 0 : i32
        %dma_wait3A_208 = arith.constant 0 : i32
        %dma_wait3A_209 = tpu.memref_slice %arg11[%dma_wait3A_207, %dma_wait3A_208] : memref<10000x128xf32, #tpu.memory_space<vmem_shared>> -> memref<10000x128xf32, #tpu.memory_space<vmem_shared>>
        tpu.wait_indirect_dma semaphore(%arg47 : memref<!tpu.dma_semaphore, #tpu.memory_space<semaphore_mem>>) src(%arg22 : memref<40x128xf32, #tpu.memory_space<vmem>>) dst(%dma_wait3A_209 : memref<10000x128xf32, #tpu.memory_space<vmem_shared>>)
        %lt3A_210 = arith.constant 99 : i32
        %lt3A_211 = arith.cmpi slt, %scan3A_110, %lt3A_210 : i32
        %convert_element_type3A_212 = arith.extui %lt3A_211 : i1 to i32
        %cond3A_213 = arith.constant 0 : i32
        %cond3A_214 = arith.cmpi ne, %convert_element_type3A_212, %cond3A_213 : i32
        scf.if %cond3A_214 {
          %add3A_215 = arith.constant 5 : i32
          %add3A_216 = arith.addi %add3A_206, %add3A_215 : i32
          %mul3A_217 = arith.constant 40 : i32
          %mul3A_218 = arith.muli %add3A_216, %mul3A_217 : i32
          %add3A_219 = arith.addi %mul3A_15, %mul3A_218 : i32
          %dma_start3A_220 = tpu.memref_slice %arg2[%add3A_219] : memref<320000xi32, #tpu.memory_space<hbm>> -> memref<40xi32, #tpu.memory_space<hbm>>
          %dma_start3A_221 = tpu.memref_slice %arg2[%add3A_219] : memref<320000xi32, #tpu.memory_space<hbm>> -> memref<40xi32, #tpu.memory_space<hbm>>
          tpu.enqueue_dma source(%dma_start3A_221 : memref<40xi32, #tpu.memory_space<hbm>>) target(%arg17 : memref<40xi32, #tpu.memory_space<vmem>>) target_semaphore(%arg32 : memref<!tpu.dma_semaphore, #tpu.memory_space<semaphore_mem>>)
          %dma_start3A_222 = arith.constant 0 : i32
          %dma_start3A_223 = tpu.memref_slice %arg4[%add3A_219, %dma_start3A_222] : memref<320000x128xf32, #tpu.memory_space<hbm>> -> memref<40x128xf32, #tpu.memory_space<hbm>>
          %dma_start3A_224 = arith.constant 0 : i32
          %dma_start3A_225 = tpu.memref_slice %arg4[%add3A_219, %dma_start3A_224] : memref<320000x128xf32, #tpu.memory_space<hbm>> -> memref<40x128xf32, #tpu.memory_space<hbm>>
          tpu.enqueue_dma source(%dma_start3A_225 : memref<40x128xf32, #tpu.memory_space<hbm>>) target(%arg22 : memref<40x128xf32, #tpu.memory_space<vmem>>) target_semaphore(%arg37 : memref<!tpu.dma_semaphore, #tpu.memory_space<semaphore_mem>>)
        } else {
        }
      }
      %scan3A_109 = arith.constant 100 : i32
    } else {
    }
    %barrier3A_26 = arith.constant 0 : index
    tpu.barrier barrier_id(%barrier3A_26)
    %eq3A_27 = arith.constant 0 : i32
    %eq3A_28 = arith.cmpi eq, %arg0, %eq3A_27 : i32
    %lt3A_29 = arith.constant 15 : i32
    %lt3A_30 = arith.cmpi slt, %arg1, %lt3A_29 : i32
    %and3A_31 = arith.andi %eq3A_28, %lt3A_30 : i1
    %convert_element_type3A_32 = arith.extui %and3A_31 : i1 to i32
    %cond3A_33 = arith.constant 0 : i32
    %cond3A_34 = arith.cmpi ne, %convert_element_type3A_32, %cond3A_33 : i32
    scf.if %cond3A_34 {
      "tpu.region"() ({
        %run_scoped3A = tpu.sem_alloc : memref<!tpu.dma_semaphore, #tpu.memory_space<semaphore_mem>>
        %dma_start3A = arith.constant 0 : i32
        %dma_start3A_67 = tpu.memref_slice %arg8[%mul3A_0, %dma_start3A] : memref<10000x128xf32, #tpu.memory_space<hbm>> -> memref<640x128xf32, #tpu.memory_space<hbm>>
        %dma_start3A_68 = arith.constant 0 : i32
        %dma_start3A_69 = tpu.memref_slice %arg11[%mul3A_0, %dma_start3A_68] : memref<10000x128xf32, #tpu.memory_space<vmem_shared>> -> memref<640x128xf32, #tpu.memory_space<vmem_shared>>
        tpu.enqueue_dma source(%dma_start3A_69 : memref<640x128xf32, #tpu.memory_space<vmem_shared>>) target(%dma_start3A_67 : memref<640x128xf32, #tpu.memory_space<hbm>>) target_semaphore(%run_scoped3A : memref<!tpu.dma_semaphore, #tpu.memory_space<semaphore_mem>>)
        %dma_wait3A = arith.constant 0 : i32
        %dma_wait3A_70 = tpu.memref_slice %arg8[%mul3A_0, %dma_wait3A] : memref<10000x128xf32, #tpu.memory_space<hbm>> -> memref<640x128xf32, #tpu.memory_space<hbm>>
        %dma_wait3A_71 = arith.constant 0 : i32
        %dma_wait3A_72 = tpu.memref_slice %arg11[%mul3A_0, %dma_wait3A_71] : memref<10000x128xf32, #tpu.memory_space<vmem_shared>> -> memref<640x128xf32, #tpu.memory_space<vmem_shared>>
        tpu.wait_dma2 semaphore(%run_scoped3A : memref<!tpu.dma_semaphore, #tpu.memory_space<semaphore_mem>>) src(%dma_wait3A_72 : memref<640x128xf32, #tpu.memory_space<vmem_shared>>) dst(%dma_wait3A_70 : memref<640x128xf32, #tpu.memory_space<hbm>>)
        tpu.yield
      }) : () -> ()
    } else {
    }
    %eq3A_35 = arith.constant 0 : i32
    %eq3A_36 = arith.cmpi eq, %arg0, %eq3A_35 : i32
    %eq3A_37 = arith.constant 15 : i32
    %eq3A_38 = arith.cmpi eq, %arg1, %eq3A_37 : i32
    %and3A_39 = arith.andi %eq3A_36, %eq3A_38 : i1
    %convert_element_type3A_40 = arith.extui %and3A_39 : i1 to i32
    %cond3A_41 = arith.constant 0 : i32
    %cond3A_42 = arith.cmpi ne, %convert_element_type3A_40, %cond3A_41 : i32
    scf.if %cond3A_42 {
      "tpu.region"() ({
        %run_scoped3A = tpu.sem_alloc : memref<!tpu.dma_semaphore, #tpu.memory_space<semaphore_mem>>
        %dma_start3A = arith.constant 9600 : i32
        %dma_start3A_67 = arith.constant 0 : i32
        %dma_start3A_68 = tpu.memref_slice %arg8[%dma_start3A, %dma_start3A_67] : memref<10000x128xf32, #tpu.memory_space<hbm>> -> memref<400x128xf32, #tpu.memory_space<hbm>>
        %dma_start3A_69 = arith.constant 9600 : i32
        %dma_start3A_70 = arith.constant 0 : i32
        %dma_start3A_71 = tpu.memref_slice %arg11[%dma_start3A_69, %dma_start3A_70] : memref<10000x128xf32, #tpu.memory_space<vmem_shared>> -> memref<400x128xf32, #tpu.memory_space<vmem_shared>>
        tpu.enqueue_dma source(%dma_start3A_71 : memref<400x128xf32, #tpu.memory_space<vmem_shared>>) target(%dma_start3A_68 : memref<400x128xf32, #tpu.memory_space<hbm>>) target_semaphore(%run_scoped3A : memref<!tpu.dma_semaphore, #tpu.memory_space<semaphore_mem>>)
        %dma_wait3A = arith.constant 9600 : i32
        %dma_wait3A_72 = arith.constant 0 : i32
        %dma_wait3A_73 = tpu.memref_slice %arg8[%dma_wait3A, %dma_wait3A_72] : memref<10000x128xf32, #tpu.memory_space<hbm>> -> memref<400x128xf32, #tpu.memory_space<hbm>>
        %dma_wait3A_74 = arith.constant 9600 : i32
        %dma_wait3A_75 = arith.constant 0 : i32
        %dma_wait3A_76 = tpu.memref_slice %arg11[%dma_wait3A_74, %dma_wait3A_75] : memref<10000x128xf32, #tpu.memory_space<vmem_shared>> -> memref<400x128xf32, #tpu.memory_space<vmem_shared>>
        tpu.wait_dma2 semaphore(%run_scoped3A : memref<!tpu.dma_semaphore, #tpu.memory_space<semaphore_mem>>) src(%dma_wait3A_76 : memref<400x128xf32, #tpu.memory_space<vmem_shared>>) dst(%dma_wait3A_73 : memref<400x128xf32, #tpu.memory_space<hbm>>)
        tpu.yield
      }) : () -> ()
    } else {
    }
    %eq3A_43 = arith.constant 0 : i32
    %eq3A_44 = arith.cmpi eq, %arg0, %eq3A_43 : i32
    %eq3A_45 = arith.constant 0 : i32
    %eq3A_46 = arith.cmpi eq, %arg1, %eq3A_45 : i32
    %and3A_47 = arith.andi %eq3A_44, %eq3A_46 : i1
    %convert_element_type3A_48 = arith.extui %and3A_47 : i1 to i32
    %cond3A_49 = arith.constant 0 : i32
    %cond3A_50 = arith.cmpi ne, %convert_element_type3A_48, %cond3A_49 : i32
    scf.if %cond3A_50 {
      "tpu.region"() ({
        %run_scoped3A = tpu.sem_alloc : memref<!tpu.dma_semaphore, #tpu.memory_space<semaphore_mem>>
        tpu.enqueue_dma source(%arg12 : memref<10000xf32, #tpu.memory_space<vmem_shared>>) target(%arg10 : memref<10000xf32, #tpu.memory_space<hbm>>) target_semaphore(%run_scoped3A : memref<!tpu.dma_semaphore, #tpu.memory_space<semaphore_mem>>)
        tpu.wait_dma2 semaphore(%run_scoped3A : memref<!tpu.dma_semaphore, #tpu.memory_space<semaphore_mem>>) src(%arg12 : memref<10000xf32, #tpu.memory_space<vmem_shared>>) dst(%arg10 : memref<10000xf32, #tpu.memory_space<hbm>>)
        tpu.yield
      }) : () -> ()
    } else {
    }
    %eq3A_51 = arith.constant 1 : i32
    %eq3A_52 = arith.cmpi eq, %arg0, %eq3A_51 : i32
    %lt3A_53 = arith.constant 15 : i32
    %lt3A_54 = arith.cmpi slt, %arg1, %lt3A_53 : i32
    %and3A_55 = arith.andi %eq3A_52, %lt3A_54 : i1
    %convert_element_type3A_56 = arith.extui %and3A_55 : i1 to i32
    %cond3A_57 = arith.constant 0 : i32
    %cond3A_58 = arith.cmpi ne, %convert_element_type3A_56, %cond3A_57 : i32
    scf.if %cond3A_58 {
      "tpu.region"() ({
        %run_scoped3A = tpu.sem_alloc : memref<!tpu.dma_semaphore, #tpu.memory_space<semaphore_mem>>
        %dma_start3A = arith.constant 0 : i32
        %dma_start3A_67 = tpu.memref_slice %arg9[%mul3A_0, %dma_start3A] : memref<10000x128xf32, #tpu.memory_space<hbm>> -> memref<640x128xf32, #tpu.memory_space<hbm>>
        %dma_start3A_68 = arith.constant 0 : i32
        %dma_start3A_69 = tpu.memref_slice %arg11[%mul3A_0, %dma_start3A_68] : memref<10000x128xf32, #tpu.memory_space<vmem_shared>> -> memref<640x128xf32, #tpu.memory_space<vmem_shared>>
        tpu.enqueue_dma source(%dma_start3A_69 : memref<640x128xf32, #tpu.memory_space<vmem_shared>>) target(%dma_start3A_67 : memref<640x128xf32, #tpu.memory_space<hbm>>) target_semaphore(%run_scoped3A : memref<!tpu.dma_semaphore, #tpu.memory_space<semaphore_mem>>)
        %dma_wait3A = arith.constant 0 : i32
        %dma_wait3A_70 = tpu.memref_slice %arg9[%mul3A_0, %dma_wait3A] : memref<10000x128xf32, #tpu.memory_space<hbm>> -> memref<640x128xf32, #tpu.memory_space<hbm>>
        %dma_wait3A_71 = arith.constant 0 : i32
        %dma_wait3A_72 = tpu.memref_slice %arg11[%mul3A_0, %dma_wait3A_71] : memref<10000x128xf32, #tpu.memory_space<vmem_shared>> -> memref<640x128xf32, #tpu.memory_space<vmem_shared>>
        tpu.wait_dma2 semaphore(%run_scoped3A : memref<!tpu.dma_semaphore, #tpu.memory_space<semaphore_mem>>) src(%dma_wait3A_72 : memref<640x128xf32, #tpu.memory_space<vmem_shared>>) dst(%dma_wait3A_70 : memref<640x128xf32, #tpu.memory_space<hbm>>)
        tpu.yield
      }) : () -> ()
    } else {
    }
    %eq3A_59 = arith.constant 1 : i32
    %eq3A_60 = arith.cmpi eq, %arg0, %eq3A_59 : i32
    %eq3A_61 = arith.constant 15 : i32
    %eq3A_62 = arith.cmpi eq, %arg1, %eq3A_61 : i32
    %and3A_63 = arith.andi %eq3A_60, %eq3A_62 : i1
    %convert_element_type3A_64 = arith.extui %and3A_63 : i1 to i32
    %cond3A_65 = arith.constant 0 : i32
    %cond3A_66 = arith.cmpi ne, %convert_element_type3A_64, %cond3A_65 : i32
    scf.if %cond3A_66 {
      "tpu.region"() ({
        %run_scoped3A = tpu.sem_alloc : memref<!tpu.dma_semaphore, #tpu.memory_space<semaphore_mem>>
        %dma_start3A = arith.constant 9600 : i32
        %dma_start3A_67 = arith.constant 0 : i32
        %dma_start3A_68 = tpu.memref_slice %arg9[%dma_start3A, %dma_start3A_67] : memref<10000x128xf32, #tpu.memory_space<hbm>> -> memref<400x128xf32, #tpu.memory_space<hbm>>
        %dma_start3A_69 = arith.constant 9600 : i32
        %dma_start3A_70 = arith.constant 0 : i32
        %dma_start3A_71 = tpu.memref_slice %arg11[%dma_start3A_69, %dma_start3A_70] : memref<10000x128xf32, #tpu.memory_space<vmem_shared>> -> memref<400x128xf32, #tpu.memory_space<vmem_shared>>
        tpu.enqueue_dma source(%dma_start3A_71 : memref<400x128xf32, #tpu.memory_space<vmem_shared>>) target(%dma_start3A_68 : memref<400x128xf32, #tpu.memory_space<hbm>>) target_semaphore(%run_scoped3A : memref<!tpu.dma_semaphore, #tpu.memory_space<semaphore_mem>>)
        %dma_wait3A = arith.constant 9600 : i32
        %dma_wait3A_72 = arith.constant 0 : i32
        %dma_wait3A_73 = tpu.memref_slice %arg9[%dma_wait3A, %dma_wait3A_72] : memref<10000x128xf32, #tpu.memory_space<hbm>> -> memref<400x128xf32, #tpu.memory_space<hbm>>
        %dma_wait3A_74 = arith.constant 9600 : i32
        %dma_wait3A_75 = arith.constant 0 : i32
        %dma_wait3A_76 = tpu.memref_slice %arg11[%dma_wait3A_74, %dma_wait3A_75] : memref<10000x128xf32, #tpu.memory_space<vmem_shared>> -> memref<400x128xf32, #tpu.memory_space<vmem_shared>>
        tpu.wait_dma2 semaphore(%run_scoped3A : memref<!tpu.dma_semaphore, #tpu.memory_space<semaphore_mem>>) src(%dma_wait3A_76 : memref<400x128xf32, #tpu.memory_space<vmem_shared>>) dst(%dma_wait3A_73 : memref<400x128xf32, #tpu.memory_space<hbm>>)
        tpu.yield
      }) : () -> ()
    } else {
    }
    return
  }
}

module attributes {stable_mosaic.version = 14 : i64} {
  func.func @_table_body(%arg0: i32, %arg1: memref<1000x128xf32, #tpu.memory_space<vmem>>, %arg2: memref<128x128xf32, #tpu.memory_space<vmem>>, %arg3: memref<1000x16xf32, #tpu.memory_space<vmem>>, %arg4: memref<1000x1xf32, #tpu.memory_space<vmem>>, %arg5: memref<1000x128xf32, #tpu.memory_space<vmem>>) attributes {dimension_semantics = [#tpu.dimension_semantics<arbitrary>], iteration_bounds = array<i64: 10>, scalar_prefetch = 0 : i64, scratch_operands = 0 : i64, tpu.core_type = #tpu.core_type<tc>, window_params = [{transform_indices = @transform_0, window_bounds = array<i64: 1000, 128>}, {pipeline_mode = #tpu.pipeline_mode<synchronous>, transform_indices = @transform_1, window_bounds = array<i64: 128, 128>}, {transform_indices = @transform_2, window_bounds = array<i64: 1000, 16>}, {transform_indices = @transform_3, window_bounds = array<i64: 1000, 1>}, {transform_indices = @transform_4, window_bounds = array<i64: 1000, 128>}]} {
    %get3A = arith.constant 0 : index
    %get3A_0 = arith.constant 0 : index
    %get3A_1 = vector.load %arg1[%get3A, %get3A_0] : memref<1000x128xf32, #tpu.memory_space<vmem>>, vector<1000x128xf32>
    %get3A_2 = arith.constant 0 : index
    %get3A_3 = arith.constant 0 : index
    %get3A_4 = vector.load %arg2[%get3A_2, %get3A_3] : memref<128x128xf32, #tpu.memory_space<vmem>>, vector<128x128xf32>
    %dot_general3A = arith.constant dense<0.000000e+00> : vector<1000x128xf32>
    %dot_general3A_5 = tpu.matmul %get3A_1, %get3A_4, %dot_general3A {dimension_numbers = #tpu.dot_dimension_numbers<[1], [0], [0], [1], [0, 0, 1, 1], [], []>, transpose_lhs_hint = false} : vector<1000x128xf32>, vector<128x128xf32>, vector<1000x128xf32> -> vector<1000x128xf32>
    %sqrt3A = arith.constant 1.280000e+02 : f32
    %sqrt3A_6 = math.sqrt %sqrt3A : f32
    %div3A = vector.broadcast %sqrt3A_6 : f32 to vector<1000x128xf32>
    %div3A_7 = arith.divf %dot_general3A_5, %div3A : vector<1000x128xf32>
    %broadcast_in_dim3A = arith.constant 0.000000e+00 : f32
    %broadcast_in_dim3A_8 = vector.broadcast %broadcast_in_dim3A : f32 to vector<1000x111xf32>
    %get3A_9 = arith.constant 0 : index
    %get3A_10 = arith.constant 0 : index
    %get3A_11 = vector.load %arg3[%get3A_9, %get3A_10] : memref<1000x16xf32, #tpu.memory_space<vmem>>, vector<1000x16xf32>
    %get3A_12 = arith.constant 0 : index
    %get3A_13 = arith.constant 0 : index
    %get3A_14 = vector.load %arg4[%get3A_12, %get3A_13] : memref<1000x1xf32, #tpu.memory_space<vmem>>, vector<1000x1xf32>
    %concatenate3A = tpu.concatenate %get3A_11, %get3A_14, %broadcast_in_dim3A_8 in 1 : vector<1000x16xf32>, vector<1000x1xf32>, vector<1000x111xf32> -> vector<1000x128xf32>
    %convert_element_type3A = arith.truncf %div3A_7 : vector<1000x128xf32> to vector<1000x128xbf16>
    %convert_element_type3A_15 = arith.extf %convert_element_type3A : vector<1000x128xbf16> to vector<1000x128xf32>
    %bitcast_convert_type3A = tpu.bitcast %convert_element_type3A_15 : vector<1000x128xf32> -> vector<1000x128xi32>
    %convert_element_type3A_16 = arith.truncf %concatenate3A : vector<1000x128xf32> to vector<1000x128xbf16>
    %convert_element_type3A_17 = arith.extf %convert_element_type3A_16 : vector<1000x128xbf16> to vector<1000x128xf32>
    %bitcast_convert_type3A_18 = tpu.bitcast %convert_element_type3A_17 : vector<1000x128xf32> -> vector<1000x128xi32>
    %shift_right_logical3A = arith.constant 16 : i32
    %shift_right_logical3A_19 = vector.broadcast %shift_right_logical3A : i32 to vector<1000x128xi32>
    %shift_right_logical3A_20 = arith.shrui %bitcast_convert_type3A_18, %shift_right_logical3A_19 : vector<1000x128xi32>
    %or3A = arith.ori %bitcast_convert_type3A, %shift_right_logical3A_20 : vector<1000x128xi32>
    %bitcast_convert_type3A_21 = tpu.bitcast %or3A : vector<1000x128xi32> -> vector<1000x128xf32>
    %swap3A = arith.constant 0 : index
    %swap3A_22 = arith.constant 0 : index
    %swap3A_23 = vector.load %arg5[%swap3A, %swap3A_22] : memref<1000x128xf32, #tpu.memory_space<vmem>>, vector<1000x128xf32>
    tpu.vector_store %arg5[%swap3A, %swap3A_22], %bitcast_convert_type3A_21 {strides = array<i32>} : memref<1000x128xf32, #tpu.memory_space<vmem>>, vector<1000x128xf32>,
    return
  }
  func.func @transform_0(%arg0: i32) -> (i32, i32) {
    %c0_i32 = arith.constant 0 : i32
    %c0_i32_0 = arith.constant 0 : i32
    return %arg0, %c0_i32 : i32, i32
  }
  func.func @transform_1(%arg0: i32) -> (i32, i32) {
    %c0_i32 = arith.constant 0 : i32
    %c0_i32_0 = arith.constant 0 : i32
    %c0_i32_1 = arith.constant 0 : i32
    return %c0_i32, %c0_i32_0 : i32, i32
  }
  func.func @transform_2(%arg0: i32) -> (i32, i32) {
    %c0_i32 = arith.constant 0 : i32
    %c0_i32_0 = arith.constant 0 : i32
    return %arg0, %c0_i32 : i32, i32
  }
  func.func @transform_3(%arg0: i32) -> (i32, i32) {
    %c0_i32 = arith.constant 0 : i32
    %c0_i32_0 = arith.constant 0 : i32
    return %arg0, %c0_i32 : i32, i32
  }
  func.func @transform_4(%arg0: i32) -> (i32, i32) {
    %c0_i32 = arith.constant 0 : i32
    %c0_i32_0 = arith.constant 0 : i32
    return %arg0, %c0_i32 : i32, i32
  }
}

module attributes {stable_mosaic.version = 14 : i64} {
  func.func @_edge_body(%arg0: i32, %arg1: memref<512x128xf32, #tpu.memory_space<vmem>>, %arg2: memref<512x8xf32, #tpu.memory_space<vmem>>, %arg3: memref<512x1xf32, #tpu.memory_space<vmem>>, %arg4: memref<24x64xf32, #tpu.memory_space<vmem>>, %arg5: memref<64x64xf32, #tpu.memory_space<vmem>>, %arg6: memref<64x64xf32, #tpu.memory_space<vmem>>, %arg7: memref<64x128xf32, #tpu.memory_space<vmem>>, %arg8: memref<24x64xf32, #tpu.memory_space<vmem>>, %arg9: memref<64x64xf32, #tpu.memory_space<vmem>>, %arg10: memref<64x64xf32, #tpu.memory_space<vmem>>, %arg11: memref<64x128xf32, #tpu.memory_space<vmem>>, %arg12: memref<1x8xf32, #tpu.memory_space<vmem>>, %arg13: memref<512x128xf32, #tpu.memory_space<vmem>>, %arg14: memref<512x128xf32, #tpu.memory_space<vmem>>, %arg15: memref<512xf32, #tpu.memory_space<vmem>>) attributes {dimension_semantics = [#tpu.dimension_semantics<arbitrary>], iteration_bounds = array<i64: 625>, scalar_prefetch = 0 : i64, scratch_operands = 0 : i64, tpu.core_type = #tpu.core_type<tc>, window_params = [{transform_indices = @transform_0, window_bounds = array<i64: 512, 128>}, {transform_indices = @transform_1, window_bounds = array<i64: 512, 8>}, {transform_indices = @transform_2, window_bounds = array<i64: 512, 1>}, {pipeline_mode = #tpu.pipeline_mode<synchronous>, transform_indices = @transform_3, window_bounds = array<i64: 24, 64>}, {pipeline_mode = #tpu.pipeline_mode<synchronous>, transform_indices = @transform_4, window_bounds = array<i64: 64, 64>}, {pipeline_mode = #tpu.pipeline_mode<synchronous>, transform_indices = @transform_5, window_bounds = array<i64: 64, 64>}, {pipeline_mode = #tpu.pipeline_mode<synchronous>, transform_indices = @transform_6, window_bounds = array<i64: 64, 128>}, {pipeline_mode = #tpu.pipeline_mode<synchronous>, transform_indices = @transform_7, window_bounds = array<i64: 24, 64>}, {pipeline_mode = #tpu.pipeline_mode<synchronous>, transform_indices = @transform_8, window_bounds = array<i64: 64, 64>}, {pipeline_mode = #tpu.pipeline_mode<synchronous>, transform_indices = @transform_9, window_bounds = array<i64: 64, 64>}, {pipeline_mode = #tpu.pipeline_mode<synchronous>, transform_indices = @transform_10, window_bounds = array<i64: 64, 128>}, {pipeline_mode = #tpu.pipeline_mode<synchronous>, transform_indices = @transform_11, window_bounds = array<i64: 1, 8>}, {transform_indices = @transform_12, window_bounds = array<i64: 512, 128>}, {transform_indices = @transform_13, window_bounds = array<i64: 512, 128>}, {transform_indices = @transform_14, window_bounds = array<i64: 512>}]} {
    %get3A = arith.constant 0 : index
    %get3A_0 = arith.constant 0 : index
    %get3A_1 = vector.load %arg1[%get3A, %get3A_0] : memref<512x128xf32, #tpu.memory_space<vmem>>, vector<512x128xf32>
    %bitcast_convert_type3A = tpu.bitcast %get3A_1 : vector<512x128xf32> -> vector<512x128xi32>
    %and3A = arith.constant -65536 : i32
    %and3A_2 = vector.broadcast %and3A : i32 to vector<512x128xi32>
    %and3A_3 = arith.andi %bitcast_convert_type3A, %and3A_2 : vector<512x128xi32>
    %bitcast_convert_type3A_4 = tpu.bitcast %and3A_3 : vector<512x128xi32> -> vector<512x128xf32>
    %shift_left3A = arith.constant 16 : i32
    %shift_left3A_5 = vector.broadcast %shift_left3A : i32 to vector<512x128xi32>
    %shift_left3A_6 = arith.shli %bitcast_convert_type3A, %shift_left3A_5 : vector<512x128xi32>
    %bitcast_convert_type3A_7 = tpu.bitcast %shift_left3A_6 : vector<512x128xi32> -> vector<512x128xf32>
    %slice3A = vector.extract_strided_slice %bitcast_convert_type3A_7 {offsets = [0, 0], sizes = [512, 16], strides = [1, 1]} : vector<512x128xf32> to vector<512x16xf32>
    %slice3A_8 = vector.extract_strided_slice %bitcast_convert_type3A_7 {offsets = [0, 16], sizes = [512, 1], strides = [1, 1]} : vector<512x128xf32> to vector<512x1xf32>
    %get3A_9 = arith.constant 0 : index
    %get3A_10 = arith.constant 0 : index
    %get3A_11 = vector.load %arg2[%get3A_9, %get3A_10] : memref<512x8xf32, #tpu.memory_space<vmem>>, vector<512x8xf32>
    %get3A_12 = arith.constant 0 : index
    %get3A_13 = arith.constant 0 : index
    %get3A_14 = vector.load %arg3[%get3A_12, %get3A_13] : memref<512x1xf32, #tpu.memory_space<vmem>>, vector<512x1xf32>
    %concatenate3A = tpu.concatenate %get3A_11, %slice3A in 1 : vector<512x8xf32>, vector<512x16xf32> -> vector<512x24xf32>
    %get3A_15 = arith.constant 0 : index
    %get3A_16 = arith.constant 0 : index
    %get3A_17 = vector.load %arg4[%get3A_15, %get3A_16] : memref<24x64xf32, #tpu.memory_space<vmem>>, vector<24x64xf32>
    %dot_general3A = arith.constant dense<0.000000e+00> : vector<512x64xf32>
    %dot_general3A_18 = tpu.matmul %concatenate3A, %get3A_17, %dot_general3A {dimension_numbers = #tpu.dot_dimension_numbers<[1], [0], [0], [1], [0, 0, 1, 1], [], []>, transpose_lhs_hint = false} : vector<512x24xf32>, vector<24x64xf32>, vector<512x64xf32> -> vector<512x64xf32>
    %sqrt3A = arith.constant 2.400000e+01 : f32
    %sqrt3A_19 = math.sqrt %sqrt3A : f32
    %div3A = vector.broadcast %sqrt3A_19 : f32 to vector<512x64xf32>
    %div3A_20 = arith.divf %dot_general3A_18, %div3A : vector<512x64xf32>
    %logistic3A = arith.negf %div3A_20 : vector<512x64xf32>
    %logistic3A_21 = math.exp %logistic3A : vector<512x64xf32>
    %logistic3A_22 = arith.constant 1.000000e+00 : f32
    %logistic3A_23 = vector.broadcast %logistic3A_22 : f32 to vector<512x64xf32>
    %logistic3A_24 = arith.addf %logistic3A_23, %logistic3A_21 : vector<512x64xf32>
    %logistic3A_25 = arith.divf %logistic3A_23, %logistic3A_24 : vector<512x64xf32>
    %mul3A = arith.mulf %div3A_20, %logistic3A_25 : vector<512x64xf32>
    %get3A_26 = arith.constant 0 : index
    %get3A_27 = arith.constant 0 : index
    %get3A_28 = vector.load %arg5[%get3A_26, %get3A_27] : memref<64x64xf32, #tpu.memory_space<vmem>>, vector<64x64xf32>
    %dot_general3A_29 = arith.constant dense<0.000000e+00> : vector<512x64xf32>
    %dot_general3A_30 = tpu.matmul %mul3A, %get3A_28, %dot_general3A_29 {dimension_numbers = #tpu.dot_dimension_numbers<[1], [0], [0], [1], [0, 0, 1, 1], [], []>, transpose_lhs_hint = false} : vector<512x64xf32>, vector<64x64xf32>, vector<512x64xf32> -> vector<512x64xf32>
    %sqrt3A_31 = arith.constant 6.400000e+01 : f32
    %sqrt3A_32 = math.sqrt %sqrt3A_31 : f32
    %div3A_33 = vector.broadcast %sqrt3A_32 : f32 to vector<512x64xf32>
    %div3A_34 = arith.divf %dot_general3A_30, %div3A_33 : vector<512x64xf32>
    %logistic3A_35 = arith.negf %div3A_34 : vector<512x64xf32>
    %logistic3A_36 = math.exp %logistic3A_35 : vector<512x64xf32>
    %logistic3A_37 = arith.constant 1.000000e+00 : f32
    %logistic3A_38 = vector.broadcast %logistic3A_37 : f32 to vector<512x64xf32>
    %logistic3A_39 = arith.addf %logistic3A_38, %logistic3A_36 : vector<512x64xf32>
    %logistic3A_40 = arith.divf %logistic3A_38, %logistic3A_39 : vector<512x64xf32>
    %mul3A_41 = arith.mulf %div3A_34, %logistic3A_40 : vector<512x64xf32>
    %get3A_42 = arith.constant 0 : index
    %get3A_43 = arith.constant 0 : index
    %get3A_44 = vector.load %arg6[%get3A_42, %get3A_43] : memref<64x64xf32, #tpu.memory_space<vmem>>, vector<64x64xf32>
    %dot_general3A_45 = arith.constant dense<0.000000e+00> : vector<512x64xf32>
    %dot_general3A_46 = tpu.matmul %mul3A_41, %get3A_44, %dot_general3A_45 {dimension_numbers = #tpu.dot_dimension_numbers<[1], [0], [0], [1], [0, 0, 1, 1], [], []>, transpose_lhs_hint = false} : vector<512x64xf32>, vector<64x64xf32>, vector<512x64xf32> -> vector<512x64xf32>
    %sqrt3A_47 = arith.constant 6.400000e+01 : f32
    %sqrt3A_48 = math.sqrt %sqrt3A_47 : f32
    %div3A_49 = vector.broadcast %sqrt3A_48 : f32 to vector<512x64xf32>
    %div3A_50 = arith.divf %dot_general3A_46, %div3A_49 : vector<512x64xf32>
    %logistic3A_51 = arith.negf %div3A_50 : vector<512x64xf32>
    %logistic3A_52 = math.exp %logistic3A_51 : vector<512x64xf32>
    %logistic3A_53 = arith.constant 1.000000e+00 : f32
    %logistic3A_54 = vector.broadcast %logistic3A_53 : f32 to vector<512x64xf32>
    %logistic3A_55 = arith.addf %logistic3A_54, %logistic3A_52 : vector<512x64xf32>
    %logistic3A_56 = arith.divf %logistic3A_54, %logistic3A_55 : vector<512x64xf32>
    %mul3A_57 = arith.mulf %div3A_50, %logistic3A_56 : vector<512x64xf32>
    %get3A_58 = arith.constant 0 : index
    %get3A_59 = arith.constant 0 : index
    %get3A_60 = vector.load %arg7[%get3A_58, %get3A_59] : memref<64x128xf32, #tpu.memory_space<vmem>>, vector<64x128xf32>
    %dot_general3A_61 = arith.constant dense<0.000000e+00> : vector<512x128xf32>
    %dot_general3A_62 = tpu.matmul %mul3A_57, %get3A_60, %dot_general3A_61 {dimension_numbers = #tpu.dot_dimension_numbers<[1], [0], [0], [1], [0, 0, 1, 1], [], []>, transpose_lhs_hint = false} : vector<512x64xf32>, vector<64x128xf32>, vector<512x128xf32> -> vector<512x128xf32>
    %sqrt3A_63 = arith.constant 6.400000e+01 : f32
    %sqrt3A_64 = math.sqrt %sqrt3A_63 : f32
    %div3A_65 = vector.broadcast %sqrt3A_64 : f32 to vector<512x128xf32>
    %div3A_66 = arith.divf %dot_general3A_62, %div3A_65 : vector<512x128xf32>
    %get3A_67 = arith.constant 0 : index
    %get3A_68 = arith.constant 0 : index
    %get3A_69 = vector.load %arg8[%get3A_67, %get3A_68] : memref<24x64xf32, #tpu.memory_space<vmem>>, vector<24x64xf32>
    %dot_general3A_70 = arith.constant dense<0.000000e+00> : vector<512x64xf32>
    %dot_general3A_71 = tpu.matmul %concatenate3A, %get3A_69, %dot_general3A_70 {dimension_numbers = #tpu.dot_dimension_numbers<[1], [0], [0], [1], [0, 0, 1, 1], [], []>, transpose_lhs_hint = false} : vector<512x24xf32>, vector<24x64xf32>, vector<512x64xf32> -> vector<512x64xf32>
    %sqrt3A_72 = arith.constant 2.400000e+01 : f32
    %sqrt3A_73 = math.sqrt %sqrt3A_72 : f32
    %div3A_74 = vector.broadcast %sqrt3A_73 : f32 to vector<512x64xf32>
    %div3A_75 = arith.divf %dot_general3A_71, %div3A_74 : vector<512x64xf32>
    %get3A_76 = arith.constant 0 : index
    %get3A_77 = arith.constant 0 : index
    %get3A_78 = vector.load %arg9[%get3A_76, %get3A_77] : memref<64x64xf32, #tpu.memory_space<vmem>>, vector<64x64xf32>
    %dot_general3A_79 = arith.constant dense<0.000000e+00> : vector<512x64xf32>
    %dot_general3A_80 = tpu.matmul %div3A_75, %get3A_78, %dot_general3A_79 {dimension_numbers = #tpu.dot_dimension_numbers<[1], [0], [0], [1], [0, 0, 1, 1], [], []>, transpose_lhs_hint = false} : vector<512x64xf32>, vector<64x64xf32>, vector<512x64xf32> -> vector<512x64xf32>
    %sqrt3A_81 = arith.constant 6.400000e+01 : f32
    %sqrt3A_82 = math.sqrt %sqrt3A_81 : f32
    %div3A_83 = vector.broadcast %sqrt3A_82 : f32 to vector<512x64xf32>
    %div3A_84 = arith.divf %dot_general3A_80, %div3A_83 : vector<512x64xf32>
    %get3A_85 = arith.constant 0 : index
    %get3A_86 = arith.constant 0 : index
    %get3A_87 = vector.load %arg10[%get3A_85, %get3A_86] : memref<64x64xf32, #tpu.memory_space<vmem>>, vector<64x64xf32>
    %dot_general3A_88 = arith.constant dense<0.000000e+00> : vector<512x64xf32>
    %dot_general3A_89 = tpu.matmul %div3A_84, %get3A_87, %dot_general3A_88 {dimension_numbers = #tpu.dot_dimension_numbers<[1], [0], [0], [1], [0, 0, 1, 1], [], []>, transpose_lhs_hint = false} : vector<512x64xf32>, vector<64x64xf32>, vector<512x64xf32> -> vector<512x64xf32>
    %sqrt3A_90 = arith.constant 6.400000e+01 : f32
    %sqrt3A_91 = math.sqrt %sqrt3A_90 : f32
    %div3A_92 = vector.broadcast %sqrt3A_91 : f32 to vector<512x64xf32>
    %div3A_93 = arith.divf %dot_general3A_89, %div3A_92 : vector<512x64xf32>
    %get3A_94 = arith.constant 0 : index
    %get3A_95 = arith.constant 0 : index
    %get3A_96 = vector.load %arg11[%get3A_94, %get3A_95] : memref<64x128xf32, #tpu.memory_space<vmem>>, vector<64x128xf32>
    %dot_general3A_97 = arith.constant dense<0.000000e+00> : vector<512x128xf32>
    %dot_general3A_98 = tpu.matmul %div3A_93, %get3A_96, %dot_general3A_97 {dimension_numbers = #tpu.dot_dimension_numbers<[1], [0], [0], [1], [0, 0, 1, 1], [], []>, transpose_lhs_hint = false} : vector<512x64xf32>, vector<64x128xf32>, vector<512x128xf32> -> vector<512x128xf32>
    %sqrt3A_99 = arith.constant 6.400000e+01 : f32
    %sqrt3A_100 = math.sqrt %sqrt3A_99 : f32
    %div3A_101 = vector.broadcast %sqrt3A_100 : f32 to vector<512x128xf32>
    %div3A_102 = arith.divf %dot_general3A_98, %div3A_101 : vector<512x128xf32>
    %mul3A_103 = vector.broadcast %get3A_14 : vector<512x1xf32> to vector<512x128xf32>
    %mul3A_104 = arith.mulf %bitcast_convert_type3A_4, %mul3A_103 : vector<512x128xf32>
    %mul3A_105 = arith.mulf %mul3A_104, %div3A_66 : vector<512x128xf32>
    %mul3A_106 = vector.broadcast %slice3A_8 : vector<512x1xf32> to vector<512x128xf32>
    %mul3A_107 = arith.mulf %bitcast_convert_type3A_4, %mul3A_106 : vector<512x128xf32>
    %mul3A_108 = arith.mulf %mul3A_107, %div3A_102 : vector<512x128xf32>
    %mul3A_109 = arith.mulf %mul3A_108, %mul3A_105 : vector<512x128xf32>
    %mul3A_110 = arith.mulf %mul3A_105, %mul3A_109 : vector<512x128xf32>
    %swap3A = arith.constant 0 : index
    %swap3A_111 = arith.constant 0 : index
    %swap3A_112 = vector.load %arg13[%swap3A, %swap3A_111] : memref<512x128xf32, #tpu.memory_space<vmem>>, vector<512x128xf32>
    tpu.vector_store %arg13[%swap3A, %swap3A_111], %mul3A_110 {strides = array<i32>} : memref<512x128xf32, #tpu.memory_space<vmem>>, vector<512x128xf32>,
    %swap3A_113 = arith.constant 0 : index
    %swap3A_114 = arith.constant 0 : index
    %swap3A_115 = vector.load %arg14[%swap3A_113, %swap3A_114] : memref<512x128xf32, #tpu.memory_space<vmem>>, vector<512x128xf32>
    tpu.vector_store %arg14[%swap3A_113, %swap3A_114], %mul3A_109 {strides = array<i32>} : memref<512x128xf32, #tpu.memory_space<vmem>>, vector<512x128xf32>,
    %convert_element_type3A = arith.truncf %get3A_11 : vector<512x8xf32> to vector<512x8xbf16>
    %convert_element_type3A_116 = arith.extf %convert_element_type3A : vector<512x8xbf16> to vector<512x8xf32>
    %get3A_117 = arith.constant 0 : index
    %get3A_118 = arith.constant 0 : index
    %get3A_119 = vector.load %arg12[%get3A_117, %get3A_118] : memref<1x8xf32, #tpu.memory_space<vmem>>, vector<1x8xf32>
    %convert_element_type3A_120 = arith.truncf %get3A_119 : vector<1x8xf32> to vector<1x8xbf16>
    %convert_element_type3A_121 = arith.extf %convert_element_type3A_120 : vector<1x8xbf16> to vector<1x8xf32>
    %mul3A_122 = vector.broadcast %convert_element_type3A_121 : vector<1x8xf32> to vector<512x8xf32>
    %mul3A_123 = arith.mulf %convert_element_type3A_116, %mul3A_122 : vector<512x8xf32>
    %reduce_sum3A = arith.constant dense<0.000000e+00> : vector<512xf32>
    %reduce_sum3A_124 = vector.multi_reduction <add>, %mul3A_123, %reduce_sum3A [1] : vector<512x8xf32> to vector<512xf32>
    %sqrt3A_125 = arith.constant 8.000000e+00 : f32
    %sqrt3A_126 = math.sqrt %sqrt3A_125 : f32
    %div3A_127 = vector.broadcast %sqrt3A_126 : f32 to vector<512xf32>
    %div3A_128 = arith.divf %reduce_sum3A_124, %div3A_127 : vector<512xf32>
    %mul3A_129 = arith.mulf %div3A_128, %div3A_128 : vector<512xf32>
    %tanh3A = math.tanh %mul3A_129 : vector<512xf32>
    %swap3A_130 = arith.constant 0 : index
    %swap3A_131 = vector.load %arg15[%swap3A_130] : memref<512xf32, #tpu.memory_space<vmem>>, vector<512xf32>
    tpu.vector_store %arg15[%swap3A_130], %tanh3A {strides = array<i32>} : memref<512xf32, #tpu.memory_space<vmem>>, vector<512xf32>,
    return
  }
  func.func @transform_0(%arg0: i32) -> (i32, i32) {
    %c0_i32 = arith.constant 0 : i32
    %c0_i32_0 = arith.constant 0 : i32
    return %arg0, %c0_i32 : i32, i32
  }
  func.func @transform_1(%arg0: i32) -> (i32, i32) {
    %c0_i32 = arith.constant 0 : i32
    %c0_i32_0 = arith.constant 0 : i32
    return %arg0, %c0_i32 : i32, i32
  }
  func.func @transform_2(%arg0: i32) -> (i32, i32) {
    %c0_i32 = arith.constant 0 : i32
    %c0_i32_0 = arith.constant 0 : i32
    return %arg0, %c0_i32 : i32, i32
  }
  func.func @transform_3(%arg0: i32) -> (i32, i32) {
    %c0_i32 = arith.constant 0 : i32
    %c0_i32_0 = arith.constant 0 : i32
    %c0_i32_1 = arith.constant 0 : i32
    return %c0_i32, %c0_i32_0 : i32, i32
  }
  func.func @transform_4(%arg0: i32) -> (i32, i32) {
    %c0_i32 = arith.constant 0 : i32
    %c0_i32_0 = arith.constant 0 : i32
    %c0_i32_1 = arith.constant 0 : i32
    return %c0_i32, %c0_i32_0 : i32, i32
  }
  func.func @transform_5(%arg0: i32) -> (i32, i32) {
    %c0_i32 = arith.constant 0 : i32
    %c0_i32_0 = arith.constant 0 : i32
    %c0_i32_1 = arith.constant 0 : i32
    return %c0_i32, %c0_i32_0 : i32, i32
  }
  func.func @transform_6(%arg0: i32) -> (i32, i32) {
    %c0_i32 = arith.constant 0 : i32
    %c0_i32_0 = arith.constant 0 : i32
    %c0_i32_1 = arith.constant 0 : i32
    return %c0_i32, %c0_i32_0 : i32, i32
  }
  func.func @transform_7(%arg0: i32) -> (i32, i32) {
    %c0_i32 = arith.constant 0 : i32
    %c0_i32_0 = arith.constant 0 : i32
    %c0_i32_1 = arith.constant 0 : i32
    return %c0_i32, %c0_i32_0 : i32, i32
  }
  func.func @transform_8(%arg0: i32) -> (i32, i32) {
    %c0_i32 = arith.constant 0 : i32
    %c0_i32_0 = arith.constant 0 : i32
    %c0_i32_1 = arith.constant 0 : i32
    return %c0_i32, %c0_i32_0 : i32, i32
  }
  func.func @transform_9(%arg0: i32) -> (i32, i32) {
    %c0_i32 = arith.constant 0 : i32
    %c0_i32_0 = arith.constant 0 : i32
    %c0_i32_1 = arith.constant 0 : i32
    return %c0_i32, %c0_i32_0 : i32, i32
  }
  func.func @transform_10(%arg0: i32) -> (i32, i32) {
    %c0_i32 = arith.constant 0 : i32
    %c0_i32_0 = arith.constant 0 : i32
    %c0_i32_1 = arith.constant 0 : i32
    return %c0_i32, %c0_i32_0 : i32, i32
  }
  func.func @transform_11(%arg0: i32) -> (i32, i32) {
    %c0_i32 = arith.constant 0 : i32
    %c0_i32_0 = arith.constant 0 : i32
    %c0_i32_1 = arith.constant 0 : i32
    return %c0_i32, %c0_i32_0 : i32, i32
  }
  func.func @transform_12(%arg0: i32) -> (i32, i32) {
    %c0_i32 = arith.constant 0 : i32
    %c0_i32_0 = arith.constant 0 : i32
    return %arg0, %c0_i32 : i32, i32
  }
  func.func @transform_13(%arg0: i32) -> (i32, i32) {
    %c0_i32 = arith.constant 0 : i32
    %c0_i32_0 = arith.constant 0 : i32
    return %arg0, %c0_i32 : i32, i32
  }
  func.func @transform_14(%arg0: i32) -> i32 {
    %c0_i32 = arith.constant 0 : i32
    return %arg0 : i32
  }
}

module attributes {stable_mosaic.version = 14 : i64} {
  func.func @_final_body(%arg0: i32, %arg1: memref<1000x128xf32, #tpu.memory_space<vmem>>, %arg2: memref<1000x128xf32, #tpu.memory_space<vmem>>, %arg3: memref<1000x1xf32, #tpu.memory_space<vmem>>, %arg4: memref<1000x4xf32, #tpu.memory_space<vmem>>, %arg5: memref<128x128xf32, #tpu.memory_space<vmem>>, %arg6: memref<128x128xf32, #tpu.memory_space<vmem>>, %arg7: memref<128x512xf32, #tpu.memory_space<vmem>>, %arg8: memref<128x512xf32, #tpu.memory_space<vmem>>, %arg9: memref<1000x128xf32, #tpu.memory_space<vmem>>, %arg10: memref<1000x128xf32, #tpu.memory_space<vmem>>) attributes {dimension_semantics = [#tpu.dimension_semantics<arbitrary>], iteration_bounds = array<i64: 10>, scalar_prefetch = 0 : i64, scratch_operands = 0 : i64, tpu.core_type = #tpu.core_type<tc>, window_params = [{transform_indices = @transform_0, window_bounds = array<i64: 1000, 128>}, {transform_indices = @transform_1, window_bounds = array<i64: 1000, 128>}, {transform_indices = @transform_2, window_bounds = array<i64: 1000, 1>}, {transform_indices = @transform_3, window_bounds = array<i64: 1000, 4>}, {pipeline_mode = #tpu.pipeline_mode<synchronous>, transform_indices = @transform_4, window_bounds = array<i64: 128, 128>}, {pipeline_mode = #tpu.pipeline_mode<synchronous>, transform_indices = @transform_5, window_bounds = array<i64: 128, 128>}, {pipeline_mode = #tpu.pipeline_mode<synchronous>, transform_indices = @transform_6, window_bounds = array<i64: 128, 512>}, {pipeline_mode = #tpu.pipeline_mode<synchronous>, transform_indices = @transform_7, window_bounds = array<i64: 128, 512>}, {transform_indices = @transform_8, window_bounds = array<i64: 1000, 128>}, {transform_indices = @transform_9, window_bounds = array<i64: 1000, 128>}]} {
    %sqrt3A = arith.constant 1.280000e+02 : f32
    %sqrt3A_0 = math.sqrt %sqrt3A : f32
    %sqrt3A_1 = arith.constant 5.120000e+02 : f32
    %sqrt3A_2 = math.sqrt %sqrt3A_1 : f32
    %get3A = arith.constant 0 : index
    %get3A_3 = arith.constant 0 : index
    %get3A_4 = vector.load %arg1[%get3A, %get3A_3] : memref<1000x128xf32, #tpu.memory_space<vmem>>, vector<1000x128xf32>
    %get3A_5 = arith.constant 0 : index
    %get3A_6 = arith.constant 0 : index
    %get3A_7 = vector.load %arg5[%get3A_5, %get3A_6] : memref<128x128xf32, #tpu.memory_space<vmem>>, vector<128x128xf32>
    %dot_general3A = arith.constant dense<0.000000e+00> : vector<1000x128xf32>
    %dot_general3A_8 = tpu.matmul %get3A_4, %get3A_7, %dot_general3A {dimension_numbers = #tpu.dot_dimension_numbers<[1], [0], [0], [1], [0, 0, 1, 1], [], []>, transpose_lhs_hint = false} : vector<1000x128xf32>, vector<128x128xf32>, vector<1000x128xf32> -> vector<1000x128xf32>
    %div3A = vector.broadcast %sqrt3A_0 : f32 to vector<1000x128xf32>
    %div3A_9 = arith.divf %dot_general3A_8, %div3A : vector<1000x128xf32>
    %get3A_10 = arith.constant 0 : index
    %get3A_11 = arith.constant 0 : index
    %get3A_12 = vector.load %arg3[%get3A_10, %get3A_11] : memref<1000x1xf32, #tpu.memory_space<vmem>>, vector<1000x1xf32>
    %add3A = arith.constant 1.000000e+00 : f32
    %add3A_13 = vector.broadcast %add3A : f32 to vector<1000x1xf32>
    %add3A_14 = arith.addf %get3A_12, %add3A_13 : vector<1000x1xf32>
    %div3A_15 = vector.broadcast %add3A_14 : vector<1000x1xf32> to vector<1000x128xf32>
    %div3A_16 = arith.divf %div3A_9, %div3A_15 : vector<1000x128xf32>
    %get3A_17 = arith.constant 0 : index
    %get3A_18 = arith.constant 0 : index
    %get3A_19 = vector.load %arg2[%get3A_17, %get3A_18] : memref<1000x128xf32, #tpu.memory_space<vmem>>, vector<1000x128xf32>
    %get3A_20 = arith.constant 0 : index
    %get3A_21 = arith.constant 0 : index
    %get3A_22 = vector.load %arg6[%get3A_20, %get3A_21] : memref<128x128xf32, #tpu.memory_space<vmem>>, vector<128x128xf32>
    %dot_general3A_23 = arith.constant dense<0.000000e+00> : vector<1000x128xf32>
    %dot_general3A_24 = tpu.matmul %get3A_19, %get3A_22, %dot_general3A_23 {dimension_numbers = #tpu.dot_dimension_numbers<[1], [0], [0], [1], [0, 0, 1, 1], [], []>, transpose_lhs_hint = false} : vector<1000x128xf32>, vector<128x128xf32>, vector<1000x128xf32> -> vector<1000x128xf32>
    %div3A_25 = vector.broadcast %sqrt3A_0 : f32 to vector<1000x128xf32>
    %div3A_26 = arith.divf %dot_general3A_24, %div3A_25 : vector<1000x128xf32>
    %div3A_27 = arith.constant 3.200000e+01 : f32
    %div3A_28 = vector.broadcast %div3A_27 : f32 to vector<1000x128xf32>
    %div3A_29 = arith.divf %div3A_26, %div3A_28 : vector<1000x128xf32>
    %get3A_30 = arith.constant 0 : index
    %get3A_31 = arith.constant 0 : index
    %get3A_32 = vector.load %arg4[%get3A_30, %get3A_31] : memref<1000x4xf32, #tpu.memory_space<vmem>>, vector<1000x4xf32>
    %get3A_33 = arith.constant 0 : index
    %get3A_34 = arith.constant 0 : index
    %get3A_35 = vector.load %arg7[%get3A_33, %get3A_34] : memref<128x512xf32, #tpu.memory_space<vmem>>, vector<128x512xf32>
    %dot_general3A_36 = arith.constant dense<0.000000e+00> : vector<1000x512xf32>
    %dot_general3A_37 = tpu.matmul %div3A_16, %get3A_35, %dot_general3A_36 {dimension_numbers = #tpu.dot_dimension_numbers<[1], [0], [0], [1], [0, 0, 1, 1], [], []>, transpose_lhs_hint = false} : vector<1000x128xf32>, vector<128x512xf32>, vector<1000x512xf32> -> vector<1000x512xf32>
    %get3A_38 = arith.constant 0 : index
    %get3A_39 = arith.constant 0 : index
    %get3A_40 = vector.load %arg8[%get3A_38, %get3A_39] : memref<128x512xf32, #tpu.memory_space<vmem>>, vector<128x512xf32>
    %dot_general3A_41 = arith.constant dense<0.000000e+00> : vector<1000x512xf32>
    %dot_general3A_42 = tpu.matmul %div3A_29, %get3A_40, %dot_general3A_41 {dimension_numbers = #tpu.dot_dimension_numbers<[1], [0], [0], [1], [0, 0, 1, 1], [], []>, transpose_lhs_hint = false} : vector<1000x128xf32>, vector<128x512xf32>, vector<1000x512xf32> -> vector<1000x512xf32>
    %broadcast_in_dim3A = arith.constant 0.000000e+00 : f32
    %broadcast_in_dim3A_43 = vector.broadcast %broadcast_in_dim3A : f32 to vector<1000x128xf32>
    %broadcast_in_dim3A_44 = arith.constant 0.000000e+00 : f32
    %broadcast_in_dim3A_45 = vector.broadcast %broadcast_in_dim3A_44 : f32 to vector<1000x128xf32>
    %slice3A = vector.extract_strided_slice %get3A_32 {offsets = [0, 0], sizes = [1000, 1], strides = [1, 1]} : vector<1000x4xf32> to vector<1000x1xf32>
    %slice3A_46 = vector.extract_strided_slice %dot_general3A_37 {offsets = [0, 0], sizes = [1000, 128], strides = [1, 1]} : vector<1000x512xf32> to vector<1000x128xf32>
    %mul3A = vector.broadcast %slice3A : vector<1000x1xf32> to vector<1000x128xf32>
    %mul3A_47 = arith.mulf %mul3A, %slice3A_46 : vector<1000x128xf32>
    %add3A_48 = arith.addf %broadcast_in_dim3A_43, %mul3A_47 : vector<1000x128xf32>
    %slice3A_49 = vector.extract_strided_slice %dot_general3A_42 {offsets = [0, 0], sizes = [1000, 128], strides = [1, 1]} : vector<1000x512xf32> to vector<1000x128xf32>
    %mul3A_50 = vector.broadcast %slice3A : vector<1000x1xf32> to vector<1000x128xf32>
    %mul3A_51 = arith.mulf %mul3A_50, %slice3A_49 : vector<1000x128xf32>
    %add3A_52 = arith.addf %broadcast_in_dim3A_45, %mul3A_51 : vector<1000x128xf32>
    %slice3A_53 = vector.extract_strided_slice %get3A_32 {offsets = [0, 1], sizes = [1000, 1], strides = [1, 1]} : vector<1000x4xf32> to vector<1000x1xf32>
    %slice3A_54 = vector.extract_strided_slice %dot_general3A_37 {offsets = [0, 128], sizes = [1000, 128], strides = [1, 1]} : vector<1000x512xf32> to vector<1000x128xf32>
    %mul3A_55 = vector.broadcast %slice3A_53 : vector<1000x1xf32> to vector<1000x128xf32>
    %mul3A_56 = arith.mulf %mul3A_55, %slice3A_54 : vector<1000x128xf32>
    %add3A_57 = arith.addf %add3A_48, %mul3A_56 : vector<1000x128xf32>
    %slice3A_58 = vector.extract_strided_slice %dot_general3A_42 {offsets = [0, 128], sizes = [1000, 128], strides = [1, 1]} : vector<1000x512xf32> to vector<1000x128xf32>
    %mul3A_59 = vector.broadcast %slice3A_53 : vector<1000x1xf32> to vector<1000x128xf32>
    %mul3A_60 = arith.mulf %mul3A_59, %slice3A_58 : vector<1000x128xf32>
    %add3A_61 = arith.addf %add3A_52, %mul3A_60 : vector<1000x128xf32>
    %slice3A_62 = vector.extract_strided_slice %get3A_32 {offsets = [0, 2], sizes = [1000, 1], strides = [1, 1]} : vector<1000x4xf32> to vector<1000x1xf32>
    %slice3A_63 = vector.extract_strided_slice %dot_general3A_37 {offsets = [0, 256], sizes = [1000, 128], strides = [1, 1]} : vector<1000x512xf32> to vector<1000x128xf32>
    %mul3A_64 = vector.broadcast %slice3A_62 : vector<1000x1xf32> to vector<1000x128xf32>
    %mul3A_65 = arith.mulf %mul3A_64, %slice3A_63 : vector<1000x128xf32>
    %add3A_66 = arith.addf %add3A_57, %mul3A_65 : vector<1000x128xf32>
    %slice3A_67 = vector.extract_strided_slice %dot_general3A_42 {offsets = [0, 256], sizes = [1000, 128], strides = [1, 1]} : vector<1000x512xf32> to vector<1000x128xf32>
    %mul3A_68 = vector.broadcast %slice3A_62 : vector<1000x1xf32> to vector<1000x128xf32>
    %mul3A_69 = arith.mulf %mul3A_68, %slice3A_67 : vector<1000x128xf32>
    %add3A_70 = arith.addf %add3A_61, %mul3A_69 : vector<1000x128xf32>
    %slice3A_71 = vector.extract_strided_slice %get3A_32 {offsets = [0, 3], sizes = [1000, 1], strides = [1, 1]} : vector<1000x4xf32> to vector<1000x1xf32>
    %slice3A_72 = vector.extract_strided_slice %dot_general3A_37 {offsets = [0, 384], sizes = [1000, 128], strides = [1, 1]} : vector<1000x512xf32> to vector<1000x128xf32>
    %mul3A_73 = vector.broadcast %slice3A_71 : vector<1000x1xf32> to vector<1000x128xf32>
    %mul3A_74 = arith.mulf %mul3A_73, %slice3A_72 : vector<1000x128xf32>
    %add3A_75 = arith.addf %add3A_66, %mul3A_74 : vector<1000x128xf32>
    %slice3A_76 = vector.extract_strided_slice %dot_general3A_42 {offsets = [0, 384], sizes = [1000, 128], strides = [1, 1]} : vector<1000x512xf32> to vector<1000x128xf32>
    %mul3A_77 = vector.broadcast %slice3A_71 : vector<1000x1xf32> to vector<1000x128xf32>
    %mul3A_78 = arith.mulf %mul3A_77, %slice3A_76 : vector<1000x128xf32>
    %add3A_79 = arith.addf %add3A_70, %mul3A_78 : vector<1000x128xf32>
    %div3A_80 = vector.broadcast %sqrt3A_2 : f32 to vector<1000x128xf32>
    %div3A_81 = arith.divf %add3A_75, %div3A_80 : vector<1000x128xf32>
    %swap3A = arith.constant 0 : index
    %swap3A_82 = arith.constant 0 : index
    %swap3A_83 = vector.load %arg9[%swap3A, %swap3A_82] : memref<1000x128xf32, #tpu.memory_space<vmem>>, vector<1000x128xf32>
    tpu.vector_store %arg9[%swap3A, %swap3A_82], %div3A_81 {strides = array<i32>} : memref<1000x128xf32, #tpu.memory_space<vmem>>, vector<1000x128xf32>,
    %div3A_84 = vector.broadcast %sqrt3A_2 : f32 to vector<1000x128xf32>
    %div3A_85 = arith.divf %add3A_79, %div3A_84 : vector<1000x128xf32>
    %swap3A_86 = arith.constant 0 : index
    %swap3A_87 = arith.constant 0 : index
    %swap3A_88 = vector.load %arg10[%swap3A_86, %swap3A_87] : memref<1000x128xf32, #tpu.memory_space<vmem>>, vector<1000x128xf32>
    tpu.vector_store %arg10[%swap3A_86, %swap3A_87], %div3A_85 {strides = array<i32>} : memref<1000x128xf32, #tpu.memory_space<vmem>>, vector<1000x128xf32>,
    return
  }
  func.func @transform_0(%arg0: i32) -> (i32, i32) {
    %c0_i32 = arith.constant 0 : i32
    %c0_i32_0 = arith.constant 0 : i32
    return %arg0, %c0_i32 : i32, i32
  }
  func.func @transform_1(%arg0: i32) -> (i32, i32) {
    %c0_i32 = arith.constant 0 : i32
    %c0_i32_0 = arith.constant 0 : i32
    return %arg0, %c0_i32 : i32, i32
  }
  func.func @transform_2(%arg0: i32) -> (i32, i32) {
    %c0_i32 = arith.constant 0 : i32
    %c0_i32_0 = arith.constant 0 : i32
    return %arg0, %c0_i32 : i32, i32
  }
  func.func @transform_3(%arg0: i32) -> (i32, i32) {
    %c0_i32 = arith.constant 0 : i32
    %c0_i32_0 = arith.constant 0 : i32
    return %arg0, %c0_i32 : i32, i32
  }
  func.func @transform_4(%arg0: i32) -> (i32, i32) {
    %c0_i32 = arith.constant 0 : i32
    %c0_i32_0 = arith.constant 0 : i32
    %c0_i32_1 = arith.constant 0 : i32
    return %c0_i32, %c0_i32_0 : i32, i32
  }
  func.func @transform_5(%arg0: i32) -> (i32, i32) {
    %c0_i32 = arith.constant 0 : i32
    %c0_i32_0 = arith.constant 0 : i32
    %c0_i32_1 = arith.constant 0 : i32
    return %c0_i32, %c0_i32_0 : i32, i32
  }
  func.func @transform_6(%arg0: i32) -> (i32, i32) {
    %c0_i32 = arith.constant 0 : i32
    %c0_i32_0 = arith.constant 0 : i32
    %c0_i32_1 = arith.constant 0 : i32
    return %c0_i32, %c0_i32_0 : i32, i32
  }
  func.func @transform_7(%arg0: i32) -> (i32, i32) {
    %c0_i32 = arith.constant 0 : i32
    %c0_i32_0 = arith.constant 0 : i32
    %c0_i32_1 = arith.constant 0 : i32
    return %c0_i32, %c0_i32_0 : i32, i32
  }
  func.func @transform_8(%arg0: i32) -> (i32, i32) {
    %c0_i32 = arith.constant 0 : i32
    %c0_i32_0 = arith.constant 0 : i32
    return %arg0, %c0_i32 : i32, i32
  }
  func.func @transform_9(%arg0: i32) -> (i32, i32) {
    %c0_i32 = arith.constant 0 : i32
    %c0_i32_0 = arith.constant 0 : i32
    return %arg0, %c0_i32 : i32, i32
  }
}

</mosaic_0001>

<sc_bundles>
// kernel: kernel.10.cloned.1.call-start
scs
__scs_entry_jumppad:
0x0: {  	(pc) =	sbr.rel $0x88, $3  }
0x1: {  	(tag) =	ssettag $0x0;
	lr =	simm.s32 $0x1  }
0x2: {  	[smem:$0x3F8C] =	sst lr;
	_ =	strace $0xD0000000  }
0x3: {  	_ = 	snop  }
0x4: {  	_ = 	snop  }
0x5: {  	_ = 	snop  }
0x6: {  	_ = 	snop  }
0x7: {  	_ = 	snop  }
__scs_overlays_trampoline_lowered:
0x8: {  	[smem:$0x3F9B] =	sst s0  }
0x9: {  	[smem:$0x3F9C] =	sst s1  }
0xa: {  	[smem:$0x3F9D] =	sst s2  }
0xb: {  	[smem:$0x3F9E] =	sst s3  }
0xc: {  	[smem:$0x3F9F] =	sst s4  }
0xd: {  	[smem:$0x3FA0] =	sst s5  }
0xe: {  	[smem:$0x3FA1] =	sst s6  }
0xf: {  	[smem:$0x3FA2] =	sst s7  }
0x10: {  	[smem:$0x3FA3] =	sst s8  }
0x11: {  	[smem:$0x3FA4] =	sst s9;
	s0 =	simm.s32 @!p0 $0x0  }
0x12: {  	s1 =	sld [smem:$0x3F8A];
	s0 =	simm.s32 @p0 $0x1  }
0x13: {  	[smem:$0x3FA5] =	sst s0;
	s0 =	simm.s32 @!p1 $0x0  }
0x14: {  	s2 =	sld [smem:$0x3F89];
	s0 =	simm.s32 @p1 $0x1  }
0x15: {  	[smem:$0x3FA6] =	sst s0;
	s0 =	simm.s32 @!p2 $0x0  }
0x16: {  	s3 =	sld [smem:$0x3FDB];
	s0 =	simm.s32 @p2 $0x1  }
0x17: {  	s4 =	simm.s32 $0x1BF5;
	[smem:$0x3FA8] =	sst s0  }
0x18: {  	s0 =	sld [smem:$0x3F8B];
	_ =	swait.ge [sflag:s4], $0x0  }
0x19: {  	s7 =	sld [smem:$0x3F8C]  }
0x1a: {  	s8 =	sadd.s32 $0xFFFFE003, lr  }
0x1b: {  	s9 =	sadd.s32 $0xFFFFFEF7, lr;
	s5 =	simm.s32 $0xFFFFFFFF;
	p2 =	slt.u32 s8, $0xFFFFF086  }
0x1c: {  	p1 =	slt.u32 s9, $0xF7A;
	s5 =	simm.s32 @!p2 $0x0  }
0x1d: {  	s5 =	simm.s32 @p1 $0x1;
	p0 =	seq.s32 s7, s2  }
0x1e: {  	s7 =	smul.u32 @!p0 $0xF7A, s2;
	p2 =	seq.s32 @!p0 s5, $0x0  }
0x1f: {  	s9 =	smul.u32 $0xF7A, s1;
	s8 =	simm.s32 @!p0 $0x1BF5;
	p2 =	por !p2, p0  }
0x20: {  	[sflag:s8] =	ssyncset.s32 @!p0 $0xFFFFF086;
	s6 =	sadd.s32 @!p0 s3, s7;
	s7 =	simm.s32 @!p0 $0x108  }
0x21: {  	s3 =	sadd.s32 s3, s9;
	s6 =	sadd.s32 @!p0 $0x88, s6;
	s7 =	simm.s32 @p2 $0x1082  }
0x22: {  	[simem:s7], [sflag:s8] =	dma.local @!p0 [hbm:s6], $0xF7A  }
0x23: {  	s9 =	sor.u32 $0xD0000000, s2;
	s6 =	simm.s32 $0x108;
	_ =	swait.ge @!p0 [sflag:s8], $0x0  }
0x24: {  	s3 =	sadd.s32 $0x88, s3;
	s6 =	simm.s32 @!p1 $0x1082;
	[sflag:s4] =	ssyncset.s32 $0xFFFFF086  }
0x25: {  	[simem:s6], [sflag:s4] =	dma.local [hbm:s3], $0xF7A  }
0x26: {  	[smem:$0x3F8C] =	sst s1;
	(tag) =	ssettag s2;
	_ =	strace s9  }
0x27: {  	s1 =	sld [smem:$0x3F9C]  }
0x28: {  	s2 =	sld [smem:$0x3F9D]  }
0x29: {  	s4 =	sld [smem:$0x3F9F]  }
0x2a: {  	p0 =	seq.s32 s5, $0x0;
	s5 =	sld [smem:$0x3FA0]  }
0x2b: {  	s6 =	sld [smem:$0x3FA1]  }
0x2c: {  	s7 =	sld [smem:$0x3FA2]  }
0x2d: {  	s3 =	simm.s32 $0x108;
	s8 =	sld [smem:$0x3FA3]  }
0x2e: {  	s3 =	simm.s32 @!p0 $0x1082;
	s9 =	sld [smem:$0x3FA4]  }
0x2f: {  	lr =	sadd.s32 s0, s3;
	s0 =	sld [smem:$0x3F9B]  }
0x30: {  	s3 =	sld [smem:$0x3F9E]  }
0x31: {  	[smem:$0x3FA7] =	sst s10  }
0x32: {  	s10 =	sld [smem:$0x3FA5];
	_ =	sdelay $0x3  }
0x33: {  	p0 =	seq.s32 s10, $0x1;
	s10 =	sld [smem:$0x3FA7];
	_ =	sdelay $0x3  }
0x34: {  	[smem:$0x3FA7] =	sst s10  }
0x35: {  	s10 =	sld [smem:$0x3FA6];
	_ =	sdelay $0x3  }
0x36: {  	p1 =	seq.s32 s10, $0x1;
	s10 =	sld [smem:$0x3FA7];
	_ =	sdelay $0x3  }
0x37: {  	[smem:$0x3FA7] =	sst s10  }
0x38: {  	s10 =	sld [smem:$0x3FA8]  }
0x39: {  	_ = 	snop;
	(pc) =	sbr.ind lr, $3  }
0x3a: {  	_ = 	snop  }
0x3b: {  	_ = 	snop  }
0x3c: {  	p2 =	seq.s32 s10, $0x1;
	s10 =	sld [smem:$0x3FA7]  }
0x3d: {  	_ =	shalt  }
0x3e: {  	_ =	shalt  }
0x3f: {  	_ =	shalt  }
0x40: {  	_ =	shalt  }
0x41: {  	_ =	shalt  }
0x42: {  	_ =	shalt  }
0x43: {  	_ =	shalt  }
0x44: {  	_ =	shalt  }
0x45: {  	_ =	shalt  }
0x46: {  	_ =	shalt  }
0x47: {  	_ =	shalt  }
0x48: {  	_ =	shalt  }
0x49: {  	_ =	shalt  }
0x4a: {  	_ =	shalt  }
0x4b: {  	_ =	shalt  }
0x4c: {  	_ =	shalt  }
0x4d: {  	_ =	shalt  }
0x4e: {  	_ =	shalt  }
0x4f: {  	_ =	shalt  }
0x50: {  	_ =	shalt  }
0x51: {  	_ =	shalt  }
0x52: {  	_ =	shalt  }
0x53: {  	_ =	shalt  }
0x54: {  	_ =	shalt  }
0x55: {  	_ =	shalt  }
0x56: {  	_ =	shalt  }
0x57: {  	_ =	shalt  }
0x58: {  	_ =	shalt  }
0x59: {  	_ =	shalt  }
0x5a: {  	_ =	shalt  }
0x5b: {  	_ =	shalt  }
0x5c: {  	_ =	shalt  }
0x5d: {  	_ =	shalt  }
0x5e: {  	_ =	shalt  }
0x5f: {  	_ =	shalt  }
0x60: {  	_ =	shalt  }
0x61: {  	_ =	shalt  }
0x62: {  	_ =	shalt  }
0x63: {  	_ =	shalt  }
0x64: {  	_ =	shalt  }
0x65: {  	_ =	shalt  }
0x66: {  	_ =	shalt  }
0x67: {  	_ =	shalt  }
0x68: {  	_ =	shalt  }
0x69: {  	_ =	shalt  }
0x6a: {  	_ =	shalt  }
0x6b: {  	_ =	shalt  }
0x6c: {  	_ =	shalt  }
0x6d: {  	_ =	shalt  }
0x6e: {  	_ =	shalt  }
0x6f: {  	_ =	shalt  }
0x70: {  	_ =	shalt  }
0x71: {  	_ =	shalt  }
0x72: {  	_ =	shalt  }
0x73: {  	_ =	shalt  }
0x74: {  	_ =	shalt  }
0x75: {  	_ =	shalt  }
0x76: {  	_ =	shalt  }
0x77: {  	_ =	shalt  }
0x78: {  	_ =	shalt  }
0x79: {  	_ =	shalt  }
0x7a: {  	_ =	shalt  }
0x7b: {  	_ =	shalt  }
0x7c: {  	_ =	shalt  }
0x7d: {  	_ =	shalt  }
0x7e: {  	_ =	shalt  }
0x7f: {  	_ =	shalt  }
0x80: {  	_ =	shalt  }
0x81: {  	_ =	shalt  }
0x82: {  	_ =	shalt  }
0x83: {  	_ =	shalt  }
0x84: {  	_ =	shalt  }
0x85: {  	_ =	shalt  }
0x86: {  	_ =	shalt  }
0x87: {  	_ =	shalt  }
.Lfunc_end0:
.L_simem_size_0:
called_computation.1_lowered:
.L_overlay_start_0:
0x88: {  	s2 =	sld [smem:$0x3FD9]  }
0x89: {  	s3 =	sld [smem:$0x3FFE];
	_ =	sdelay $0x1  }
0x8a: {  	s1 =	srdreg.scid  }
0x8b: {  	s0 =	sand.u32 $0x1, s1  }
0x8c: {  	s14 =	sshll.u32 s0, $0xA;
	s2 =	sadd.s32 s3, s2  }
0x8d: {  	s2 =	sadd.s32 s2, s14  }
0x8e: {  	[smem:$0x3FB3] =	sst s2  }
0x8f: {  	_ = 	snop  }
0x90: {  	s2 =	sld [smem:$0x3FD0];
	_ =	sdelay $0x2  }
0x91: {  	s15 =	simm.s32 $0xA;
	s4 =	simm.s32 $0x10  }
0x92: {  	[smem:s4], [sflag:s15] =	dma.local [hbm:s2], $0x1  }
0x93: {  	_ =	swait.eq [sflag:s15], $0x1  }
0x94: {  	[sflag:s15] =	ssyncset.done $0x0  }
0x95: {  	s16 =	sld [smem:$0x10];
	[sflag:s15] =	ssyncadd.s32 $0xFFFFFFFF  }
0x96: {  	s17 =	sld [smem:$0x11];
	(tm) =	ssettm $0x1  }
0x97: {  	s18 =	sld [smem:$0x3FFB];
	_ =	sdelay $0x3  }
0x98: {  	_ =	strace s18  }
0x99: {  	s4 =	sld [smem:$0x3FFC];
	_ =	sdelay $0x3  }
0x9a: {  	_ =	strace s4  }
0x9b: {  	s4 =	sld [smem:$0x3FFD];
	_ =	sdelay $0x3  }
0x9c: {  	_ =	strace s4  }
0x9d: {  	_ =	strace $0x8FFFFFFF  }
0x9e: {  	s19 =	sld [smem:$0x3FDB];
	_ =	sdelay $0x1  }
0x9f: {  	s5 =	simm.s32 $_scs_section_size  }
0xa0: {  	s6 =	simm.s32 $_size__tile_overlayer_lowered;
	s7 =	simm.s32 $_tile_overlayer_lowered  }
0xa1: {  	s22 =	simm.s32 $0x1BFF;
	s21 =	sshll.u32 s7, $0x1;
	s4 =	sadd.s32 s5, s19  }
0xa2: {  	s8 =	simm.s32 $0x0;
	s20 =	sshll.u32 s6, $0x1;
	s6 =	sadd.s32 s21, s4  }
0xa3: {  	[timem:s8], [sflag:s22] =	dma.local [hbm:s6], s20  }
0xa4: {  	_ =	swait.ge [sflag:s22], s20  }
0xa5: {  	s5 =	ssub.s32 $0x0, s20;
	[sflag:s22] =	ssyncset.done $0x0  }
0xa6: {  	[sflag:s22] =	ssyncadd.s32 s5;
	_ =	sdelay $0x1  }
0xa7: {  	s23 =	simm.s32 $0x1B8B  }
0xa8: {  	_ =	swait.ge [sflag:s23], $0x1  }
0xa9: {  	[sflag:s23] =	ssyncset.done $0x0  }
0xaa: {  	s25 =	simm.s32 $0x1B8E;
	s24 =	sld [smem:$0x3FFE];
	[sflag:s23] =	ssyncadd.s32 $0xFFFFFFFF  }
0xab: {  	s26 =	simm.s32 $execute0_lowered;
	[smem:$0x3FD2] =	sst s25  }
0xac: {  	s6 =	sshll.u32 s26, $0x1;
	_ =	strace $0x80000049;
	[dreg:$0x1] =	wrdreg $0xFFFFFFFF  }
0xad: {  	s28 =	simm.s32 $_size_execute0_lowered;
	s4 =	sadd.s32 s4, s6;
	[dreg:$0x0] =	wrdreg $0x0  }
0xae: {  	s6 =	sshll.u32 s28, $0x1;
	[dreg:$0x2] =	wrdreg s4  }
0xaf: {  	[dreg:$0x3] =	wrdreg s6  }
0xb0: {  	[dreg:$0x4] =	wrdreg $0xC0  }
0xb1: {  	_ =	task [dreg:s8], $0x5FFFF  }
0xb2: {  	[dreg:$0x1] =	wrdreg $0xFFFFFFFF  }
0xb3: {  	[dreg:$0x0] =	wrdreg $0x60  }
0xb4: {  	[dreg:$0x2] =	wrdreg s24  }
0xb5: {  	[dreg:$0x3] =	wrdreg s17  }
0xb6: {  	[dreg:$0x4] =	wrdreg s16  }
0xb7: {  	[dreg:$0x5] =	wrdreg $0x0  }
0xb8: {  	[dreg:$0x6] =	wrdreg $0x138800  }
0xb9: {  	[dreg:$0x7] =	wrdreg $0x9  }
0xba: {  	_ =	task.clear_ibuf [dreg:s8], $0x8FFFF;
	_ =	strace $0x90000049  }
0xbb: {  	s29 =	simm.s32 $0x9;
	_ =	strace $0x8000004B  }
0xbc: {  	_ =	swait.ge [sflag:s29], $0x1  }
0xbd: {  	[sflag:s29] =	ssyncadd.s32 $0xFFFFFFFF  }
0xbe: {  	_ =	strace $0x9000004B  }
0xbf: {  	_ =	sfence  }
0xc0: {  	s30 =	sld [smem:$0x0];
	_ =	sdelay $0x2  }
0xc1: {  	s31 =	sshll.u32 s1, $0xD;
	s1 =	sshrl.u32 s1, $0x2  }
0xc2: {  	s3 =	sand.u32 $0x4000, s31;
	s1 =	sadd.s32 s1, s30  }
0xc3: {  	s0 =	sor.u32 s3, s0;
	s1 =	sshll.u32 s1, $0x11  }
0xc4: {  	s0 =	sor.u32 s1, s0  }
0xc5: {  	s0 =	sadd.s32 $0x8F2B, s0  }
0xc6: {  	[sflag:s0] =	ssyncadd.remote.s32 $0x1  }
0xc7: {  	_ =	sfence.sel $0xFFFF  }
0xc8: {  	[dreg:$0x0] =	wrdreg $0xFFFFFFFF;
	(pc) =	sbr.abs _section_cstart, $3  }
0xc9: {  	[dreg:$0x1] =	wrdreg $0xFFFFFFFF  }
0xca: {  	_ =	task.clear_ibuf [dreg:s8], $0x2FFFF;
	_ =	strace $0x9FFFFFFF  }
0xcb: {  	(tm) =	ssettm $0x7FFFFFFF  }
tec
execute0_lowered:
.L_overlay_start_1:
0x0: {  	(tag) =	ssettag $0x1  }
0x1: {  	s0 =	rddreg [dreg:$0x0];
	s1 =	simm.s32 $0x0;
	s25 =	stileid.u32  }
0x2: {  	s2 =	srdreg.scid;
	s29 =	simm.s32 $0x17978;
	s31 =	simm.s32 $0x1A378  }
0x3: {  	s28 =	simm.s32 $0x8;
	[smem:$0x7FF] =	sst s1;
	s3 =	sadd.s32 $0x3E00, s0  }
0x4: {  	s4 =	sadd.s32 $0xEB3C00, s0;
	s5 =	sand.u32 $0x1, s2;
	s6 =	smul.u32 $0x4E20, s25  }
0x5: {  	s7 =	sadd.s32 $0x1395C00, s0;
	s11 =	smul.u32 $0x4E200, s25;
	s2 =	ssub.s32 $0x2, s5  }
0x6: {  	s8 =	sadd.s32 $0xDC00, s0;
	s9 =	sshrl.u32 s2, $0x1;
	s10 =	sshrl.u32 s6, $0x3  }
0x7: {  	s16 =	sadd.s32 $0x28, s6;
	s26 =	sadd.s32 s7, s11;
	s2 =	ssub.s32 s2, s9  }
0x8: {  	s15 =	sadd.s32 s3, s10;
	s10 =	sadd.s32 s8, s10;
	[dreg:$0x11] =	wrdreg s26  }
0x9: {  	s17 =	sshrl.u32 s16, $0x3;
	s9 =	sshll.u32 s16, $0x4;
	[dreg:$0x6] =	wrdreg s15  }
0xa: {  	s15 =	sadd.s32 s4, s11;
	[dreg:$0x8] =	wrdreg s10;
	s12 =	sadd.s32 s3, s17  }
0xb: {  	s13 =	sadd.s32 s4, s9;
	s11 =	sadd.s32 s7, s9;
	s9 =	rddreg [dreg:$0x2]  }
0xc: {  	p6 =	sne.s32 s25, $0xF;
	s18 =	sadd.s32 $0x50, s6;
	[dreg:$0x9] =	wrdreg s12  }
0xd: {  	s19 =	sshrl.u32 s18, $0x3;
	s10 =	sadd.s32 s8, s17;
	[dreg:$0xa] =	wrdreg s13  }
0xe: {  	p1 =	seq.s32 s5, $0x0;
	s20 =	sadd.s32 s3, s19;
	[dreg:$0xb] =	wrdreg s10  }
0xf: {  	s23 =	sadd.s32 $0x78, s6;
	s22 =	sadd.s32 s8, s19;
	[dreg:$0xc] =	wrdreg s20  }
0x10: {  	p2 =	seq.s32 s5, $0x1;
	s24 =	sshrl.u32 s23, $0x3;
	[dreg:$0xe] =	wrdreg s22  }
0x11: {  	p3 =	sne.s32 s5, $0x0;
	s19 =	sadd.s32 s3, s24;
	[dreg:$0x12] =	wrdreg s11  }
0x12: {  	s6 =	sadd.s32 $0xA0, s6;
	p4 =	por !p1, !p6;
	[dreg:$0x16] =	wrdreg s19  }
0x13: {  	s14 =	sshll.u32 s6, $0x4;
	s12 =	sshll.u32 s18, $0x4;
	s22 =	rddreg [dreg:$0x1]  }
0x14: {  	s18 =	sadd.s32 s7, s14;
	s20 =	sadd.s32 s8, s24;
	s24 =	rddreg [dreg:$0x3]  }
0x15: {  	p6 =	por !p6, !p2;
	p4 =	por !p4, !p4;
	[dreg:$0x15] =	wrdreg s18  }
0x16: {  	s10 =	sshll.u32 s23, $0x4;
	s21 =	sadd.s32 s4, s12;
	[dreg:$0x17] =	wrdreg s20  }
0x17: {  	p6 =	por !p6, !p6;
	s16 =	sadd.s32 s4, s10;
	[dreg:$0xd] =	wrdreg s21  }
0x18: {  	s23 =	smul.u32 $0x9C4, s25;
	s4 =	sadd.s32 s4, s14;
	[dreg:$0xf] =	wrdreg s16  }
0x19: {  	s13 =	smul.u32 $0x50000, s25;
	s17 =	sadd.s32 s7, s10;
	[dreg:$0x10] =	wrdreg s4  }
0x1a: {  	s16 =	sadd.s32 s7, s12;
	[dreg:$0x14] =	wrdreg s17;
	s21 =	sshrl.u32 s6, $0x3  }
0x1b: {  	s19 =	sadd.s32 $0x17A00, s0;
	[dreg:$0x13] =	wrdreg s16;
	s26 =	sadd.s32 s3, s21  }
0x1c: {  	s14 =	smul.u32 $0x2800, s25;
	s4 =	sadd.s32 s8, s21;
	[dreg:$0x18] =	wrdreg s26  }
0x1d: {  	s20 =	sadd.s32 $0x18000, s0;
	s8 =	sadd.s32 s23, s8;
	[dreg:$0x19] =	wrdreg s4  }
0x1e: {  	s12 =	sor.u32 s25, s5;
	s5 =	simm.s32 @!p3 $0x0;
	[dreg:$0x1a] =	wrdreg s8  }
0x1f: {  	s30 =	sadd.s32 $0x12C000, s24;
	s5 =	simm.s32 @p3 $0x1;
	s26 =	rddreg [dreg:$0x4]  }
0x20: {  	s11 =	sadd.s32 s23, s3;
	s16 =	sadd.s32 $0x25800, s22;
	[smem:$0x7F4] =	sst s5  }
0x21: {  	s17 =	sadd.s32 s22, s14;
	_ =	strace $0x8000004A;
	[dreg:$0x1c] =	wrdreg s16  }
0x22: {  	s3 =	sshrl.u32 s13, $0x2;
	s5 =	sadd.s32 s9, s14;
	[dreg:$0x1d] =	wrdreg s17  }
0x23: {  	s18 =	sadd.s32 s14, s0;
	s4 =	sadd.s32 $0x25800, s9;
	[dreg:$0x1e] =	wrdreg s5  }
0x24: {  	s10 =	sadd.s32 s3, s24;
	s3 =	sadd.s32 $0x18600, s18;
	[dreg:$0x1f] =	wrdreg s4  }
0x25: {  	s7 =	simm.s32 $0x2;
	s6 =	simm.s32 $0x14;
	[smem:$0x7F5] =	sst s3  }
0x26: {  	p0 =	sne.s32 s12, $0x0;
	p3 =	seq.s32 s25, $0xF;
	[smem:$0x7F7] =	sst s19  }
0x27: {  	s0 =	sadd.s32 $0x3DE00, s0;
	s21 =	smax.u32 s2, $0x1;
	[smem:$0x7F8] =	sst s20  }
0x28: {  	s22 =	sadd.s32 $0x1680, s15;
	s23 =	sadd.s32 $0x2D, s11;
	[smem:$0x7F9] =	sst s0  }
0x29: {  	s12 =	simm.s32 $0x13BF8;
	s13 =	simm.s32 $0xA;
	[smem:$0x7FA] =	sst s21  }
0x2a: {  	p1 =	por !p1, !p3;
	s9 =	simm.s32 $0x7;
	[dreg:$0x7] =	wrdreg s15  }
0x2b: {  	s18 =	simm.s32 $0x5;
	s14 =	simm.s32 $0x12;
	[smem:$0x7FB] =	sst s22  }
0x2c: {  	p5 =	por !p1, !p1;
	s3 =	simm.s32 @!p2 $0x0;
	[smem:$0x7FC] =	sst s23  }
0x2d: {  	s15 =	simm.s32 $0x13AF8;
	s19 =	simm.s32 $0x13B78;
	s5 =	simm.s32 $0x13C78  }
.Ltmp0:
0x2e: {  	s20 =	simm.s32 $0x13CF8;
	s23 =	simm.s32 $0x6;
	(pc) =	sbr.rel .LBB2_1-.Ltmp0, $4  }
0x2f: {  	s4 =	simm.s32 $0x28;
	s0 =	simm.s32 $0x3;
	s17 =	simm.s32 $0x4  }
0x30: {  	s21 =	simm.s32 $0x9;
	s16 =	simm.s32 $0x10;
	[dreg:$0x1b] =	wrdreg s10  }
0x31: {  	[smem:$0x7FD] =	sst s30;
	s3 =	simm.s32 @p2 $0x1;
	p2 =	por !p2, !p3  }
0x32: {  	s22 =	simm.s32 $0x0;
	[smem:$0x7F6] =	sst s3;
	p2 =	por !p2, !p2  }
.LBB2_9:
0x33: {  	s2 =	simm.s32 $0x11  }
0x34: {  	_ =	swait.ge [sflag:s2], $0x1400  }
0x35: {  	[sflag:s2] =	ssyncset.done $0x0  }
0x36: {  	[sflag:s2] =	ssyncadd.s32 $0xFFFFEC00  }
0x37: {  	_ =	swait.ge [sflag:s14], $0x1400  }
0x38: {  	[sflag:s14] =	ssyncset.done $0x0  }
0x39: {  	s26 =	simm.s32 $0x13;
	[sflag:s14] =	ssyncadd.s32 $0xFFFFEC00  }
0x3a: {  	_ =	swait.ge [sflag:s26], $0x1400  }
0x3b: {  	[sflag:s26] =	ssyncset.done $0x0  }
0x3c: {  	s5 =	simm.s32 $0x13C78;
	[sflag:s26] =	ssyncadd.s32 $0xFFFFEC00  }
0x3d: {  	s19 =	simm.s32 $0x13B78;
	s12 =	simm.s32 $0x13BF8;
	_ =	swait.ge [sflag:s6], $0x1400  }
0x3e: {  	s29 =	simm.s32 $0x17978;
	[sflag:s6] =	ssyncset.done $0x0;
	s22 =	sld [smem:$0x7F1]  }
0x3f: {  	s20 =	simm.s32 $0x13CF8;
	s30 =	sld [smem:$0x7FD];
	[sflag:s6] =	ssyncadd.s32 $0xFFFFEC00  }
0x40: {  	s31 =	simm.s32 $0x1A378;
	s25 =	stileid.u32;
	s26 =	rddreg [dreg:$0x4]  }
.LBB2_10:
0x41: {  	[bflag:$0x0] =	sbarrier.arrive $0xFFFF  }
0x42: {  	s2 =	sshll.u32 @p4 s25, $0x6;
	s10 =	rddreg [dreg:$0x1b]  }
0x43: {  	s2 =	sor.u32 @p4 $0x1C1A, s2;
	s8 =	rddreg [dreg:$0x1e];
	s3 =	sshrl.u32 @p4 s10, $0x3  }
0x44: {  	[hbm:s8], [sflag:s2] =	dma.local @p4 [spmem:s3], $0x2800  }
0x45: {  	s2 =	simm.s32 @p4 $0x1A  }
0x46: {  	_ =	swait.ge @p4 [sflag:s2], $0x2800  }
0x47: {  	s3 =	simm.s32 @p5 $0x1FDA;
	[sflag:s2] =	ssyncset.done @p4 $0x0  }
0x48: {  	s8 =	rddreg [dreg:$0x1f];
	[sflag:s2] =	ssyncadd.s32 @p4 $0xFFFFD800;
	s2 =	sshrl.u32 @p5 s30, $0x3  }
0x49: {  	[hbm:s8], [sflag:s3] =	dma.local @p5 [spmem:s2], $0x1900  }
0x4a: {  	s2 =	simm.s32 @p5 $0x1A  }
0x4b: {  	_ =	swait.ge @p5 [sflag:s2], $0x1900  }
0x4c: {  	s3 =	sld [smem:$0x7F2]  }
0x4d: {  	[sflag:s2] =	ssyncset.done @p5 $0x0;
	s8 =	sld [smem:$0x7F3]  }
0x4e: {  	[sflag:s2] =	ssyncadd.s32 @p5 $0xFFFFE700;
	s2 =	sld [smem:$0x7F8];
	_ =	sdelay $0x2  }
0x4f: {  	[hbm:s2], [sflag:s3] =	dma.local @!p0 [spmem:s8], $0x4F0  }
0x50: {  	s2 =	simm.s32 @!p0 $0x1A  }
0x51: {  	_ =	swait.ge @!p0 [sflag:s2], $0x4F0  }
0x52: {  	s8 =	sld [smem:$0x7F5]  }
0x53: {  	s3 =	sshll.u32 @p6 s25, $0x6;
	[sflag:s2] =	ssyncset.done @!p0 $0x0  }
0x54: {  	[sflag:s2] =	ssyncadd.s32 @!p0 $0xFFFFFB10;
	s2 =	sor.u32 @p6 $0x1C1A, s3;
	s3 =	sshrl.u32 @p6 s10, $0x3  }
0x55: {  	[hbm:s8], [sflag:s2] =	dma.local @p6 [spmem:s3], $0x2800  }
0x56: {  	s2 =	simm.s32 @p6 $0x1A  }
0x57: {  	_ =	swait.ge @p6 [sflag:s2], $0x2800  }
0x58: {  	s8 =	sld [smem:$0x7F9]  }
0x59: {  	[sflag:s2] =	ssyncset.done @p6 $0x0  }
0x5a: {  	s3 =	simm.s32 @p2 $0x1FDA;
	[sflag:s2] =	ssyncadd.s32 @p6 $0xFFFFD800;
	s2 =	sshrl.u32 @p2 s30, $0x3  }
0x5b: {  	[hbm:s8], [sflag:s3] =	dma.local @p2 [spmem:s2], $0x1900  }
0x5c: {  	s2 =	simm.s32 @p2 $0x1A  }
0x5d: {  	_ =	swait.ge @p2 [sflag:s2], $0x1900  }
0x5e: {  	s8 =	sld [smem:$0x7FA];
	_ =	sdelay $0x1  }
0x5f: {  	s22 =	sadd.s32 $0x1, s22  }
0x60: {  	p1 =	sne.s32 s22, s8  }
.Ltmp1:
0x61: {  	_ = 	snop;
	(pc) =	sbr.rel @!p1 .LBB2_11-.Ltmp1, $3  }
0x62: {  	_ =	sdelay $0x1  }
0x63: {  	[sflag:s2] =	ssyncset.done @p2 $0x0  }
0x64: {  	[sflag:s2] =	ssyncadd.s32 @p2 $0xFFFFE700  }
.LBB2_1:
0x65: {  	[smem:$0x7F1] =	sst s22  }
0x66: {  	s3 =	sshrl.u32 @p3 s30, $0x3;
	s8 =	simm.s32 @p3 $0x1FDA;
	s2 =	rddreg [dreg:$0x1c]  }
0x67: {  	[spmem:s3], [sflag:s8] =	dma.local @p3 [hbm:s2], $0x1900  }
0x68: {  	s3 =	simm.s32 @p3 $0x1A  }
0x69: {  	_ =	swait.ge @p3 [sflag:s3], $0x1900  }
0x6a: {  	s8 =	sshll.u32 @!p3 s25, $0x6;
	[sflag:s3] =	ssyncset.done @p3 $0x0;
	s2 =	rddreg [dreg:$0x1d]  }
0x6b: {  	[sflag:s3] =	ssyncadd.s32 @p3 $0xFFFFE700;
	s3 =	sor.u32 @!p3 $0x1C1A, s8;
	s8 =	sshrl.u32 @!p3 s10, $0x3  }
0x6c: {  	[spmem:s8], [sflag:s3] =	dma.local @!p3 [hbm:s2], $0x2800  }
0x6d: {  	s3 =	simm.s32 @!p3 $0x1A  }
0x6e: {  	_ =	swait.ge @!p3 [sflag:s3], $0x2800  }
0x6f: {  	s8 =	sshll.u32 @!p0 s25, $0x6;
	[sflag:s3] =	ssyncset.done @!p3 $0x0  }
0x70: {  	s2 =	sld [smem:$0x7F7];
	[sflag:s3] =	ssyncadd.s32 @!p3 $0xFFFFD800;
	s3 =	sor.u32 @!p0 $0x1C1A, s8  }
0x71: {  	s8 =	sshrl.u32 @!p0 s26, $0x3;
	[smem:$0x7F2] =	sst s3  }
0x72: {  	[smem:$0x7F3] =	sst s8  }
0x73: {  	[spmem:s8], [sflag:s3] =	dma.local @!p0 [hbm:s2], $0x4F0  }
0x74: {  	s3 =	simm.s32 @!p0 $0x1A  }
0x75: {  	_ =	swait.ge @!p0 [sflag:s3], $0x4F0  }
0x76: {  	[sflag:s3] =	ssyncset.done @!p0 $0x0  }
0x77: {  	[sflag:s3] =	ssyncadd.s32 @!p0 $0xFFFFFB10  }
0x78: {  	[bflag:$0x0] =	sbarrier.arrive $0xFFFF  }
0x79: {  	s30 =	sld [smem:$0x7F4];
	_ =	sdelay $0x2  }
0x7a: {  	p1 =	seq.s32 s30, $0x1  }
.Ltmp2:
0x7b: {  	_ = 	snop;
	(pc) =	sbr.rel @p1 .LBB2_5-.Ltmp2, $2  }
0x7c: {  	_ =	sdelay $0x2  }
0x7d: {  	s25 =	rddreg [dreg:$0x1a]  }
0x7e: {  	s30 =	simm.s32 $0x0;
	s2 =	rddreg [dreg:$0x6]  }
0x7f: {  	[tilespmem:s15], [sflag:$0x1] =	stream.linear.gather [hbm4b:s2+s30], $0x28, $0x38;
	[tilespmem:$0x1A3F8] =	vst v63  }
0x80: {  	s10 =	rddreg [dreg:$0x7];
	s8 =	simm.s32 $0x13D78  }
0x81: {  	[tilespmem:s8], [sflag:$0x6] =	stream.linear.gather [hbm4b:s10+s30], $0x1400, $0x38;
	[tilespmem:$0x1A3F8] =	vst v63  }
0x82: {  	s22 =	rddreg [dreg:$0x8];
	s3 =	simm.s32 $0x1A178  }
0x83: {  	[tilespmem:s3], [sflag:$0xB] =	stream.linear.gather [hbm4b:s22+s30], $0x28, $0x38;
	[tilespmem:$0x1A3F8] =	vst v63  }
0x84: {  	s3 =	rddreg [dreg:$0x9]  }
0x85: {  	[tilespmem:s19], [sflag:$0x2] =	stream.linear.gather [hbm4b:s3+s30], $0x28, $0x38;
	[tilespmem:$0x1A3F8] =	vst v63  }
0x86: {  	s10 =	rddreg [dreg:$0xa];
	s22 =	simm.s32 $0x15178  }
0x87: {  	[tilespmem:s22], [sflag:$0x7] =	stream.linear.gather [hbm4b:s10+s30], $0x1400, $0x38;
	[tilespmem:$0x1A3F8] =	vst v63  }
0x88: {  	s10 =	rddreg [dreg:$0xb];
	s22 =	simm.s32 $0x1A1F8  }
0x89: {  	[tilespmem:s22], [sflag:$0xC] =	stream.linear.gather [hbm4b:s10+s30], $0x28, $0x38;
	[tilespmem:$0x1A3F8] =	vst v63  }
0x8a: {  	s10 =	rddreg [dreg:$0xc]  }
0x8b: {  	[tilespmem:s12], [sflag:$0x3] =	stream.linear.gather [hbm4b:s10+s30], $0x28, $0x38;
	[tilespmem:$0x1A3F8] =	vst v63  }
0x8c: {  	s22 =	rddreg [dreg:$0xd];
	s10 =	simm.s32 $0x16578  }
0x8d: {  	[tilespmem:s10], [sflag:$0x8] =	stream.linear.gather [hbm4b:s22+s30], $0x1400, $0x38;
	[tilespmem:$0x1A3F8] =	vst v63  }
0x8e: {  	s3 =	rddreg [dreg:$0xe];
	s22 =	simm.s32 $0x1A278  }
0x8f: {  	[tilespmem:s22], [sflag:$0xD] =	stream.linear.gather [hbm4b:s3+s30], $0x28, $0x38;
	[tilespmem:$0x1A3F8] =	vst v63  }
0x90: {  	s3 =	rddreg [dreg:$0x16]  }
0x91: {  	s22 =	rddreg [dreg:$0xf]  }
0x92: {  	[tilespmem:s5], [sflag:$0x4] =	stream.linear.gather [hbm4b:s3+s30], $0x28, $0x38;
	[tilespmem:$0x1A3F8] =	vst v63  }
0x93: {  	s3 =	rddreg [dreg:$0x17]  }
0x94: {  	[tilespmem:s29], [sflag:$0x9] =	stream.linear.gather [hbm4b:s22+s30], $0x1400, $0x38;
	[tilespmem:$0x1A3F8] =	vst v63  }
0x95: {  	s5 =	simm.s32 $0x1A2F8;
	s22 =	rddreg [dreg:$0x18]  }
0x96: {  	[tilespmem:s5], [sflag:$0xE] =	stream.linear.gather [hbm4b:s3+s30], $0x28, $0x38;
	[tilespmem:$0x1A3F8] =	vst v63  }
0x97: {  	s3 =	rddreg [dreg:$0x10]  }
0x98: {  	[tilespmem:s20], [sflag:$0x5] =	stream.linear.gather [hbm4b:s22+s30], $0x28, $0x38;
	[tilespmem:$0x1A3F8] =	vst v63  }
0x99: {  	s5 =	simm.s32 $0x18D78;
	s22 =	rddreg [dreg:$0x19]  }
0x9a: {  	[tilespmem:s5], [sflag:$0xA] =	stream.linear.gather [hbm4b:s3+s30], $0x1400, $0x38;
	[tilespmem:$0x1A3F8] =	vst v63  }
0x9b: {  	s3 =	sld [smem:$0x7FB]  }
0x9c: {  	[tilespmem:s31], [sflag:$0xF] =	stream.linear.gather [hbm4b:s22+s30], $0x28, $0x38;
	[tilespmem:$0x1A3F8] =	vst v63  }
.LBB2_3:
0x9d: {  	s2 =	simm.s32 $0x1  }
0x9e: {  	_ =	swait.ge [sflag:s2], $0x28  }
0x9f: {  	[sflag:s2] =	ssyncset.done $0x0  }
0xa0: {  	[sflag:s2] =	ssyncadd.s32 $0xFFFFFFD8  }
0xa1: {  	_ =	swait.ge [sflag:s23], $0x1400  }
0xa2: {  	[sflag:s23] =	ssyncset.done $0x0  }
0xa3: {  	s5 =	simm.s32 $0xB;
	[sflag:s23] =	ssyncadd.s32 $0xFFFFEC00  }
0xa4: {  	[spmem:s24] =	stream.indirect.scatter.add.f32 [tilespmem:s8], [sflag:$0x10], $0x80, s15, s4, $0xb8;
	[tilespmem:$0x1A3F8] =	vst v63  }
0xa5: {  	_ =	swait.ge [sflag:s5], $0x28  }
0xa6: {  	[sflag:s5] =	ssyncset.done $0x0  }
0xa7: {  	s8 =	simm.s32 $0x1A178;
	[sflag:s5] =	ssyncadd.s32 $0xFFFFFFD8  }
0xa8: {  	[spmem:s26] =	stream.indirect.scatter.add.f32 [tilespmem:s8], [sflag:$0x15], $0x1, s15, s4, $0xb8;
	[tilespmem:$0x1A3F8] =	vst v63  }
0xa9: {  	_ =	swait.ge [sflag:s7], $0x28  }
0xaa: {  	[sflag:s7] =	ssyncset.done $0x0  }
0xab: {  	[sflag:s7] =	ssyncadd.s32 $0xFFFFFFD8  }
0xac: {  	_ =	swait.ge [sflag:s9], $0x1400  }
0xad: {  	[sflag:s9] =	ssyncset.done $0x0  }
0xae: {  	s22 =	simm.s32 $0xC;
	s15 =	simm.s32 $0x15178;
	[sflag:s9] =	ssyncadd.s32 $0xFFFFEC00  }
0xaf: {  	[spmem:s24] =	stream.indirect.scatter.add.f32 [tilespmem:s15], [sflag:$0x11], $0x80, s19, s4, $0xb8;
	[tilespmem:$0x1A3F8] =	vst v63  }
0xb0: {  	_ =	swait.ge [sflag:s22], $0x28  }
0xb1: {  	[sflag:s22] =	ssyncset.done $0x0  }
0xb2: {  	s5 =	simm.s32 $0x1A1F8;
	[sflag:s22] =	ssyncadd.s32 $0xFFFFFFD8  }
0xb3: {  	[spmem:s26] =	stream.indirect.scatter.add.f32 [tilespmem:s5], [sflag:$0x16], $0x1, s19, s4, $0xb8;
	[tilespmem:$0x1A3F8] =	vst v63  }
0xb4: {  	_ =	swait.ge [sflag:s0], $0x28  }
0xb5: {  	[sflag:s0] =	ssyncset.done $0x0  }
0xb6: {  	[sflag:s0] =	ssyncadd.s32 $0xFFFFFFD8  }
0xb7: {  	_ =	swait.ge [sflag:s28], $0x1400  }
0xb8: {  	[sflag:s28] =	ssyncset.done $0x0  }
0xb9: {  	s8 =	simm.s32 $0xD;
	[sflag:s28] =	ssyncadd.s32 $0xFFFFEC00  }
0xba: {  	[spmem:s24] =	stream.indirect.scatter.add.f32 [tilespmem:s10], [sflag:$0x12], $0x80, s12, s4, $0xb8;
	[tilespmem:$0x1A3F8] =	vst v63  }
0xbb: {  	_ =	swait.ge [sflag:s8], $0x28  }
0xbc: {  	[sflag:s8] =	ssyncset.done $0x0  }
0xbd: {  	s10 =	simm.s32 $0x1A278;
	[sflag:s8] =	ssyncadd.s32 $0xFFFFFFD8  }
0xbe: {  	[spmem:s26] =	stream.indirect.scatter.add.f32 [tilespmem:s10], [sflag:$0x17], $0x1, s12, s4, $0xb8;
	[tilespmem:$0x1A3F8] =	vst v63  }
0xbf: {  	_ =	swait.ge [sflag:s17], $0x28  }
0xc0: {  	[sflag:s17] =	ssyncset.done $0x0  }
0xc1: {  	[sflag:s17] =	ssyncadd.s32 $0xFFFFFFD8  }
0xc2: {  	_ =	swait.ge [sflag:s21], $0x1400  }
0xc3: {  	[sflag:s21] =	ssyncset.done $0x0  }
0xc4: {  	s15 =	simm.s32 $0x13C78;
	s5 =	simm.s32 $0xE;
	[sflag:s21] =	ssyncadd.s32 $0xFFFFEC00  }
0xc5: {  	[spmem:s24] =	stream.indirect.scatter.add.f32 [tilespmem:s29], [sflag:$0x13], $0x80, s15, s4, $0xb8;
	[tilespmem:$0x1A3F8] =	vst v63  }
0xc6: {  	_ =	swait.ge [sflag:s5], $0x28  }
0xc7: {  	[sflag:s5] =	ssyncset.done $0x0  }
0xc8: {  	s22 =	simm.s32 $0x1A2F8;
	[sflag:s5] =	ssyncadd.s32 $0xFFFFFFD8  }
0xc9: {  	[spmem:s26] =	stream.indirect.scatter.add.f32 [tilespmem:s22], [sflag:$0x18], $0x1, s15, s4, $0xb8;
	[tilespmem:$0x1A3F8] =	vst v63  }
0xca: {  	_ =	swait.ge [sflag:s18], $0x28  }
0xcb: {  	[sflag:s18] =	ssyncset.done $0x0  }
0xcc: {  	[sflag:s18] =	ssyncadd.s32 $0xFFFFFFD8  }
0xcd: {  	_ =	swait.ge [sflag:s13], $0x1400  }
0xce: {  	[sflag:s13] =	ssyncset.done $0x0  }
0xcf: {  	s8 =	simm.s32 $0x18D78;
	s10 =	simm.s32 $0xF;
	[sflag:s13] =	ssyncadd.s32 $0xFFFFEC00  }
0xd0: {  	[spmem:s24] =	stream.indirect.scatter.add.f32 [tilespmem:s8], [sflag:$0x14], $0x80, s20, s4, $0xb8;
	[tilespmem:$0x1A3F8] =	vst v63  }
0xd1: {  	_ =	swait.ge [sflag:s10], $0x28  }
0xd2: {  	[sflag:s10] =	ssyncset.done $0x0  }
0xd3: {  	[sflag:s10] =	ssyncadd.s32 $0xFFFFFFD8  }
0xd4: {  	[spmem:s26] =	stream.indirect.scatter.add.f32 [tilespmem:s31], [sflag:$0x19], $0x1, s20, s4, $0xb8;
	[tilespmem:$0x1A3F8] =	vst v63  }
0xd5: {  	_ =	swait.ge [sflag:s16], $0x1400  }
0xd6: {  	[sflag:s16] =	ssyncset.done $0x0  }
0xd7: {  	s15 =	simm.s32 $0x15;
	[sflag:s16] =	ssyncadd.s32 $0xFFFFEC00  }
0xd8: {  	_ =	swait.ge [sflag:s15], $0x28  }
0xd9: {  	p1 =	seq.s32 s30, $0x9AB;
	[sflag:s15] =	ssyncset.done $0x0  }
0xda: {  	s8 =	simm.s32 @p1 $0x11;
	[sflag:s15] =	ssyncadd.s32 $0xFFFFFFD8  }
0xdb: {  	_ =	swait.ge @p1 [sflag:s8], $0x1400  }
0xdc: {  	[sflag:s8] =	ssyncset.done @p1 $0x0  }
0xdd: {  	[sflag:s8] =	ssyncadd.s32 @p1 $0xFFFFEC00;
	s8 =	simm.s32 @p1 $0x16  }
0xde: {  	s2 =	simm.s32 @!p1 $0x13AF8;
	_ =	swait.ge @p1 [sflag:s8], $0x28  }
0xdf: {  	s10 =	sadd.s32 @!p1 s30, s11;
	s15 =	smov.u32 s11;
	[sflag:s8] =	ssyncset.done @p1 $0x0  }
0xe0: {  	s11 =	sadd.s32 @!p1 $0x19, s10;
	[sflag:s8] =	ssyncadd.s32 @p1 $0xFFFFFFD8;
	s8 =	simm.s32 @!p1 $0x0  }
0xe1: {  	[tilespmem:s2], [sflag:$0x1] =	stream.linear.gather @!p1 [hbm4b:s11+s8], $0x28, $0x38;
	[tilespmem:$0x1A3F8] =	vst v63  }
0xe2: {  	s2 =	sadd.s32 @!p1 $0xFFFFF600, s3;
	s11 =	simm.s32 @!p1 $0x13D78  }
0xe3: {  	[tilespmem:s11], [sflag:$0x6] =	stream.linear.gather @!p1 [hbm4b:s2+s8], $0x1400, $0x38;
	[tilespmem:$0x1A3F8] =	vst v63  }
0xe4: {  	s2 =	sadd.s32 @!p1 s30, s25  }
0xe5: {  	s22 =	simm.s32 @!p1 $0x1A178;
	s11 =	sadd.s32 @!p1 $0x19, s2  }
0xe6: {  	[tilespmem:s22], [sflag:$0xB] =	stream.linear.gather @!p1 [hbm4b:s11+s8], $0x28, $0x38;
	[tilespmem:$0x1A3F8] =	vst v63  }
0xe7: {  	s11 =	simm.s32 @!p1 $0x11  }
0xe8: {  	_ =	swait.ge @!p1 [sflag:s11], $0x1400  }
0xe9: {  	[sflag:s11] =	ssyncset.done @!p1 $0x0  }
0xea: {  	[sflag:s11] =	ssyncadd.s32 @!p1 $0xFFFFEC00;
	s11 =	simm.s32 @!p1 $0x16  }
0xeb: {  	_ =	swait.ge @!p1 [sflag:s11], $0x28  }
0xec: {  	[sflag:s11] =	ssyncset.done @!p1 $0x0  }
0xed: {  	s22 =	simm.s32 @!p1 $0x13B78;
	[sflag:s11] =	ssyncadd.s32 @!p1 $0xFFFFFFD8;
	s11 =	sadd.s32 @!p1 $0x1E, s10  }
0xee: {  	[tilespmem:s22], [sflag:$0x2] =	stream.linear.gather @!p1 [hbm4b:s11+s8], $0x28, $0x38;
	[tilespmem:$0x1A3F8] =	vst v63  }
0xef: {  	s11 =	sadd.s32 @!p1 $0xFFFFF880, s3;
	s22 =	simm.s32 @!p1 $0x15178  }
0xf0: {  	[tilespmem:s22], [sflag:$0x7] =	stream.linear.gather @!p1 [hbm4b:s11+s8], $0x1400, $0x38;
	[tilespmem:$0x1A3F8] =	vst v63  }
0xf1: {  	s11 =	sadd.s32 @!p1 $0x1E, s2;
	s22 =	simm.s32 @!p1 $0x1A1F8  }
0xf2: {  	[tilespmem:s22], [sflag:$0xC] =	stream.linear.gather @!p1 [hbm4b:s11+s8], $0x28, $0x38;
	[tilespmem:$0x1A3F8] =	vst v63  }
0xf3: {  	_ =	swait.ge [sflag:s14], $0x1400  }
0xf4: {  	[sflag:s14] =	ssyncset.done $0x0  }
0xf5: {  	s22 =	simm.s32 $0x17;
	[sflag:s14] =	ssyncadd.s32 $0xFFFFEC00  }
0xf6: {  	_ =	swait.ge [sflag:s22], $0x28  }
0xf7: {  	[sflag:s22] =	ssyncset.done $0x0  }
0xf8: {  	s11 =	simm.s32 @p1 $0x13;
	[sflag:s22] =	ssyncadd.s32 $0xFFFFFFD8  }
0xf9: {  	_ =	swait.ge @p1 [sflag:s11], $0x1400  }
0xfa: {  	[sflag:s11] =	ssyncset.done @p1 $0x0  }
0xfb: {  	[sflag:s11] =	ssyncadd.s32 @p1 $0xFFFFEC00;
	s11 =	simm.s32 @p1 $0x18  }
0xfc: {  	_ =	swait.ge @p1 [sflag:s11], $0x28  }
0xfd: {  	[sflag:s11] =	ssyncset.done @p1 $0x0  }
0xfe: {  	s22 =	simm.s32 @!p1 $0x13BF8;
	[sflag:s11] =	ssyncadd.s32 @p1 $0xFFFFFFD8;
	s11 =	sadd.s32 @!p1 $0x23, s10  }
0xff: {  	[tilespmem:s22], [sflag:$0x3] =	stream.linear.gather @!p1 [hbm4b:s11+s8], $0x28, $0x38;
	[tilespmem:$0x1A3F8] =	vst v63  }
0x100: {  	s11 =	sadd.s32 @!p1 $0xFFFFFB00, s3;
	s22 =	simm.s32 @!p1 $0x16578  }
0x101: {  	[tilespmem:s22], [sflag:$0x8] =	stream.linear.gather @!p1 [hbm4b:s11+s8], $0x1400, $0x38;
	[tilespmem:$0x1A3F8] =	vst v63  }
0x102: {  	s11 =	sadd.s32 @!p1 $0x23, s2;
	s22 =	simm.s32 @!p1 $0x1A278  }
0x103: {  	[tilespmem:s22], [sflag:$0xD] =	stream.linear.gather @!p1 [hbm4b:s11+s8], $0x28, $0x38;
	[tilespmem:$0x1A3F8] =	vst v63  }
0x104: {  	s11 =	simm.s32 @!p1 $0x13  }
0x105: {  	_ =	swait.ge @!p1 [sflag:s11], $0x1400  }
0x106: {  	[sflag:s11] =	ssyncset.done @!p1 $0x0  }
0x107: {  	[sflag:s11] =	ssyncadd.s32 @!p1 $0xFFFFEC00;
	s11 =	simm.s32 @!p1 $0x18  }
0x108: {  	_ =	swait.ge @!p1 [sflag:s11], $0x28  }
0x109: {  	[sflag:s11] =	ssyncset.done @!p1 $0x0  }
0x10a: {  	s10 =	sadd.s32 @!p1 $0x28, s10;
	[sflag:s11] =	ssyncadd.s32 @!p1 $0xFFFFFFD8;
	s11 =	simm.s32 @!p1 $0x13C78  }
0x10b: {  	[tilespmem:s11], [sflag:$0x4] =	stream.linear.gather @!p1 [hbm4b:s10+s8], $0x28, $0x38;
	[tilespmem:$0x1A3F8] =	vst v63  }
0x10c: {  	s10 =	sadd.s32 @!p1 $0xFFFFFD80, s3;
	s11 =	simm.s32 @!p1 $0x17978  }
0x10d: {  	[tilespmem:s11], [sflag:$0x9] =	stream.linear.gather @!p1 [hbm4b:s10+s8], $0x1400, $0x38;
	[tilespmem:$0x1A3F8] =	vst v63  }
0x10e: {  	s2 =	sadd.s32 @!p1 $0x28, s2;
	s10 =	simm.s32 @!p1 $0x1A2F8  }
0x10f: {  	[tilespmem:s10], [sflag:$0xE] =	stream.linear.gather @!p1 [hbm4b:s2+s8], $0x28, $0x38;
	[tilespmem:$0x1A3F8] =	vst v63  }
0x110: {  	_ =	swait.ge [sflag:s6], $0x1400  }
.Ltmp3:
0x111: {  	[sflag:s6] =	ssyncset.done $0x0;
	(pc) =	sbr.rel @p1 .LBB2_5-.Ltmp3, $4  }
0x112: {  	s22 =	simm.s32 $0x19;
	[sflag:s6] =	ssyncadd.s32 $0xFFFFEC00  }
0x113: {  	_ =	swait.ge [sflag:s22], $0x28  }
0x114: {  	s5 =	simm.s32 $0x13C78;
	[sflag:s22] =	ssyncset.done $0x0  }
0x115: {  	s11 =	smov.u32 s15;
	s15 =	simm.s32 $0x13AF8;
	[sflag:s22] =	ssyncadd.s32 $0xFFFFFFD8  }
0x116: {  	s2 =	sadd.s32 s30, s11  }
0x117: {  	s2 =	sadd.s32 $0x2D, s2  }
0x118: {  	[tilespmem:s20], [sflag:$0x5] =	stream.linear.gather [hbm4b:s2+s1], $0x28, $0x38;
	[tilespmem:$0x1A3F8] =	vst v63  }
.Ltmp4:
0x119: {  	s10 =	simm.s32 $0x18D78;
	(pc) =	sbr.rel .LBB2_3-.Ltmp4, $4  }
0x11a: {  	s22 =	sadd.s32 s30, s25;
	s30 =	sadd.s32 $0x19, s30;
	s8 =	simm.s32 $0x13D78  }
0x11b: {  	[tilespmem:s10], [sflag:$0xA] =	stream.linear.gather [hbm4b:s3+s1], $0x1400, $0x38;
	[tilespmem:$0x1A3F8] =	vst v63  }
0x11c: {  	s2 =	sadd.s32 $0x2D, s22;
	s3 =	sadd.s32 $0xC80, s3;
	s10 =	simm.s32 $0x16578  }
0x11d: {  	[tilespmem:s31], [sflag:$0xF] =	stream.linear.gather [hbm4b:s2+s1], $0x28, $0x38;
	[tilespmem:$0x1A3F8] =	vst v63  }
.LBB2_5:
0x11e: {  	s2 =	sld [smem:$0x7F6];
	_ =	sdelay $0x2  }
0x11f: {  	p1 =	seq.s32 s2, $0x1  }
.Ltmp5:
0x120: {  	_ = 	snop;
	(pc) =	sbr.rel @!p1 .LBB2_10-.Ltmp5, $3  }
0x121: {  	_ =	sdelay $0x1  }
0x122: {  	s30 =	sld [smem:$0x7FD]  }
0x123: {  	s25 =	stileid.u32;
	s22 =	sld [smem:$0x7F1]  }
0x124: {  	s2 =	rddreg [dreg:$0x6]  }
0x125: {  	s3 =	simm.s32 $0x0;
	s10 =	rddreg [dreg:$0x11]  }
0x126: {  	[tilespmem:s15], [sflag:$0x1] =	stream.linear.gather [hbm4b:s2+s3], $0x28, $0x38;
	[tilespmem:$0x1A3F8] =	vst v63  }
0x127: {  	s8 =	simm.s32 $0x13D78;
	s22 =	rddreg [dreg:$0x9]  }
0x128: {  	[tilespmem:s8], [sflag:$0x6] =	stream.linear.gather [hbm4b:s10+s3], $0x1400, $0x38;
	[tilespmem:$0x1A3F8] =	vst v63  }
0x129: {  	s25 =	rddreg [dreg:$0x12]  }
0x12a: {  	[tilespmem:s19], [sflag:$0x2] =	stream.linear.gather [hbm4b:s22+s3], $0x28, $0x38;
	[tilespmem:$0x1A3F8] =	vst v63  }
0x12b: {  	s26 =	rddreg [dreg:$0xc];
	s22 =	simm.s32 $0x15178  }
0x12c: {  	[tilespmem:s22], [sflag:$0x7] =	stream.linear.gather [hbm4b:s25+s3], $0x1400, $0x38;
	[tilespmem:$0x1A3F8] =	vst v63  }
0x12d: {  	s5 =	rddreg [dreg:$0x13]  }
0x12e: {  	[tilespmem:s12], [sflag:$0x3] =	stream.linear.gather [hbm4b:s26+s3], $0x28, $0x38;
	[tilespmem:$0x1A3F8] =	vst v63  }
0x12f: {  	s30 =	sld [smem:$0x7FC];
	s25 =	simm.s32 $0x16578  }
0x130: {  	[tilespmem:s25], [sflag:$0x8] =	stream.linear.gather [hbm4b:s5+s3], $0x1400, $0x38;
	[tilespmem:$0x1A3F8] =	vst v63  }
0x131: {  	s26 =	rddreg [dreg:$0x16];
	s5 =	simm.s32 $0x13C78  }
0x132: {  	[tilespmem:s5], [sflag:$0x4] =	stream.linear.gather [hbm4b:s26+s3], $0x28, $0x38;
	[tilespmem:$0x1A3F8] =	vst v63  }
0x133: {  	s26 =	rddreg [dreg:$0x14]  }
0x134: {  	[tilespmem:s29], [sflag:$0x9] =	stream.linear.gather [hbm4b:s26+s3], $0x1400, $0x38;
	[tilespmem:$0x1A3F8] =	vst v63  }
0x135: {  	s31 =	simm.s32 $0x13CF8;
	s26 =	rddreg [dreg:$0x18]  }
0x136: {  	[tilespmem:s20], [sflag:$0x5] =	stream.linear.gather [hbm4b:s26+s3], $0x28, $0x38;
	[tilespmem:$0x1A3F8] =	vst v63  }
0x137: {  	s2 =	simm.s32 $0x18D78;
	s20 =	rddreg [dreg:$0x15];
	s26 =	simm.s32 $0x18D78  }
0x138: {  	[tilespmem:s26], [sflag:$0xA] =	stream.linear.gather [hbm4b:s20+s3], $0x1400, $0x38;
	[tilespmem:$0x1A3F8] =	vst v63  }
.LBB2_7:
0x139: {  	s20 =	simm.s32 $0x1  }
0x13a: {  	_ =	swait.ge [sflag:s20], $0x28  }
0x13b: {  	[sflag:s20] =	ssyncset.done $0x0  }
0x13c: {  	[sflag:s20] =	ssyncadd.s32 $0xFFFFFFD8  }
0x13d: {  	_ =	swait.ge [sflag:s23], $0x1400  }
0x13e: {  	[sflag:s23] =	ssyncset.done $0x0  }
0x13f: {  	[sflag:s23] =	ssyncadd.s32 $0xFFFFEC00  }
0x140: {  	[spmem:s24] =	stream.indirect.scatter.add.f32 [tilespmem:s8], [sflag:$0x10], $0x80, s15, s4, $0xb8;
	[tilespmem:$0x1A3F8] =	vst v63  }
0x141: {  	_ =	swait.ge [sflag:s7], $0x28  }
0x142: {  	[sflag:s7] =	ssyncset.done $0x0  }
0x143: {  	[sflag:s7] =	ssyncadd.s32 $0xFFFFFFD8  }
0x144: {  	_ =	swait.ge [sflag:s9], $0x1400  }
0x145: {  	[sflag:s9] =	ssyncset.done $0x0  }
0x146: {  	[sflag:s9] =	ssyncadd.s32 $0xFFFFEC00  }
0x147: {  	[spmem:s24] =	stream.indirect.scatter.add.f32 [tilespmem:s22], [sflag:$0x11], $0x80, s19, s4, $0xb8;
	[tilespmem:$0x1A3F8] =	vst v63  }
0x148: {  	_ =	swait.ge [sflag:s0], $0x28  }
0x149: {  	[sflag:s0] =	ssyncset.done $0x0  }
0x14a: {  	[sflag:s0] =	ssyncadd.s32 $0xFFFFFFD8  }
0x14b: {  	_ =	swait.ge [sflag:s28], $0x1400  }
0x14c: {  	[sflag:s28] =	ssyncset.done $0x0  }
0x14d: {  	[sflag:s28] =	ssyncadd.s32 $0xFFFFEC00  }
0x14e: {  	[spmem:s24] =	stream.indirect.scatter.add.f32 [tilespmem:s25], [sflag:$0x12], $0x80, s12, s4, $0xb8;
	[tilespmem:$0x1A3F8] =	vst v63  }
0x14f: {  	_ =	swait.ge [sflag:s17], $0x28  }
0x150: {  	[sflag:s17] =	ssyncset.done $0x0  }
0x151: {  	[sflag:s17] =	ssyncadd.s32 $0xFFFFFFD8  }
0x152: {  	_ =	swait.ge [sflag:s21], $0x1400  }
0x153: {  	[sflag:s21] =	ssyncset.done $0x0  }
0x154: {  	[sflag:s21] =	ssyncadd.s32 $0xFFFFEC00  }
0x155: {  	[spmem:s24] =	stream.indirect.scatter.add.f32 [tilespmem:s29], [sflag:$0x13], $0x80, s5, s4, $0xb8;
	[tilespmem:$0x1A3F8] =	vst v63  }
0x156: {  	_ =	swait.ge [sflag:s18], $0x28  }
0x157: {  	[sflag:s18] =	ssyncset.done $0x0  }
0x158: {  	[sflag:s18] =	ssyncadd.s32 $0xFFFFFFD8  }
0x159: {  	_ =	swait.ge [sflag:s13], $0x1400  }
0x15a: {  	p1 =	seq.s32 s3, $0x4D580;
	s26 =	simm.s32 $0x17978;
	[sflag:s13] =	ssyncset.done $0x0  }
.Ltmp6:
0x15b: {  	s20 =	simm.s32 $0x18D78;
	[sflag:s13] =	ssyncadd.s32 $0xFFFFEC00;
	(pc) =	sbr.rel @p1 .LBB2_9-.Ltmp6, $4  }
0x15c: {  	[spmem:s24] =	stream.indirect.scatter.add.f32 [tilespmem:s2], [sflag:$0x14], $0x80, s31, s4, $0xb8;
	[tilespmem:$0x1A3F8] =	vst v63  }
0x15d: {  	s19 =	simm.s32 $0x16578;
	s22 =	simm.s32 $0x13D78;
	_ =	swait.ge [sflag:s16], $0x1400  }
0x15e: {  	s12 =	simm.s32 $0x13B78;
	s25 =	simm.s32 $0x15178;
	[sflag:s16] =	ssyncset.done $0x0  }
0x15f: {  	s29 =	simm.s32 $0x13C78;
	s5 =	simm.s32 $0x13BF8;
	[sflag:s16] =	ssyncadd.s32 $0xFFFFEC00  }
0x160: {  	s2 =	sadd.s32 $0xFFFFFFEC, s30  }
0x161: {  	[tilespmem:s15], [sflag:$0x1] =	stream.linear.gather [hbm4b:s2+s1], $0x28, $0x38;
	[tilespmem:$0x1A3F8] =	vst v63  }
0x162: {  	s2 =	sadd.s32 s3, s10  }
0x163: {  	s8 =	sadd.s32 $0xC80, s2  }
0x164: {  	[tilespmem:s22], [sflag:$0x6] =	stream.linear.gather [hbm4b:s8+s1], $0x1400, $0x38;
	[tilespmem:$0x1A3F8] =	vst v63  }
0x165: {  	s22 =	simm.s32 $0x11  }
0x166: {  	_ =	swait.ge [sflag:s22], $0x1400  }
0x167: {  	[sflag:s22] =	ssyncset.done $0x0  }
0x168: {  	[sflag:s22] =	ssyncadd.s32 $0xFFFFEC00;
	s22 =	sadd.s32 $0xFFFFFFF1, s30  }
0x169: {  	[tilespmem:s12], [sflag:$0x2] =	stream.linear.gather [hbm4b:s22+s1], $0x28, $0x38;
	[tilespmem:$0x1A3F8] =	vst v63  }
0x16a: {  	s22 =	sadd.s32 $0xF00, s2  }
0x16b: {  	[tilespmem:s25], [sflag:$0x7] =	stream.linear.gather [hbm4b:s22+s1], $0x1400, $0x38;
	[tilespmem:$0x1A3F8] =	vst v63  }
0x16c: {  	_ =	swait.ge [sflag:s14], $0x1400  }
0x16d: {  	[sflag:s14] =	ssyncset.done $0x0  }
0x16e: {  	s25 =	sadd.s32 $0xFFFFFFF6, s30;
	[sflag:s14] =	ssyncadd.s32 $0xFFFFEC00  }
0x16f: {  	[tilespmem:s5], [sflag:$0x3] =	stream.linear.gather [hbm4b:s25+s1], $0x28, $0x38;
	[tilespmem:$0x1A3F8] =	vst v63  }
0x170: {  	s12 =	sadd.s32 $0x1180, s2  }
0x171: {  	[tilespmem:s19], [sflag:$0x8] =	stream.linear.gather [hbm4b:s12+s1], $0x1400, $0x38;
	[tilespmem:$0x1A3F8] =	vst v63  }
0x172: {  	s19 =	simm.s32 $0x13  }
0x173: {  	_ =	swait.ge [sflag:s19], $0x1400  }
0x174: {  	[sflag:s19] =	ssyncset.done $0x0  }
0x175: {  	s22 =	sadd.s32 $0xFFFFFFFB, s30;
	[sflag:s19] =	ssyncadd.s32 $0xFFFFEC00  }
0x176: {  	[tilespmem:s29], [sflag:$0x4] =	stream.linear.gather [hbm4b:s22+s1], $0x28, $0x38;
	[tilespmem:$0x1A3F8] =	vst v63  }
0x177: {  	s25 =	sadd.s32 $0x1400, s2  }
0x178: {  	[tilespmem:s26], [sflag:$0x9] =	stream.linear.gather [hbm4b:s25+s1], $0x1400, $0x38;
	[tilespmem:$0x1A3F8] =	vst v63  }
0x179: {  	s3 =	sadd.s32 $0xC80, s3;
	s8 =	simm.s32 $0x13D78;
	_ =	swait.ge [sflag:s6], $0x1400  }
0x17a: {  	s2 =	sadd.s32 $0x1680, s2;
	s5 =	simm.s32 $0x13C78;
	[sflag:s6] =	ssyncset.done $0x0  }
.Ltmp7:
0x17b: {  	s12 =	simm.s32 $0x13BF8;
	[sflag:s6] =	ssyncadd.s32 $0xFFFFEC00;
	(pc) =	sbr.rel .LBB2_7-.Ltmp7, $4  }
0x17c: {  	[tilespmem:s31], [sflag:$0x5] =	stream.linear.gather [hbm4b:s30+s1], $0x28, $0x38;
	[tilespmem:$0x1A3F8] =	vst v63  }
0x17d: {  	s19 =	simm.s32 $0x13B78;
	s22 =	simm.s32 $0x15178;
	s29 =	simm.s32 $0x17978  }
0x17e: {  	[tilespmem:s20], [sflag:$0xA] =	stream.linear.gather [hbm4b:s2+s1], $0x1400, $0x38;
	[tilespmem:$0x1A3F8] =	vst v63  }
0x17f: {  	s25 =	simm.s32 $0x16578;
	s30 =	sadd.s32 $0x19, s30;
	s2 =	simm.s32 $0x18D78  }
.LBB2_11:
0x180: {  	_ =	sfence.sel $0x180000  }
0x181: {  	[bflag:$0x0] =	sbarrier.arrive $0xFFFF  }
0x182: {  	_ =	strace $0x9000004A  }
0x183: {  	[bflag:$0x2] =	sbarrier.arrive $0xFFFF  }
0x184: {  	p0 =	sne.s32 s25, $0x0;
	s0 =	rddreg [dreg:$0x5]  }
0x185: {  	s0 =	sadd.s32 @!p0 $0x100000, s0  }
0x186: {  	[sflag:s0] =	ssyncadd.tile.s32 @!p0 $0x1;
	_ =	shalt  }
.Lfunc_end2:
_tile_overlayer_lowered:
.L_overlay_start_2:
0x187: {  	(tag) =	ssettag $0x2  }
0x188: {  	s0 =	rddreg [dreg:$0x0];
	s2 =	stileid.u32  }
0x189: {  	s1 =	rddreg [dreg:$0x1];
	p0 =	sne.s32 s2, $0x0  }
0x18a: {  	s3 =	rddreg [dreg:$0x2];
	[bflag:$0x3] =	sbarrier.arrive $0xFFFF;
	s2 =	simm.s32 @!p0 $0x1C1A  }
0x18b: {  	[timem:s3], [sflag:s2] =	dma.local @!p0 [hbm:s0], s1  }
0x18c: {  	s0 =	simm.s32 @!p0 $0x1A  }
0x18d: {  	_ =	swait.ge @!p0 [sflag:s0], s1  }
0x18e: {  	s1 =	ssub.s32 @!p0 $0x0, s1;
	[sflag:s0] =	ssyncset.done @!p0 $0x0  }
0x18f: {  	[sflag:s0] =	ssyncadd.s32 @!p0 s1  }
0x190: {  	[bflag:$0x3] =	sbarrier.arrive $0xFFFF  }
0x191: {  	_ =	shalt  }

// kernel: kernel.7.cloned.1.call-start
scs
__scs_entry_jumppad:
0x0: {  	(pc) =	sbr.rel $0x88, $3  }
0x1: {  	(tag) =	ssettag $0x0;
	lr =	simm.s32 $0x1  }
0x2: {  	[smem:$0x3F8C] =	sst lr;
	_ =	strace $0xD0000000  }
0x3: {  	_ = 	snop  }
0x4: {  	_ = 	snop  }
0x5: {  	_ = 	snop  }
0x6: {  	_ = 	snop  }
0x7: {  	_ = 	snop  }
__scs_overlays_trampoline_lowered:
0x8: {  	[smem:$0x3F9B] =	sst s0  }
0x9: {  	[smem:$0x3F9C] =	sst s1  }
0xa: {  	[smem:$0x3F9D] =	sst s2  }
0xb: {  	[smem:$0x3F9E] =	sst s3  }
0xc: {  	[smem:$0x3F9F] =	sst s4  }
0xd: {  	[smem:$0x3FA0] =	sst s5  }
0xe: {  	[smem:$0x3FA1] =	sst s6  }
0xf: {  	[smem:$0x3FA2] =	sst s7  }
0x10: {  	[smem:$0x3FA3] =	sst s8  }
0x11: {  	[smem:$0x3FA4] =	sst s9;
	s0 =	simm.s32 @!p0 $0x0  }
0x12: {  	s1 =	sld [smem:$0x3F8A];
	s0 =	simm.s32 @p0 $0x1  }
0x13: {  	[smem:$0x3FA5] =	sst s0;
	s0 =	simm.s32 @!p1 $0x0  }
0x14: {  	s2 =	sld [smem:$0x3F89];
	s0 =	simm.s32 @p1 $0x1  }
0x15: {  	[smem:$0x3FA6] =	sst s0;
	s0 =	simm.s32 @!p2 $0x0  }
0x16: {  	s3 =	sld [smem:$0x3FDB];
	s0 =	simm.s32 @p2 $0x1  }
0x17: {  	s4 =	simm.s32 $0x1BF5;
	[smem:$0x3FA8] =	sst s0  }
0x18: {  	s0 =	sld [smem:$0x3F8B];
	_ =	swait.ge [sflag:s4], $0x0  }
0x19: {  	s7 =	sld [smem:$0x3F8C]  }
0x1a: {  	s8 =	sadd.s32 $0xFFFFE003, lr  }
0x1b: {  	s9 =	sadd.s32 $0xFFFFFEF7, lr;
	s5 =	simm.s32 $0xFFFFFFFF;
	p2 =	slt.u32 s8, $0xFFFFF086  }
0x1c: {  	p1 =	slt.u32 s9, $0xF7A;
	s5 =	simm.s32 @!p2 $0x0  }
0x1d: {  	s5 =	simm.s32 @p1 $0x1;
	p0 =	seq.s32 s7, s2  }
0x1e: {  	s7 =	smul.u32 @!p0 $0xF7A, s2;
	p2 =	seq.s32 @!p0 s5, $0x0  }
0x1f: {  	s9 =	smul.u32 $0xF7A, s1;
	s8 =	simm.s32 @!p0 $0x1BF5;
	p2 =	por !p2, p0  }
0x20: {  	[sflag:s8] =	ssyncset.s32 @!p0 $0xFFFFF086;
	s6 =	sadd.s32 @!p0 s3, s7;
	s7 =	simm.s32 @!p0 $0x108  }
0x21: {  	s3 =	sadd.s32 s3, s9;
	s6 =	sadd.s32 @!p0 $0x88, s6;
	s7 =	simm.s32 @p2 $0x1082  }
0x22: {  	[simem:s7], [sflag:s8] =	dma.local @!p0 [hbm:s6], $0xF7A  }
0x23: {  	s9 =	sor.u32 $0xD0000000, s2;
	s6 =	simm.s32 $0x108;
	_ =	swait.ge @!p0 [sflag:s8], $0x0  }
0x24: {  	s3 =	sadd.s32 $0x88, s3;
	s6 =	simm.s32 @!p1 $0x1082;
	[sflag:s4] =	ssyncset.s32 $0xFFFFF086  }
0x25: {  	[simem:s6], [sflag:s4] =	dma.local [hbm:s3], $0xF7A  }
0x26: {  	[smem:$0x3F8C] =	sst s1;
	(tag) =	ssettag s2;
	_ =	strace s9  }
0x27: {  	s1 =	sld [smem:$0x3F9C]  }
0x28: {  	s2 =	sld [smem:$0x3F9D]  }
0x29: {  	s4 =	sld [smem:$0x3F9F]  }
0x2a: {  	p0 =	seq.s32 s5, $0x0;
	s5 =	sld [smem:$0x3FA0]  }
0x2b: {  	s6 =	sld [smem:$0x3FA1]  }
0x2c: {  	s7 =	sld [smem:$0x3FA2]  }
0x2d: {  	s3 =	simm.s32 $0x108;
	s8 =	sld [smem:$0x3FA3]  }
0x2e: {  	s3 =	simm.s32 @!p0 $0x1082;
	s9 =	sld [smem:$0x3FA4]  }
0x2f: {  	lr =	sadd.s32 s0, s3;
	s0 =	sld [smem:$0x3F9B]  }
0x30: {  	s3 =	sld [smem:$0x3F9E]  }
0x31: {  	[smem:$0x3FA7] =	sst s10  }
0x32: {  	s10 =	sld [smem:$0x3FA5];
	_ =	sdelay $0x3  }
0x33: {  	p0 =	seq.s32 s10, $0x1;
	s10 =	sld [smem:$0x3FA7];
	_ =	sdelay $0x3  }
0x34: {  	[smem:$0x3FA7] =	sst s10  }
0x35: {  	s10 =	sld [smem:$0x3FA6];
	_ =	sdelay $0x3  }
0x36: {  	p1 =	seq.s32 s10, $0x1;
	s10 =	sld [smem:$0x3FA7];
	_ =	sdelay $0x3  }
0x37: {  	[smem:$0x3FA7] =	sst s10  }
0x38: {  	s10 =	sld [smem:$0x3FA8]  }
0x39: {  	_ = 	snop;
	(pc) =	sbr.ind lr, $3  }
0x3a: {  	_ = 	snop  }
0x3b: {  	_ = 	snop  }
0x3c: {  	p2 =	seq.s32 s10, $0x1;
	s10 =	sld [smem:$0x3FA7]  }
0x3d: {  	_ =	shalt  }
0x3e: {  	_ =	shalt  }
0x3f: {  	_ =	shalt  }
0x40: {  	_ =	shalt  }
0x41: {  	_ =	shalt  }
0x42: {  	_ =	shalt  }
0x43: {  	_ =	shalt  }
0x44: {  	_ =	shalt  }
0x45: {  	_ =	shalt  }
0x46: {  	_ =	shalt  }
0x47: {  	_ =	shalt  }
0x48: {  	_ =	shalt  }
0x49: {  	_ =	shalt  }
0x4a: {  	_ =	shalt  }
0x4b: {  	_ =	shalt  }
0x4c: {  	_ =	shalt  }
0x4d: {  	_ =	shalt  }
0x4e: {  	_ =	shalt  }
0x4f: {  	_ =	shalt  }
0x50: {  	_ =	shalt  }
0x51: {  	_ =	shalt  }
0x52: {  	_ =	shalt  }
0x53: {  	_ =	shalt  }
0x54: {  	_ =	shalt  }
0x55: {  	_ =	shalt  }
0x56: {  	_ =	shalt  }
0x57: {  	_ =	shalt  }
0x58: {  	_ =	shalt  }
0x59: {  	_ =	shalt  }
0x5a: {  	_ =	shalt  }
0x5b: {  	_ =	shalt  }
0x5c: {  	_ =	shalt  }
0x5d: {  	_ =	shalt  }
0x5e: {  	_ =	shalt  }
0x5f: {  	_ =	shalt  }
0x60: {  	_ =	shalt  }
0x61: {  	_ =	shalt  }
0x62: {  	_ =	shalt  }
0x63: {  	_ =	shalt  }
0x64: {  	_ =	shalt  }
0x65: {  	_ =	shalt  }
0x66: {  	_ =	shalt  }
0x67: {  	_ =	shalt  }
0x68: {  	_ =	shalt  }
0x69: {  	_ =	shalt  }
0x6a: {  	_ =	shalt  }
0x6b: {  	_ =	shalt  }
0x6c: {  	_ =	shalt  }
0x6d: {  	_ =	shalt  }
0x6e: {  	_ =	shalt  }
0x6f: {  	_ =	shalt  }
0x70: {  	_ =	shalt  }
0x71: {  	_ =	shalt  }
0x72: {  	_ =	shalt  }
0x73: {  	_ =	shalt  }
0x74: {  	_ =	shalt  }
0x75: {  	_ =	shalt  }
0x76: {  	_ =	shalt  }
0x77: {  	_ =	shalt  }
0x78: {  	_ =	shalt  }
0x79: {  	_ =	shalt  }
0x7a: {  	_ =	shalt  }
0x7b: {  	_ =	shalt  }
0x7c: {  	_ =	shalt  }
0x7d: {  	_ =	shalt  }
0x7e: {  	_ =	shalt  }
0x7f: {  	_ =	shalt  }
0x80: {  	_ =	shalt  }
0x81: {  	_ =	shalt  }
0x82: {  	_ =	shalt  }
0x83: {  	_ =	shalt  }
0x84: {  	_ =	shalt  }
0x85: {  	_ =	shalt  }
0x86: {  	_ =	shalt  }
0x87: {  	_ =	shalt  }
.Lfunc_end0:
.L_simem_size_0:
called_computation_lowered:
.L_overlay_start_0:
0x88: {  	s2 =	sld [smem:$0x3FD9]  }
0x89: {  	s3 =	sld [smem:$0x3FFE];
	_ =	sdelay $0x1  }
0x8a: {  	s1 =	srdreg.scid  }
0x8b: {  	s0 =	sand.u32 $0x1, s1  }
0x8c: {  	s14 =	sshll.u32 s0, $0xA;
	s2 =	sadd.s32 s3, s2  }
0x8d: {  	s2 =	sadd.s32 s2, s14  }
0x8e: {  	[smem:$0x3FB3] =	sst s2  }
0x8f: {  	_ = 	snop  }
0x90: {  	s2 =	sld [smem:$0x3FD0];
	_ =	sdelay $0x2  }
0x91: {  	s15 =	simm.s32 $0xA;
	s4 =	simm.s32 $0x10  }
0x92: {  	[smem:s4], [sflag:s15] =	dma.local [hbm:s2], $0x1  }
0x93: {  	_ =	swait.eq [sflag:s15], $0x1  }
0x94: {  	[sflag:s15] =	ssyncset.done $0x0  }
0x95: {  	s16 =	sld [smem:$0x10];
	[sflag:s15] =	ssyncadd.s32 $0xFFFFFFFF  }
0x96: {  	s17 =	sld [smem:$0x11];
	(tm) =	ssettm $0x1  }
0x97: {  	s18 =	sld [smem:$0x3FFB];
	_ =	sdelay $0x3  }
0x98: {  	_ =	strace s18  }
0x99: {  	s4 =	sld [smem:$0x3FFC];
	_ =	sdelay $0x3  }
0x9a: {  	_ =	strace s4  }
0x9b: {  	s4 =	sld [smem:$0x3FFD];
	_ =	sdelay $0x3  }
0x9c: {  	_ =	strace s4  }
0x9d: {  	_ =	strace $0x8FFFFFFF  }
0x9e: {  	s19 =	sld [smem:$0x3FDB];
	_ =	sdelay $0x1  }
0x9f: {  	s5 =	simm.s32 $_scs_section_size  }
0xa0: {  	s6 =	simm.s32 $_size__tile_overlayer_lowered;
	s7 =	simm.s32 $_tile_overlayer_lowered  }
0xa1: {  	s22 =	simm.s32 $0x1BFF;
	s21 =	sshll.u32 s7, $0x1;
	s4 =	sadd.s32 s5, s19  }
0xa2: {  	s8 =	simm.s32 $0x0;
	s20 =	sshll.u32 s6, $0x1;
	s6 =	sadd.s32 s21, s4  }
0xa3: {  	[timem:s8], [sflag:s22] =	dma.local [hbm:s6], s20  }
0xa4: {  	_ =	swait.ge [sflag:s22], s20  }
0xa5: {  	s5 =	ssub.s32 $0x0, s20;
	[sflag:s22] =	ssyncset.done $0x0  }
0xa6: {  	[sflag:s22] =	ssyncadd.s32 s5;
	_ =	sdelay $0x1  }
0xa7: {  	s23 =	simm.s32 $0x1B8B  }
0xa8: {  	_ =	swait.ge [sflag:s23], $0x1  }
0xa9: {  	[sflag:s23] =	ssyncset.done $0x0  }
0xaa: {  	s25 =	simm.s32 $0x1B8E;
	s24 =	sld [smem:$0x3FFE];
	[sflag:s23] =	ssyncadd.s32 $0xFFFFFFFF  }
0xab: {  	s26 =	simm.s32 $execute0_lowered;
	[smem:$0x3FD2] =	sst s25  }
0xac: {  	s6 =	sshll.u32 s26, $0x1;
	_ =	strace $0x80000046;
	[dreg:$0x1] =	wrdreg $0xFFFFFFFF  }
0xad: {  	s28 =	simm.s32 $_size_execute0_lowered;
	s4 =	sadd.s32 s4, s6;
	[dreg:$0x0] =	wrdreg $0x0  }
0xae: {  	s6 =	sshll.u32 s28, $0x1;
	[dreg:$0x2] =	wrdreg s4  }
0xaf: {  	[dreg:$0x3] =	wrdreg s6  }
0xb0: {  	[dreg:$0x4] =	wrdreg $0xC0  }
0xb1: {  	_ =	task [dreg:s8], $0x5FFFF  }
0xb2: {  	[dreg:$0x1] =	wrdreg $0xFFFFFFFF  }
0xb3: {  	[dreg:$0x0] =	wrdreg $0x60  }
0xb4: {  	[dreg:$0x2] =	wrdreg s16  }
0xb5: {  	[dreg:$0x3] =	wrdreg s17  }
0xb6: {  	[dreg:$0x4] =	wrdreg s24  }
0xb7: {  	[dreg:$0x5] =	wrdreg $0x9  }
0xb8: {  	_ =	task.clear_ibuf [dreg:s8], $0x6FFFF;
	_ =	strace $0x90000046  }
0xb9: {  	s29 =	simm.s32 $0x9;
	_ =	strace $0x80000048  }
0xba: {  	_ =	swait.ge [sflag:s29], $0x1  }
0xbb: {  	[sflag:s29] =	ssyncadd.s32 $0xFFFFFFFF  }
0xbc: {  	_ =	strace $0x90000048  }
0xbd: {  	_ =	sfence  }
0xbe: {  	s30 =	sld [smem:$0x0];
	_ =	sdelay $0x2  }
0xbf: {  	s31 =	sshll.u32 s1, $0xD;
	s1 =	sshrl.u32 s1, $0x2  }
0xc0: {  	s3 =	sand.u32 $0x4000, s31;
	s1 =	sadd.s32 s1, s30  }
0xc1: {  	s0 =	sor.u32 s3, s0;
	s1 =	sshll.u32 s1, $0x11  }
0xc2: {  	s0 =	sor.u32 s1, s0  }
0xc3: {  	s0 =	sadd.s32 $0x8F2B, s0  }
0xc4: {  	[sflag:s0] =	ssyncadd.remote.s32 $0x1  }
0xc5: {  	_ =	sfence.sel $0xFFFF  }
0xc6: {  	[dreg:$0x0] =	wrdreg $0xFFFFFFFF;
	(pc) =	sbr.abs _section_cstart, $3  }
0xc7: {  	[dreg:$0x1] =	wrdreg $0xFFFFFFFF  }
0xc8: {  	_ =	task.clear_ibuf [dreg:s8], $0x2FFFF;
	_ =	strace $0x9FFFFFFF  }
0xc9: {  	(tm) =	ssettm $0x7FFFFFFF  }
tec
execute0_lowered:
.L_overlay_start_1:
0x0: {  	(tag) =	ssettag $0x1  }
0x1: {  	s10 =	rddreg [dreg:$0x0]  }
0x2: {  	s3 =	rddreg [dreg:$0x1]  }
0x3: {  	s0 =	rddreg [dreg:$0x2]  }
0x4: {  	s7 =	stileid.u32;
	s1 =	srdreg.scid;
	s4 =	simm.s32 $0x0  }
0x5: {  	s29 =	simm.s32 $0x4;
	s31 =	simm.s32 $0x5;
	s11 =	simm.s32 $0xC  }
0x6: {  	s12 =	simm.s32 $0xD;
	s13 =	simm.s32 $0xE;
	s5 =	smul.u32 $0x4E200, s7  }
0x7: {  	s1 =	sand.u32 $0x1, s1;
	s2 =	sshll.u32 s7, $0x1;
	s7 =	smul.u32 $0x4E20, s7  }
0x8: {  	s28 =	simm.s32 $0x180;
	[smem:$0x7FF] =	sst s4;
	s9 =	smul.u32 $0x2710, s1  }
0x9: {  	s2 =	sor.u32 s1, s2;
	s6 =	ssub.s32 $0x2, s1;
	s1 =	smul.u32 $0x27100, s1  }
0xa: {  	_ =	strace $0x80000047;
	s2 =	smul.u32 $0x2710, s2;
	s8 =	sshrl.u32 s6, $0x1  }
0xb: {  	s0 =	sadd.s32 s5, s0;
	s15 =	ssub.s32 s6, s8;
	s18 =	sadd.s32 s9, s7  }
0xc: {  	s0 =	sadd.s32 s1, s0;
	s1 =	simm.s32 $0x6;
	s7 =	simm.s32 $0x8  }
0xd: {  	s8 =	simm.s32 $0x9;
	s9 =	simm.s32 $0xA;
	s2 =	sshrl.u32 s2, $0x3  }
0xe: {  	s20 =	sadd.s32 $0x2D0, s18;
	s5 =	smax.u32 s15, $0x1;
	s22 =	sadd.s32 $0x280, s18  }
0xf: {  	s24 =	sadd.s32 $0x230, s18;
	s25 =	sadd.s32 $0x1E0, s18;
	s0 =	sadd.s32 $0xDC00, s0  }
0x10: {  	s16 =	sadd.s32 s10, s2;
	[dreg:$0x9] =	wrdreg s5;
	s21 =	sshrl.u32 s20, $0x3  }
0x11: {  	s23 =	sshrl.u32 s22, $0x3;
	s30 =	sshrl.u32 s25, $0x3;
	[dreg:$0xf] =	wrdreg s0  }
0x12: {  	s20 =	simm.s32 $0x100;
	s2 =	sadd.s32 $0xA, s16;
	[dreg:$0x4] =	wrdreg s16  }
0x13: {  	s25 =	simm.s32 $0x200;
	s17 =	sadd.s32 $0x14, s16;
	[dreg:$0x5] =	wrdreg s2  }
0x14: {  	s22 =	simm.s32 $0x50;
	s19 =	sadd.s32 $0x1E, s16;
	[dreg:$0x6] =	wrdreg s17  }
0x15: {  	s0 =	simm.s32 $0x0;
	s6 =	sadd.s32 $0x28, s16;
	[dreg:$0x7] =	wrdreg s19  }
0x16: {  	s5 =	sadd.s32 s21, s10;
	s21 =	simm.s32 $0x5280;
	[dreg:$0x8] =	wrdreg s6  }
0x17: {  	[dreg:$0xa] =	wrdreg s5;
	s6 =	sshrl.u32 s24, $0x3;
	s5 =	sadd.s32 s23, s10  }
.Ltmp0:
0x18: {  	s2 =	sadd.s32 $0x190, s18;
	s19 =	simm.s32 $0x80;
	(pc) =	sbr.rel .LBB2_1-.Ltmp0, $4  }
0x19: {  	s23 =	simm.s32 $0x180;
	s24 =	simm.s32 $0x7A80;
	[dreg:$0xb] =	wrdreg s5  }
0x1a: {  	s26 =	sadd.s32 s6, s10;
	s5 =	sadd.s32 s30, s10;
	[dreg:$0xe] =	wrdreg s2  }
0x1b: {  	s6 =	simm.s32 $0x7;
	s10 =	simm.s32 $0xB;
	[dreg:$0xc] =	wrdreg s26  }
0x1c: {  	[dreg:$0xd] =	wrdreg s5;
	s5 =	simm.s32 $0xF;
	s26 =	simm.s32 $0xA280  }
.LBB2_4:
0x1d: {  	_ =	swait.ge [sflag:s11], $0x2800  }
0x1e: {  	[sflag:s11] =	ssyncset.done $0x0  }
0x1f: {  	[sflag:s11] =	ssyncadd.s32 $0xFFFFD800  }
0x20: {  	_ =	swait.ge [sflag:s12], $0x2800  }
0x21: {  	[sflag:s12] =	ssyncset.done $0x0  }
0x22: {  	[sflag:s12] =	ssyncadd.s32 $0xFFFFD800  }
0x23: {  	_ =	swait.ge [sflag:s13], $0x2800  }
0x24: {  	[sflag:s13] =	ssyncset.done $0x0  }
0x25: {  	[sflag:s13] =	ssyncadd.s32 $0xFFFFD800  }
0x26: {  	_ =	swait.ge [sflag:s5], $0x2800  }
0x27: {  	s0 =	rddreg [dreg:$0x10]  }
0x28: {  	s2 =	rddreg [dreg:$0x9];
	s0 =	sadd.s32 $0x1, s0  }
0x29: {  	p0 =	sne.s32 s0, s2  }
.Ltmp1:
0x2a: {  	_ = 	snop;
	(pc) =	sbr.rel @!p0 .LBB2_5-.Ltmp1, $3  }
0x2b: {  	_ =	sdelay $0x1  }
0x2c: {  	s19 =	simm.s32 $0x80;
	s20 =	simm.s32 $0x100;
	[sflag:s5] =	ssyncset.done $0x0  }
0x2d: {  	s23 =	simm.s32 $0x180;
	s25 =	simm.s32 $0x200;
	[sflag:s5] =	ssyncadd.s32 $0xFFFFD800  }
.LBB2_1:
0x2e: {  	[dreg:$0x10] =	wrdreg s0  }
0x2f: {  	s2 =	rddreg [dreg:$0x4]  }
0x30: {  	s16 =	rddreg [dreg:$0x5]  }
0x31: {  	s17 =	rddreg [dreg:$0x6]  }
0x32: {  	s18 =	rddreg [dreg:$0x7]  }
0x33: {  	s30 =	rddreg [dreg:$0x8]  }
0x34: {  	s15 =	rddreg [dreg:$0xe]  }
0x35: {  	[tilespmem:s4], [sflag:$0x1] =	stream.linear.gather [hbm4b:s2+s4], $0x50, $0x38;
	[tilespmem:$0xCA80] =	vst v63  }
0x36: {  	s14 =	rddreg [dreg:$0xd]  }
0x37: {  	[tilespmem:s19], [sflag:$0x2] =	stream.linear.gather [hbm4b:s16+s4], $0x50, $0x38;
	[tilespmem:$0xCA80] =	vst v63  }
0x38: {  	s2 =	rddreg [dreg:$0xc]  }
0x39: {  	[tilespmem:s20], [sflag:$0x3] =	stream.linear.gather [hbm4b:s17+s4], $0x50, $0x38;
	[tilespmem:$0xCA80] =	vst v63  }
0x3a: {  	s16 =	rddreg [dreg:$0xb]  }
0x3b: {  	[tilespmem:s23], [sflag:$0x4] =	stream.linear.gather [hbm4b:s18+s4], $0x50, $0x38;
	[tilespmem:$0xCA80] =	vst v63  }
0x3c: {  	s17 =	rddreg [dreg:$0xa];
	s18 =	simm.s32 $0x0  }
0x3d: {  	[tilespmem:s25], [sflag:$0x5] =	stream.linear.gather [hbm4b:s30+s4], $0x50, $0x38;
	[tilespmem:$0xCA80] =	vst v63  }
.LBB2_2:
0x3e: {  	s0 =	simm.s32 $0x1  }
0x3f: {  	_ =	swait.ge [sflag:s0], $0x50  }
0x40: {  	[sflag:s0] =	ssyncset.done $0x0  }
0x41: {  	s30 =	simm.s32 $0x280;
	[sflag:s0] =	ssyncadd.s32 $0xFFFFFFB0;
	s0 =	simm.s32 $0x2  }
0x42: {  	[tilespmem:s30], [sflag:$0x6] =	stream.indirect.gather [hbm4b:s3+s22], $0x80, s4, s22, $0xb8;
	[tilespmem:$0xCA80] =	vst v63  }
0x43: {  	_ =	swait.ge [sflag:s0], $0x50  }
0x44: {  	[sflag:s0] =	ssyncset.done $0x0  }
0x45: {  	[sflag:s0] =	ssyncadd.s32 $0xFFFFFFB0;
	s0 =	simm.s32 $0x2A80  }
0x46: {  	[tilespmem:s0], [sflag:$0x7] =	stream.indirect.gather [hbm4b:s3+s22], $0x80, s19, s22, $0xb8;
	[tilespmem:$0xCA80] =	vst v63  }
0x47: {  	s19 =	simm.s32 $0x3  }
0x48: {  	_ =	swait.ge [sflag:s19], $0x50  }
0x49: {  	[sflag:s19] =	ssyncset.done $0x0  }
0x4a: {  	[sflag:s19] =	ssyncadd.s32 $0xFFFFFFB0  }
0x4b: {  	[tilespmem:s21], [sflag:$0x8] =	stream.indirect.gather [hbm4b:s3+s22], $0x80, s20, s22, $0xb8;
	[tilespmem:$0xCA80] =	vst v63  }
0x4c: {  	_ =	swait.ge [sflag:s29], $0x50  }
0x4d: {  	[sflag:s29] =	ssyncset.done $0x0  }
0x4e: {  	[sflag:s29] =	ssyncadd.s32 $0xFFFFFFB0  }
0x4f: {  	[tilespmem:s24], [sflag:$0x9] =	stream.indirect.gather [hbm4b:s3+s22], $0x80, s23, s22, $0xb8;
	[tilespmem:$0xCA80] =	vst v63  }
0x50: {  	_ =	swait.ge [sflag:s31], $0x50  }
0x51: {  	[sflag:s31] =	ssyncset.done $0x0  }
0x52: {  	[sflag:s31] =	ssyncadd.s32 $0xFFFFFFB0  }
0x53: {  	[tilespmem:s26], [sflag:$0xA] =	stream.indirect.gather [hbm4b:s3+s22], $0x80, s25, s22, $0xb8;
	[tilespmem:$0xCA80] =	vst v63  }
0x54: {  	_ =	swait.ge [sflag:s1], $0x2800  }
0x55: {  	[sflag:s1] =	ssyncset.done $0x0;
	s25 =	rddreg [dreg:$0xf]  }
0x56: {  	[sflag:s1] =	ssyncadd.s32 $0xFFFFD800;
	s19 =	sadd.s32 s18, s25  }
0x57: {  	[hbm4b:s19+s4] =	stream.linear.scatter [tilespmem:s30], [sflag:$0xB], $0x2800, $0x38;
	[tilespmem:$0xCA80] =	vst v63  }
0x58: {  	_ =	swait.ge [sflag:s6], $0x2800  }
0x59: {  	[sflag:s6] =	ssyncset.done $0x0  }
0x5a: {  	s20 =	sadd.s32 $0x500, s19;
	[sflag:s6] =	ssyncadd.s32 $0xFFFFD800  }
0x5b: {  	[hbm4b:s20+s4] =	stream.linear.scatter [tilespmem:s0], [sflag:$0xC], $0x2800, $0x38;
	[tilespmem:$0xCA80] =	vst v63  }
0x5c: {  	_ =	swait.ge [sflag:s7], $0x2800  }
0x5d: {  	[sflag:s7] =	ssyncset.done $0x0  }
0x5e: {  	s0 =	sadd.s32 $0xA00, s19;
	[sflag:s7] =	ssyncadd.s32 $0xFFFFD800  }
0x5f: {  	[hbm4b:s0+s4] =	stream.linear.scatter [tilespmem:s21], [sflag:$0xD], $0x2800, $0x38;
	[tilespmem:$0xCA80] =	vst v63  }
0x60: {  	_ =	swait.ge [sflag:s8], $0x2800  }
0x61: {  	[sflag:s8] =	ssyncset.done $0x0  }
0x62: {  	s0 =	sadd.s32 $0xF00, s19;
	[sflag:s8] =	ssyncadd.s32 $0xFFFFD800  }
0x63: {  	[hbm4b:s0+s4] =	stream.linear.scatter [tilespmem:s24], [sflag:$0xE], $0x2800, $0x38;
	[tilespmem:$0xCA80] =	vst v63  }
0x64: {  	_ =	swait.ge [sflag:s9], $0x2800  }
0x65: {  	p0 =	seq.s32 s18, $0x25800;
	[sflag:s9] =	ssyncset.done $0x0  }
.Ltmp2:
0x66: {  	s19 =	sadd.s32 $0x1400, s19;
	[sflag:s9] =	ssyncadd.s32 $0xFFFFD800;
	(pc) =	sbr.rel @p0 .LBB2_4-.Ltmp2, $4  }
0x67: {  	[hbm4b:s19+s4] =	stream.linear.scatter [tilespmem:s26], [sflag:$0xF], $0x2800, $0x38;
	[tilespmem:$0xCA80] =	vst v63  }
0x68: {  	_ =	swait.ge [sflag:s10], $0x2800  }
0x69: {  	s23 =	simm.s32 $0x80;
	[sflag:s10] =	ssyncset.done $0x0  }
0x6a: {  	s25 =	simm.s32 $0x100;
	s30 =	simm.s32 $0x200;
	[sflag:s10] =	ssyncadd.s32 $0xFFFFD800  }
0x6b: {  	s19 =	sshrl.u32 s15, $0x3;
	s20 =	rddreg [dreg:$0x0]  }
0x6c: {  	s19 =	sadd.s32 s20, s19  }
0x6d: {  	[tilespmem:s4], [sflag:$0x1] =	stream.linear.gather [hbm4b:s19+s4], $0x50, $0x38;
	[tilespmem:$0xCA80] =	vst v63  }
0x6e: {  	_ =	swait.ge [sflag:s11], $0x2800  }
0x6f: {  	[sflag:s11] =	ssyncset.done $0x0  }
0x70: {  	[sflag:s11] =	ssyncadd.s32 $0xFFFFD800  }
0x71: {  	[tilespmem:s23], [sflag:$0x2] =	stream.linear.gather [hbm4b:s14+s4], $0x50, $0x38;
	[tilespmem:$0xCA80] =	vst v63  }
0x72: {  	_ =	swait.ge [sflag:s12], $0x2800  }
0x73: {  	[sflag:s12] =	ssyncset.done $0x0  }
0x74: {  	[sflag:s12] =	ssyncadd.s32 $0xFFFFD800  }
0x75: {  	[tilespmem:s25], [sflag:$0x3] =	stream.linear.gather [hbm4b:s2+s4], $0x50, $0x38;
	[tilespmem:$0xCA80] =	vst v63  }
0x76: {  	_ =	swait.ge [sflag:s13], $0x2800  }
0x77: {  	[sflag:s13] =	ssyncset.done $0x0  }
0x78: {  	s18 =	sadd.s32 $0x1900, s18;
	s15 =	sadd.s32 $0x190, s15;
	[sflag:s13] =	ssyncadd.s32 $0xFFFFD800  }
0x79: {  	[tilespmem:s28], [sflag:$0x4] =	stream.linear.gather [hbm4b:s16+s4], $0x50, $0x38;
	[tilespmem:$0xCA80] =	vst v63  }
.Ltmp3:
0x7a: {  	s20 =	simm.s32 $0x100;
	_ =	swait.ge [sflag:s5], $0x2800;
	(pc) =	sbr.rel .LBB2_2-.Ltmp3, $4  }
0x7b: {  	s19 =	simm.s32 $0x80;
	s14 =	sadd.s32 $0x32, s14;
	[sflag:s5] =	ssyncset.done $0x0  }
0x7c: {  	s23 =	simm.s32 $0x180;
	s2 =	sadd.s32 $0x32, s2;
	[sflag:s5] =	ssyncadd.s32 $0xFFFFD800  }
0x7d: {  	[tilespmem:s30], [sflag:$0x5] =	stream.linear.gather [hbm4b:s17+s4], $0x50, $0x38;
	[tilespmem:$0xCA80] =	vst v63  }
0x7e: {  	s25 =	simm.s32 $0x200;
	s16 =	sadd.s32 $0x32, s16;
	s17 =	sadd.s32 $0x32, s17  }
.LBB2_5:
0x7f: {  	_ =	sfence.sel $0x180000  }
0x80: {  	[bflag:$0x0] =	sbarrier.arrive $0xFFFF  }
0x81: {  	_ =	strace $0x90000047  }
0x82: {  	s0 =	stileid.u32;
	[bflag:$0x2] =	sbarrier.arrive $0xFFFF  }
0x83: {  	p0 =	sne.s32 s0, $0x0;
	s0 =	rddreg [dreg:$0x3]  }
0x84: {  	s0 =	sadd.s32 @!p0 $0x100000, s0  }
0x85: {  	[sflag:s0] =	ssyncadd.tile.s32 @!p0 $0x1;
	_ =	shalt  }
.Lfunc_end2:
_tile_overlayer_lowered:
.L_overlay_start_2:
0x86: {  	(tag) =	ssettag $0x2  }
0x87: {  	s0 =	rddreg [dreg:$0x0];
	s2 =	stileid.u32  }
0x88: {  	s1 =	rddreg [dreg:$0x1];
	p0 =	sne.s32 s2, $0x0  }
0x89: {  	s3 =	rddreg [dreg:$0x2];
	[bflag:$0x3] =	sbarrier.arrive $0xFFFF;
	s2 =	simm.s32 @!p0 $0x1C10  }
0x8a: {  	[timem:s3], [sflag:s2] =	dma.local @!p0 [hbm:s0], s1  }
0x8b: {  	s0 =	simm.s32 @!p0 $0x10  }
0x8c: {  	_ =	swait.ge @!p0 [sflag:s0], s1  }
0x8d: {  	s1 =	ssub.s32 @!p0 $0x0, s1;
	[sflag:s0] =	ssyncset.done @!p0 $0x0  }
0x8e: {  	[sflag:s0] =	ssyncadd.s32 @!p0 s1  }
0x8f: {  	[bflag:$0x3] =	sbarrier.arrive $0xFFFF  }
0x90: {  	_ =	shalt  }

</sc_bundles>
